<compile_context>
chip_gen: v7x
topology: tpu7x:2x2x1
jax: 0.10.2.dev20260603
libtpu: 0.0.44.dev20260713+nightly
codegen_flags: <defaults>
</compile_context>

<pallas_src>
import functools

import jax
import jax.numpy as jnp
from jax import lax
from jax.experimental import pallas as pl
from jax.experimental.pallas import tpu as pltpu
from jax.experimental.pallas import tpu_sc as plsc

_NC, _NS = 2, 16
_NW = _NC * _NS
_RB = 64
_TCH = 5


@functools.partial(jax.jit, static_argnames=("B", "E", "L"))
def _sc_pool(idx_arr, table, *, B, E, L):
  RPW = B // _NW
  KB = RPW // _RB
  NV = E // 16
  NCH = L // _TCH

  mesh = plsc.VectorSubcoreMesh(core_axis_name="c", subcore_axis_name="s")

  @functools.partial(
      pl.kernel,
      mesh=mesh,
      out_type=jax.ShapeDtypeStruct((B, E), jnp.float32),
      scratch_types=[
          pltpu.VMEM((L, KB, _RB), jnp.int32),
          pltpu.VMEM((2, _TCH, _RB, E), jnp.float32),
          pltpu.VMEM((_RB, E), jnp.float32),
          pltpu.SemaphoreType.DMA,
          pltpu.SemaphoreType.DMA,
      ],
  )
  def pool(idx_hbm, table_hbm, out_hbm, idx_v, bufs, accum, sem0, sem1):
    wid = lax.axis_index("s") * _NC + lax.axis_index("c")
    pltpu.sync_copy(idx_hbm.at[wid, pl.ds(0, _TCH)], idx_v.at[pl.ds(0, _TCH)])
    sems = (sem0, sem1)

    nsteps = KB * NCH
    zero16 = jnp.zeros((16,), jnp.float32)

    def fire(step, par):
      k = step // NCH
      c = step % NCH
      for t in range(_TCH):
        pltpu.async_copy(table_hbm.at[idx_v.at[c * _TCH + t, k]],
                         bufs.at[par, t], sems[par])

    def drain(par):
      for t in range(_TCH):
        pltpu.make_async_copy(table_hbm.at[idx_v.at[0, 0]],
                              bufs.at[par, t], sems[par]).wait()

    def accumulate(par):
      def body(i, carry):
        for u in range(2):
          r = i * 2 + u
          for v in range(NV):
            sl = pl.ds(v * 16, 16)
            x = bufs[par, 0, r, sl]
            for t in range(1, _TCH):
              x = x + bufs[par, t, r, sl]
            plsc.addupdate(accum.at[r, sl], x)
        return carry

      lax.fori_loop(0, _RB // 2, body, 0)

    def zero_accum():
      def zbody(i, carry):
        for u in range(2):
          r = i * 2 + u
          for v in range(NV):
            accum[r, pl.ds(v * 16, 16)] = zero16
        return carry

      lax.fori_loop(0, _RB // 2, zbody, 0)

    zero_accum()
    fire(0, 0)
    pltpu.sync_copy(idx_hbm.at[wid, pl.ds(_TCH, L - _TCH)],
                    idx_v.at[pl.ds(_TCH, L - _TCH)])

    def step_pair(s2, carry):
      for par in range(2):
        step = s2 * 2 + par

        @pl.when(step + 1 < nsteps)
        def _():
          fire(step + 1, 1 - par)

        drain(par)
        accumulate(par)

        @pl.when(step % NCH == NCH - 1)
        def _():
          k = step // NCH
          base = wid * RPW + k * _RB
          pltpu.sync_copy(accum, out_hbm.at[pl.ds(base, _RB)])
          zero_accum()

      return carry

    lax.fori_loop(0, nsteps // 2, step_pair, 0)

  return pool(idx_arr, table)


def _mlp_body(sums_ref, idx_ref, w1_ref, b1_ref, w2_ref, b2_ref, out_ref):
  cnt = jnp.sum((idx_ref[...] != 0).astype(jnp.float32), axis=1, keepdims=True)
  avg = (sums_ref[...] / cnt).astype(jnp.bfloat16)
  h = jax.lax.dot_general(avg, w1_ref[...], (((1,), (0,)), ((), ())),
                          preferred_element_type=jnp.float32).astype(jnp.bfloat16)
  h = jnp.maximum(h + b1_ref[...], jnp.bfloat16(0.0))
  s = jax.lax.dot_general(h, w2_ref[...], (((1,), (0,)), ((), ())),
                          preferred_element_type=jnp.float32)
  s = s + b2_ref[...]
  s = s[:, :out_ref.shape[1]]
  m = jnp.max(s, axis=1, keepdims=True)
  e = jnp.exp(s - m)
  out_ref[...] = s - m - jnp.log(jnp.sum(e, axis=1, keepdims=True))


@functools.partial(jax.jit, static_argnames=("BM", "CO"))
def _tc_mlp(sums, word_indices, W1, b1, W2p, b2p, *, BM=2048, CO=8):
  B, E = sums.shape
  L = word_indices.shape[1]
  H = W1.shape[1]
  CP = W2p.shape[1]
  grid = (B // BM,)
  return pl.pallas_call(
      _mlp_body,
      grid=grid,
      in_specs=[
          pl.BlockSpec((BM, E), lambda i: (i, 0)),
          pl.BlockSpec((BM, L), lambda i: (i, 0)),
          pl.BlockSpec((E, H), lambda i: (0, 0)),
          pl.BlockSpec((1, H), lambda i: (0, 0)),
          pl.BlockSpec((H, CP), lambda i: (0, 0)),
          pl.BlockSpec((1, CP), lambda i: (0, 0)),
      ],
      out_specs=pl.BlockSpec((BM, CO), lambda i: (i, 0)),
      out_shape=jax.ShapeDtypeStruct((B, CO), jnp.float32),
  )(sums, word_indices, W1, b1, W2p, b2p)


def kernel(word_indices, table, W1, b1, W2, b2):
  B, L = word_indices.shape
  V, E = table.shape
  H = W1.shape[1]
  C = W2.shape[1]

  NSPLIT = 2
  BS = B // NSPLIT
  RPW = BS // _NW

  idx32 = word_indices.astype(jnp.int32)
  CP = 128
  W2p = jnp.pad(W2, ((0, 0), (0, CP - C))).astype(jnp.bfloat16)
  b2p = jnp.pad(b2, (0, CP - C), constant_values=-1e30).reshape(1, CP)
  W1b = W1.astype(jnp.bfloat16)
  b1b = b1.reshape(1, H).astype(jnp.bfloat16)

  outs = []
  for p in range(NSPLIT):
    idx_p = lax.slice_in_dim(idx32, p * BS, (p + 1) * BS, axis=0)
    idx_arr = idx_p.reshape(_NW, RPW // _RB, _RB, L).transpose(0, 3, 1, 2)
    sums = _sc_pool(idx_arr, table, B=BS, E=E, L=L)
    outs.append(_tc_mlp(sums, idx_p, W1b, b1b, W2p, b2p, BM=1024))
  return jnp.concatenate(outs, axis=0)[:, :C]

# --- scband reference (transcript-rebuilt; emitter-appended) ---
"""Pipeline reference for scband-deep-averaging-network-64330020159987 (READ-ONLY COPY).

The authoritative reference and input builder live on the scoring server;
editing this copy changes nothing except your own understanding.
"""

import jax, jax.numpy as jnp
import numpy as np

VOCAB = 100000
EMB = 128
HIDDEN = 2048
NUM_CLASSES = 5
BATCH = 16384
HIST = 20

def setup_inputs(seed: int = 0) -> dict:
    key = jax.random.key(seed)
    ks = jax.random.split(key, 6)
    word_indices = jax.random.randint(ks[0], (BATCH, HIST), 0, VOCAB, dtype=jnp.int64 if jax.config.jax_enable_x64 else jnp.int32)
    table = jax.random.normal(ks[1], (VOCAB, EMB), dtype=jnp.float32) * 0.02
    table = table.at[0].set(0.0)  # padding_idx = 0
    W1 = jax.random.normal(ks[2], (EMB, HIDDEN), dtype=jnp.float32) * (1.0 / np.sqrt(EMB))
    b1 = jnp.zeros((HIDDEN,), dtype=jnp.float32)
    W2 = jax.random.normal(ks[3], (HIDDEN, NUM_CLASSES), dtype=jnp.float32) * (1.0 / np.sqrt(HIDDEN))
    b2 = jnp.zeros((NUM_CLASSES,), dtype=jnp.float32)
    return {"word_indices": word_indices, "table": table, "W1": W1, "b1": b1, "W2": W2, "b2": b2}

def reference(word_indices, table, W1, b1, W2, b2):
    # embedding lookup (gather)
    embeddings = jnp.take(table, word_indices, axis=0)  # [B, L, E]
    # mask out padding (idx == 0), average over valid tokens
    mask = (word_indices != 0).astype(jnp.float32)[..., None]  # [B, L, 1]
    masked_embeddings = embeddings * mask
    sum_embeddings = jnp.sum(masked_embeddings, axis=1)  # [B, E]
    seq_lengths = jnp.sum(mask, axis=1)  # [B, 1]
    avg_embeddings = sum_embeddings / seq_lengths
    # MLP (dropout is identity in eval mode)
    h = jnp.maximum(avg_embeddings @ W1 + b1, 0.0)
    scores = h @ W2 + b2
    return jax.nn.log_softmax(scores, axis=1)

if __name__ == "__main__":
    import jax
    _d = setup_inputs()
    print(jax.jit(kernel)(*tuple(_d.values())))

</pallas_src>

<mosaic_0001>
#map = affine_map<(d0, d1) -> (0, 0, 0, 0)>
#map1 = affine_map<(d0, d1) -> (0, 0)>
module attributes {stable_mosaic.version = 14 : i64} {
  func.func @pool(%arg0: i32, %arg1: i32, %arg2: memref<32x20x4x64xi32, #tpu.memory_space<hbm>>, %arg3: memref<100000x128xf32, #tpu.memory_space<hbm>>, %arg4: memref<8192x128xf32, #tpu.memory_space<hbm>>, %arg5: memref<20x4x64xi32, #tpu.memory_space<vmem>>, %arg6: memref<2x5x64x128xf32, #tpu.memory_space<vmem>>, %arg7: memref<64x128xf32, #tpu.memory_space<vmem>>, %arg8: memref<!tpu.dma_semaphore, #tpu.memory_space<semaphore_mem>>, %arg9: memref<!tpu.dma_semaphore, #tpu.memory_space<semaphore_mem>>) attributes {dimension_semantics = [#tpu.dimension_semantics<core_parallel>, #tpu.dimension_semantics<subcore_parallel>], iteration_bounds = array<i64: 2, 16>, scalar_prefetch = 0 : i64, scratch_operands = 5 : i64, tpu.core_type = #tpu.core_type<sc_vector_subcore>, window_params = [{transform_indices = #map}, {transform_indices = #map1}, {transform_indices = #map1}]} {
    %mul3A = arith.constant 2 : i32
    %mul3A_0 = arith.muli %arg1, %mul3A : i32
    %add3A = arith.addi %mul3A_0, %arg0 : i32
    "tpu.region"() ({
      %run_scoped3A = tpu.sem_alloc : memref<!tpu.dma_semaphore, #tpu.memory_space<semaphore_mem>>
      %dma_start3A_82 = arith.constant 0 : i32
      %dma_start3A_83 = arith.constant 0 : i32
      %dma_start3A_84 = arith.constant 0 : i32
      %dma_start3A_85 = tpu.memref_slice %arg5[%dma_start3A_82, %dma_start3A_83, %dma_start3A_84] : memref<20x4x64xi32, #tpu.memory_space<vmem>> -> memref<5x4x64xi32, #tpu.memory_space<vmem>>
      %dma_start3A_86 = arith.constant 0 : i32
      %dma_start3A_87 = arith.constant 0 : i32
      %dma_start3A_88 = arith.constant 0 : i32
      %dma_start3A_89 = tpu.memref_slice %arg2[%add3A, %dma_start3A_86, %dma_start3A_87, %dma_start3A_88] : memref<32x20x4x64xi32, #tpu.memory_space<hbm>> -> memref<1x5x4x64xi32, #tpu.memory_space<hbm>>
      %dma_start3A_90 = tpu.memref_squeeze %dma_start3A_89 : memref<1x5x4x64xi32, #tpu.memory_space<hbm>> -> memref<5x4x64xi32, #tpu.memory_space<hbm>>
      %dma_start3A_91 = arith.constant 0 : i32
      %dma_start3A_92 = arith.constant 0 : i32
      %dma_start3A_93 = arith.constant 0 : i32
      %dma_start3A_94 = tpu.memref_slice %arg5[%dma_start3A_91, %dma_start3A_92, %dma_start3A_93] : memref<20x4x64xi32, #tpu.memory_space<vmem>> -> memref<5x4x64xi32, #tpu.memory_space<vmem>>
      %dma_start3A_95 = arith.constant 0 : i32
      %dma_start3A_96 = arith.constant 0 : i32
      %dma_start3A_97 = arith.constant 0 : i32
      %dma_start3A_98 = tpu.memref_slice %arg2[%add3A, %dma_start3A_95, %dma_start3A_96, %dma_start3A_97] : memref<32x20x4x64xi32, #tpu.memory_space<hbm>> -> memref<1x5x4x64xi32, #tpu.memory_space<hbm>>
      %dma_start3A_99 = tpu.memref_squeeze %dma_start3A_98 : memref<1x5x4x64xi32, #tpu.memory_space<hbm>> -> memref<5x4x64xi32, #tpu.memory_space<hbm>>
      tpu.enqueue_dma source(%dma_start3A_99 : memref<5x4x64xi32, #tpu.memory_space<hbm>>) target(%dma_start3A_94 : memref<5x4x64xi32, #tpu.memory_space<vmem>>) target_semaphore(%run_scoped3A : memref<!tpu.dma_semaphore, #tpu.memory_space<semaphore_mem>>)
      %dma_wait3A = arith.constant 0 : i32
      %dma_wait3A_100 = arith.constant 0 : i32
      %dma_wait3A_101 = arith.constant 0 : i32
      %dma_wait3A_102 = tpu.memref_slice %arg5[%dma_wait3A, %dma_wait3A_100, %dma_wait3A_101] : memref<20x4x64xi32, #tpu.memory_space<vmem>> -> memref<5x4x64xi32, #tpu.memory_space<vmem>>
      %dma_wait3A_103 = arith.constant 0 : i32
      %dma_wait3A_104 = arith.constant 0 : i32
      %dma_wait3A_105 = arith.constant 0 : i32
      %dma_wait3A_106 = tpu.memref_slice %arg2[%add3A, %dma_wait3A_103, %dma_wait3A_104, %dma_wait3A_105] : memref<32x20x4x64xi32, #tpu.memory_space<hbm>> -> memref<1x5x4x64xi32, #tpu.memory_space<hbm>>
      %dma_wait3A_107 = tpu.memref_squeeze %dma_wait3A_106 : memref<1x5x4x64xi32, #tpu.memory_space<hbm>> -> memref<5x4x64xi32, #tpu.memory_space<hbm>>
      %dma_wait3A_108 = arith.constant 0 : i32
      %dma_wait3A_109 = arith.constant 0 : i32
      %dma_wait3A_110 = arith.constant 0 : i32
      %dma_wait3A_111 = tpu.memref_slice %arg5[%dma_wait3A_108, %dma_wait3A_109, %dma_wait3A_110] : memref<20x4x64xi32, #tpu.memory_space<vmem>> -> memref<5x4x64xi32, #tpu.memory_space<vmem>>
      %dma_wait3A_112 = arith.constant 0 : i32
      %dma_wait3A_113 = arith.constant 0 : i32
      %dma_wait3A_114 = arith.constant 0 : i32
      %dma_wait3A_115 = tpu.memref_slice %arg2[%add3A, %dma_wait3A_112, %dma_wait3A_113, %dma_wait3A_114] : memref<32x20x4x64xi32, #tpu.memory_space<hbm>> -> memref<1x5x4x64xi32, #tpu.memory_space<hbm>>
      %dma_wait3A_116 = tpu.memref_squeeze %dma_wait3A_115 : memref<1x5x4x64xi32, #tpu.memory_space<hbm>> -> memref<5x4x64xi32, #tpu.memory_space<hbm>>
      tpu.wait_dma2 semaphore(%run_scoped3A : memref<!tpu.dma_semaphore, #tpu.memory_space<semaphore_mem>>) src(%dma_wait3A_116 : memref<5x4x64xi32, #tpu.memory_space<hbm>>) dst(%dma_wait3A_111 : memref<5x4x64xi32, #tpu.memory_space<vmem>>)
      tpu.yield
    }) : () -> ()
    %broadcast_in_dim3A = arith.constant 0.000000e+00 : f32
    %broadcast_in_dim3A_1 = vector.broadcast %broadcast_in_dim3A : f32 to vector<16xf32>
    %scan3A = arith.constant 0 : i32
    %scan3A_2 = arith.constant 0 : i32
    %scan3A_3 = arith.constant 32 : i32
    %scan3A_4 = arith.addi %scan3A_2, %scan3A_3 : i32
    %scan3A_5 = arith.constant 1 : i32
    scf.for %scan3A_82 = %scan3A_2 to %scan3A_4 step %scan3A_5  : i32 {
      %mul3A_83 = arith.constant 2 : i32
      %mul3A_84 = arith.muli %scan3A_82, %mul3A_83 : i32
      %add3A_85 = arith.constant 0 : i32
      %add3A_86 = arith.addi %mul3A_84, %add3A_85 : i32
      %swap3A = arith.index_cast %add3A_86 : i32 to index
      %swap3A_87 = arith.constant 0 : index
      %swap3A_88 = tpu.vector_load %arg7[%swap3A, %swap3A_87] {strides = array<i32>} : memref<64x128xf32, #tpu.memory_space<vmem>>, vector<1x16xf32>,
      %swap3A_89 = vector.shape_cast %swap3A_88 : vector<1x16xf32> to vector<16xf32>
      %swap3A_90 = vector.shape_cast %broadcast_in_dim3A_1 : vector<16xf32> to vector<1x16xf32>
      tpu.vector_store %arg7[%swap3A, %swap3A_87], %swap3A_90 {strides = array<i32>} : memref<64x128xf32, #tpu.memory_space<vmem>>, vector<1x16xf32>,
      %swap3A_91 = arith.index_cast %add3A_86 : i32 to index
      %swap3A_92 = arith.constant 16 : index
      %swap3A_93 = tpu.vector_load %arg7[%swap3A_91, %swap3A_92] {strides = array<i32>} : memref<64x128xf32, #tpu.memory_space<vmem>>, vector<1x16xf32>,
      %swap3A_94 = vector.shape_cast %swap3A_93 : vector<1x16xf32> to vector<16xf32>
      %swap3A_95 = vector.shape_cast %broadcast_in_dim3A_1 : vector<16xf32> to vector<1x16xf32>
      tpu.vector_store %arg7[%swap3A_91, %swap3A_92], %swap3A_95 {strides = array<i32>} : memref<64x128xf32, #tpu.memory_space<vmem>>, vector<1x16xf32>,
      %swap3A_96 = arith.index_cast %add3A_86 : i32 to index
      %swap3A_97 = arith.constant 32 : index
      %swap3A_98 = tpu.vector_load %arg7[%swap3A_96, %swap3A_97] {strides = array<i32>} : memref<64x128xf32, #tpu.memory_space<vmem>>, vector<1x16xf32>,
      %swap3A_99 = vector.shape_cast %swap3A_98 : vector<1x16xf32> to vector<16xf32>
      %swap3A_100 = vector.shape_cast %broadcast_in_dim3A_1 : vector<16xf32> to vector<1x16xf32>
      tpu.vector_store %arg7[%swap3A_96, %swap3A_97], %swap3A_100 {strides = array<i32>} : memref<64x128xf32, #tpu.memory_space<vmem>>, vector<1x16xf32>,
      %swap3A_101 = arith.index_cast %add3A_86 : i32 to index
      %swap3A_102 = arith.constant 48 : index
      %swap3A_103 = tpu.vector_load %arg7[%swap3A_101, %swap3A_102] {strides = array<i32>} : memref<64x128xf32, #tpu.memory_space<vmem>>, vector<1x16xf32>,
      %swap3A_104 = vector.shape_cast %swap3A_103 : vector<1x16xf32> to vector<16xf32>
      %swap3A_105 = vector.shape_cast %broadcast_in_dim3A_1 : vector<16xf32> to vector<1x16xf32>
      tpu.vector_store %arg7[%swap3A_101, %swap3A_102], %swap3A_105 {strides = array<i32>} : memref<64x128xf32, #tpu.memory_space<vmem>>, vector<1x16xf32>,
      %swap3A_106 = arith.index_cast %add3A_86 : i32 to index
      %swap3A_107 = arith.constant 64 : index
      %swap3A_108 = tpu.vector_load %arg7[%swap3A_106, %swap3A_107] {strides = array<i32>} : memref<64x128xf32, #tpu.memory_space<vmem>>, vector<1x16xf32>,
      %swap3A_109 = vector.shape_cast %swap3A_108 : vector<1x16xf32> to vector<16xf32>
      %swap3A_110 = vector.shape_cast %broadcast_in_dim3A_1 : vector<16xf32> to vector<1x16xf32>
      tpu.vector_store %arg7[%swap3A_106, %swap3A_107], %swap3A_110 {strides = array<i32>} : memref<64x128xf32, #tpu.memory_space<vmem>>, vector<1x16xf32>,
      %swap3A_111 = arith.index_cast %add3A_86 : i32 to index
      %swap3A_112 = arith.constant 80 : index
      %swap3A_113 = tpu.vector_load %arg7[%swap3A_111, %swap3A_112] {strides = array<i32>} : memref<64x128xf32, #tpu.memory_space<vmem>>, vector<1x16xf32>,
      %swap3A_114 = vector.shape_cast %swap3A_113 : vector<1x16xf32> to vector<16xf32>
      %swap3A_115 = vector.shape_cast %broadcast_in_dim3A_1 : vector<16xf32> to vector<1x16xf32>
      tpu.vector_store %arg7[%swap3A_111, %swap3A_112], %swap3A_115 {strides = array<i32>} : memref<64x128xf32, #tpu.memory_space<vmem>>, vector<1x16xf32>,
      %swap3A_116 = arith.index_cast %add3A_86 : i32 to index
      %swap3A_117 = arith.constant 96 : index
      %swap3A_118 = tpu.vector_load %arg7[%swap3A_116, %swap3A_117] {strides = array<i32>} : memref<64x128xf32, #tpu.memory_space<vmem>>, vector<1x16xf32>,
      %swap3A_119 = vector.shape_cast %swap3A_118 : vector<1x16xf32> to vector<16xf32>
      %swap3A_120 = vector.shape_cast %broadcast_in_dim3A_1 : vector<16xf32> to vector<1x16xf32>
      tpu.vector_store %arg7[%swap3A_116, %swap3A_117], %swap3A_120 {strides = array<i32>} : memref<64x128xf32, #tpu.memory_space<vmem>>, vector<1x16xf32>,
      %swap3A_121 = arith.index_cast %add3A_86 : i32 to index
      %swap3A_122 = arith.constant 112 : index
      %swap3A_123 = tpu.vector_load %arg7[%swap3A_121, %swap3A_122] {strides = array<i32>} : memref<64x128xf32, #tpu.memory_space<vmem>>, vector<1x16xf32>,
      %swap3A_124 = vector.shape_cast %swap3A_123 : vector<1x16xf32> to vector<16xf32>
      %swap3A_125 = vector.shape_cast %broadcast_in_dim3A_1 : vector<16xf32> to vector<1x16xf32>
      tpu.vector_store %arg7[%swap3A_121, %swap3A_122], %swap3A_125 {strides = array<i32>} : memref<64x128xf32, #tpu.memory_space<vmem>>, vector<1x16xf32>,
      %mul3A_126 = arith.constant 2 : i32
      %mul3A_127 = arith.muli %scan3A_82, %mul3A_126 : i32
      %add3A_128 = arith.constant 1 : i32
      %add3A_129 = arith.addi %mul3A_127, %add3A_128 : i32
      %swap3A_130 = arith.index_cast %add3A_129 : i32 to index
      %swap3A_131 = arith.constant 0 : index
      %swap3A_132 = tpu.vector_load %arg7[%swap3A_130, %swap3A_131] {strides = array<i32>} : memref<64x128xf32, #tpu.memory_space<vmem>>, vector<1x16xf32>,
      %swap3A_133 = vector.shape_cast %swap3A_132 : vector<1x16xf32> to vector<16xf32>
      %swap3A_134 = vector.shape_cast %broadcast_in_dim3A_1 : vector<16xf32> to vector<1x16xf32>
      tpu.vector_store %arg7[%swap3A_130, %swap3A_131], %swap3A_134 {strides = array<i32>} : memref<64x128xf32, #tpu.memory_space<vmem>>, vector<1x16xf32>,
      %swap3A_135 = arith.index_cast %add3A_129 : i32 to index
      %swap3A_136 = arith.constant 16 : index
      %swap3A_137 = tpu.vector_load %arg7[%swap3A_135, %swap3A_136] {strides = array<i32>} : memref<64x128xf32, #tpu.memory_space<vmem>>, vector<1x16xf32>,
      %swap3A_138 = vector.shape_cast %swap3A_137 : vector<1x16xf32> to vector<16xf32>
      %swap3A_139 = vector.shape_cast %broadcast_in_dim3A_1 : vector<16xf32> to vector<1x16xf32>
      tpu.vector_store %arg7[%swap3A_135, %swap3A_136], %swap3A_139 {strides = array<i32>} : memref<64x128xf32, #tpu.memory_space<vmem>>, vector<1x16xf32>,
      %swap3A_140 = arith.index_cast %add3A_129 : i32 to index
      %swap3A_141 = arith.constant 32 : index
      %swap3A_142 = tpu.vector_load %arg7[%swap3A_140, %swap3A_141] {strides = array<i32>} : memref<64x128xf32, #tpu.memory_space<vmem>>, vector<1x16xf32>,
      %swap3A_143 = vector.shape_cast %swap3A_142 : vector<1x16xf32> to vector<16xf32>
      %swap3A_144 = vector.shape_cast %broadcast_in_dim3A_1 : vector<16xf32> to vector<1x16xf32>
      tpu.vector_store %arg7[%swap3A_140, %swap3A_141], %swap3A_144 {strides = array<i32>} : memref<64x128xf32, #tpu.memory_space<vmem>>, vector<1x16xf32>,
      %swap3A_145 = arith.index_cast %add3A_129 : i32 to index
      %swap3A_146 = arith.constant 48 : index
      %swap3A_147 = tpu.vector_load %arg7[%swap3A_145, %swap3A_146] {strides = array<i32>} : memref<64x128xf32, #tpu.memory_space<vmem>>, vector<1x16xf32>,
      %swap3A_148 = vector.shape_cast %swap3A_147 : vector<1x16xf32> to vector<16xf32>
      %swap3A_149 = vector.shape_cast %broadcast_in_dim3A_1 : vector<16xf32> to vector<1x16xf32>
      tpu.vector_store %arg7[%swap3A_145, %swap3A_146], %swap3A_149 {strides = array<i32>} : memref<64x128xf32, #tpu.memory_space<vmem>>, vector<1x16xf32>,
      %swap3A_150 = arith.index_cast %add3A_129 : i32 to index
      %swap3A_151 = arith.constant 64 : index
      %swap3A_152 = tpu.vector_load %arg7[%swap3A_150, %swap3A_151] {strides = array<i32>} : memref<64x128xf32, #tpu.memory_space<vmem>>, vector<1x16xf32>,
      %swap3A_153 = vector.shape_cast %swap3A_152 : vector<1x16xf32> to vector<16xf32>
      %swap3A_154 = vector.shape_cast %broadcast_in_dim3A_1 : vector<16xf32> to vector<1x16xf32>
      tpu.vector_store %arg7[%swap3A_150, %swap3A_151], %swap3A_154 {strides = array<i32>} : memref<64x128xf32, #tpu.memory_space<vmem>>, vector<1x16xf32>,
      %swap3A_155 = arith.index_cast %add3A_129 : i32 to index
      %swap3A_156 = arith.constant 80 : index
      %swap3A_157 = tpu.vector_load %arg7[%swap3A_155, %swap3A_156] {strides = array<i32>} : memref<64x128xf32, #tpu.memory_space<vmem>>, vector<1x16xf32>,
      %swap3A_158 = vector.shape_cast %swap3A_157 : vector<1x16xf32> to vector<16xf32>
      %swap3A_159 = vector.shape_cast %broadcast_in_dim3A_1 : vector<16xf32> to vector<1x16xf32>
      tpu.vector_store %arg7[%swap3A_155, %swap3A_156], %swap3A_159 {strides = array<i32>} : memref<64x128xf32, #tpu.memory_space<vmem>>, vector<1x16xf32>,
      %swap3A_160 = arith.index_cast %add3A_129 : i32 to index
      %swap3A_161 = arith.constant 96 : index
      %swap3A_162 = tpu.vector_load %arg7[%swap3A_160, %swap3A_161] {strides = array<i32>} : memref<64x128xf32, #tpu.memory_space<vmem>>, vector<1x16xf32>,
      %swap3A_163 = vector.shape_cast %swap3A_162 : vector<1x16xf32> to vector<16xf32>
      %swap3A_164 = vector.shape_cast %broadcast_in_dim3A_1 : vector<16xf32> to vector<1x16xf32>
      tpu.vector_store %arg7[%swap3A_160, %swap3A_161], %swap3A_164 {strides = array<i32>} : memref<64x128xf32, #tpu.memory_space<vmem>>, vector<1x16xf32>,
      %swap3A_165 = arith.index_cast %add3A_129 : i32 to index
      %swap3A_166 = arith.constant 112 : index
      %swap3A_167 = tpu.vector_load %arg7[%swap3A_165, %swap3A_166] {strides = array<i32>} : memref<64x128xf32, #tpu.memory_space<vmem>>, vector<1x16xf32>,
      %swap3A_168 = vector.shape_cast %swap3A_167 : vector<1x16xf32> to vector<16xf32>
      %swap3A_169 = vector.shape_cast %broadcast_in_dim3A_1 : vector<16xf32> to vector<1x16xf32>
      tpu.vector_store %arg7[%swap3A_165, %swap3A_166], %swap3A_169 {strides = array<i32>} : memref<64x128xf32, #tpu.memory_space<vmem>>, vector<1x16xf32>,
    }
    %scan3A_6 = arith.constant 32 : i32
    %dma_start3A = arith.constant 0 : i32
    %dma_start3A_7 = arith.constant 0 : i32
    %dma_start3A_8 = arith.constant 0 : i32
    %dma_start3A_9 = arith.constant 0 : i32
    %dma_start3A_10 = arith.constant 0 : i32
    %dma_start3A_11 = arith.constant 0 : i32
    %dma_start3A_12 = tpu.memref_slice %arg6[%dma_start3A_8, %dma_start3A_9, %dma_start3A_10, %dma_start3A_11] : memref<2x5x64x128xf32, #tpu.memory_space<vmem>> -> memref<1x1x64x128xf32, #tpu.memory_space<vmem>>
    %dma_start3A_13 = tpu.memref_squeeze %dma_start3A_12 : memref<1x1x64x128xf32, #tpu.memory_space<vmem>> -> memref<64x128xf32, #tpu.memory_space<vmem>>
    %dma_start3A_14 = arith.constant 0 : i32
    %dma_start3A_15 = tpu.memref_slice %arg5[%dma_start3A, %dma_start3A_7, %dma_start3A_14] : memref<20x4x64xi32, #tpu.memory_space<vmem>> -> memref<1x1x64xi32, #tpu.memory_space<vmem>>
    %dma_start3A_16 = tpu.memref_squeeze %dma_start3A_15 : memref<1x1x64xi32, #tpu.memory_space<vmem>> -> memref<64xi32, #tpu.memory_space<vmem>>
    %dma_start3A_17 = arith.constant 0 : i32
    %dma_start3A_18 = arith.constant 0 : i32
    %dma_start3A_19 = tpu.memref_slice %arg3[%dma_start3A_17, %dma_start3A_18] : memref<100000x128xf32, #tpu.memory_space<hbm>> -> memref<100000x128xf32, #tpu.memory_space<hbm>>
    tpu.enqueue_indirect_dma source(%dma_start3A_19 : memref<100000x128xf32, #tpu.memory_space<hbm>>) target(%dma_start3A_13 : memref<64x128xf32, #tpu.memory_space<vmem>>) offsets(%dma_start3A_16 : memref<64xi32, #tpu.memory_space<vmem>>) semaphore(%arg8 : memref<!tpu.dma_semaphore, #tpu.memory_space<semaphore_mem>>)
    %dma_start3A_20 = arith.constant 1 : i32
    %dma_start3A_21 = arith.constant 0 : i32
    %dma_start3A_22 = arith.constant 0 : i32
    %dma_start3A_23 = arith.constant 1 : i32
    %dma_start3A_24 = arith.constant 0 : i32
    %dma_start3A_25 = arith.constant 0 : i32
    %dma_start3A_26 = tpu.memref_slice %arg6[%dma_start3A_22, %dma_start3A_23, %dma_start3A_24, %dma_start3A_25] : memref<2x5x64x128xf32, #tpu.memory_space<vmem>> -> memref<1x1x64x128xf32, #tpu.memory_space<vmem>>
    %dma_start3A_27 = tpu.memref_squeeze %dma_start3A_26 : memref<1x1x64x128xf32, #tpu.memory_space<vmem>> -> memref<64x128xf32, #tpu.memory_space<vmem>>
    %dma_start3A_28 = arith.constant 0 : i32
    %dma_start3A_29 = tpu.memref_slice %arg5[%dma_start3A_20, %dma_start3A_21, %dma_start3A_28] : memref<20x4x64xi32, #tpu.memory_space<vmem>> -> memref<1x1x64xi32, #tpu.memory_space<vmem>>
    %dma_start3A_30 = tpu.memref_squeeze %dma_start3A_29 : memref<1x1x64xi32, #tpu.memory_space<vmem>> -> memref<64xi32, #tpu.memory_space<vmem>>
    %dma_start3A_31 = arith.constant 0 : i32
    %dma_start3A_32 = arith.constant 0 : i32
    %dma_start3A_33 = tpu.memref_slice %arg3[%dma_start3A_31, %dma_start3A_32] : memref<100000x128xf32, #tpu.memory_space<hbm>> -> memref<100000x128xf32, #tpu.memory_space<hbm>>
    tpu.enqueue_indirect_dma source(%dma_start3A_33 : memref<100000x128xf32, #tpu.memory_space<hbm>>) target(%dma_start3A_27 : memref<64x128xf32, #tpu.memory_space<vmem>>) offsets(%dma_start3A_30 : memref<64xi32, #tpu.memory_space<vmem>>) semaphore(%arg8 : memref<!tpu.dma_semaphore, #tpu.memory_space<semaphore_mem>>)
    %dma_start3A_34 = arith.constant 2 : i32
    %dma_start3A_35 = arith.constant 0 : i32
    %dma_start3A_36 = arith.constant 0 : i32
    %dma_start3A_37 = arith.constant 2 : i32
    %dma_start3A_38 = arith.constant 0 : i32
    %dma_start3A_39 = arith.constant 0 : i32
    %dma_start3A_40 = tpu.memref_slice %arg6[%dma_start3A_36, %dma_start3A_37, %dma_start3A_38, %dma_start3A_39] : memref<2x5x64x128xf32, #tpu.memory_space<vmem>> -> memref<1x1x64x128xf32, #tpu.memory_space<vmem>>
    %dma_start3A_41 = tpu.memref_squeeze %dma_start3A_40 : memref<1x1x64x128xf32, #tpu.memory_space<vmem>> -> memref<64x128xf32, #tpu.memory_space<vmem>>
    %dma_start3A_42 = arith.constant 0 : i32
    %dma_start3A_43 = tpu.memref_slice %arg5[%dma_start3A_34, %dma_start3A_35, %dma_start3A_42] : memref<20x4x64xi32, #tpu.memory_space<vmem>> -> memref<1x1x64xi32, #tpu.memory_space<vmem>>
    %dma_start3A_44 = tpu.memref_squeeze %dma_start3A_43 : memref<1x1x64xi32, #tpu.memory_space<vmem>> -> memref<64xi32, #tpu.memory_space<vmem>>
    %dma_start3A_45 = arith.constant 0 : i32
    %dma_start3A_46 = arith.constant 0 : i32
    %dma_start3A_47 = tpu.memref_slice %arg3[%dma_start3A_45, %dma_start3A_46] : memref<100000x128xf32, #tpu.memory_space<hbm>> -> memref<100000x128xf32, #tpu.memory_space<hbm>>
    tpu.enqueue_indirect_dma source(%dma_start3A_47 : memref<100000x128xf32, #tpu.memory_space<hbm>>) target(%dma_start3A_41 : memref<64x128xf32, #tpu.memory_space<vmem>>) offsets(%dma_start3A_44 : memref<64xi32, #tpu.memory_space<vmem>>) semaphore(%arg8 : memref<!tpu.dma_semaphore, #tpu.memory_space<semaphore_mem>>)
    %dma_start3A_48 = arith.constant 3 : i32
    %dma_start3A_49 = arith.constant 0 : i32
    %dma_start3A_50 = arith.constant 0 : i32
    %dma_start3A_51 = arith.constant 3 : i32
    %dma_start3A_52 = arith.constant 0 : i32
    %dma_start3A_53 = arith.constant 0 : i32
    %dma_start3A_54 = tpu.memref_slice %arg6[%dma_start3A_50, %dma_start3A_51, %dma_start3A_52, %dma_start3A_53] : memref<2x5x64x128xf32, #tpu.memory_space<vmem>> -> memref<1x1x64x128xf32, #tpu.memory_space<vmem>>
    %dma_start3A_55 = tpu.memref_squeeze %dma_start3A_54 : memref<1x1x64x128xf32, #tpu.memory_space<vmem>> -> memref<64x128xf32, #tpu.memory_space<vmem>>
    %dma_start3A_56 = arith.constant 0 : i32
    %dma_start3A_57 = tpu.memref_slice %arg5[%dma_start3A_48, %dma_start3A_49, %dma_start3A_56] : memref<20x4x64xi32, #tpu.memory_space<vmem>> -> memref<1x1x64xi32, #tpu.memory_space<vmem>>
    %dma_start3A_58 = tpu.memref_squeeze %dma_start3A_57 : memref<1x1x64xi32, #tpu.memory_space<vmem>> -> memref<64xi32, #tpu.memory_space<vmem>>
    %dma_start3A_59 = arith.constant 0 : i32
    %dma_start3A_60 = arith.constant 0 : i32
    %dma_start3A_61 = tpu.memref_slice %arg3[%dma_start3A_59, %dma_start3A_60] : memref<100000x128xf32, #tpu.memory_space<hbm>> -> memref<100000x128xf32, #tpu.memory_space<hbm>>
    tpu.enqueue_indirect_dma source(%dma_start3A_61 : memref<100000x128xf32, #tpu.memory_space<hbm>>) target(%dma_start3A_55 : memref<64x128xf32, #tpu.memory_space<vmem>>) offsets(%dma_start3A_58 : memref<64xi32, #tpu.memory_space<vmem>>) semaphore(%arg8 : memref<!tpu.dma_semaphore, #tpu.memory_space<semaphore_mem>>)
    %dma_start3A_62 = arith.constant 4 : i32
    %dma_start3A_63 = arith.constant 0 : i32
    %dma_start3A_64 = arith.constant 0 : i32
    %dma_start3A_65 = arith.constant 4 : i32
    %dma_start3A_66 = arith.constant 0 : i32
    %dma_start3A_67 = arith.constant 0 : i32
    %dma_start3A_68 = tpu.memref_slice %arg6[%dma_start3A_64, %dma_start3A_65, %dma_start3A_66, %dma_start3A_67] : memref<2x5x64x128xf32, #tpu.memory_space<vmem>> -> memref<1x1x64x128xf32, #tpu.memory_space<vmem>>
    %dma_start3A_69 = tpu.memref_squeeze %dma_start3A_68 : memref<1x1x64x128xf32, #tpu.memory_space<vmem>> -> memref<64x128xf32, #tpu.memory_space<vmem>>
    %dma_start3A_70 = arith.constant 0 : i32
    %dma_start3A_71 = tpu.memref_slice %arg5[%dma_start3A_62, %dma_start3A_63, %dma_start3A_70] : memref<20x4x64xi32, #tpu.memory_space<vmem>> -> memref<1x1x64xi32, #tpu.memory_space<vmem>>
    %dma_start3A_72 = tpu.memref_squeeze %dma_start3A_71 : memref<1x1x64xi32, #tpu.memory_space<vmem>> -> memref<64xi32, #tpu.memory_space<vmem>>
    %dma_start3A_73 = arith.constant 0 : i32
    %dma_start3A_74 = arith.constant 0 : i32
    %dma_start3A_75 = tpu.memref_slice %arg3[%dma_start3A_73, %dma_start3A_74] : memref<100000x128xf32, #tpu.memory_space<hbm>> -> memref<100000x128xf32, #tpu.memory_space<hbm>>
    tpu.enqueue_indirect_dma source(%dma_start3A_75 : memref<100000x128xf32, #tpu.memory_space<hbm>>) target(%dma_start3A_69 : memref<64x128xf32, #tpu.memory_space<vmem>>) offsets(%dma_start3A_72 : memref<64xi32, #tpu.memory_space<vmem>>) semaphore(%arg8 : memref<!tpu.dma_semaphore, #tpu.memory_space<semaphore_mem>>)
    "tpu.region"() ({
      %run_scoped3A = tpu.sem_alloc : memref<!tpu.dma_semaphore, #tpu.memory_space<semaphore_mem>>
      %dma_start3A_82 = arith.constant 5 : i32
      %dma_start3A_83 = arith.constant 0 : i32
      %dma_start3A_84 = arith.constant 0 : i32
      %dma_start3A_85 = tpu.memref_slice %arg5[%dma_start3A_82, %dma_start3A_83, %dma_start3A_84] : memref<20x4x64xi32, #tpu.memory_space<vmem>> -> memref<15x4x64xi32, #tpu.memory_space<vmem>>
      %dma_start3A_86 = arith.constant 5 : i32
      %dma_start3A_87 = arith.constant 0 : i32
      %dma_start3A_88 = arith.constant 0 : i32
      %dma_start3A_89 = tpu.memref_slice %arg2[%add3A, %dma_start3A_86, %dma_start3A_87, %dma_start3A_88] : memref<32x20x4x64xi32, #tpu.memory_space<hbm>> -> memref<1x15x4x64xi32, #tpu.memory_space<hbm>>
      %dma_start3A_90 = tpu.memref_squeeze %dma_start3A_89 : memref<1x15x4x64xi32, #tpu.memory_space<hbm>> -> memref<15x4x64xi32, #tpu.memory_space<hbm>>
      %dma_start3A_91 = arith.constant 5 : i32
      %dma_start3A_92 = arith.constant 0 : i32
      %dma_start3A_93 = arith.constant 0 : i32
      %dma_start3A_94 = tpu.memref_slice %arg5[%dma_start3A_91, %dma_start3A_92, %dma_start3A_93] : memref<20x4x64xi32, #tpu.memory_space<vmem>> -> memref<15x4x64xi32, #tpu.memory_space<vmem>>
      %dma_start3A_95 = arith.constant 5 : i32
      %dma_start3A_96 = arith.constant 0 : i32
      %dma_start3A_97 = arith.constant 0 : i32
      %dma_start3A_98 = tpu.memref_slice %arg2[%add3A, %dma_start3A_95, %dma_start3A_96, %dma_start3A_97] : memref<32x20x4x64xi32, #tpu.memory_space<hbm>> -> memref<1x15x4x64xi32, #tpu.memory_space<hbm>>
      %dma_start3A_99 = tpu.memref_squeeze %dma_start3A_98 : memref<1x15x4x64xi32, #tpu.memory_space<hbm>> -> memref<15x4x64xi32, #tpu.memory_space<hbm>>
      tpu.enqueue_dma source(%dma_start3A_99 : memref<15x4x64xi32, #tpu.memory_space<hbm>>) target(%dma_start3A_94 : memref<15x4x64xi32, #tpu.memory_space<vmem>>) target_semaphore(%run_scoped3A : memref<!tpu.dma_semaphore, #tpu.memory_space<semaphore_mem>>)
      %dma_wait3A = arith.constant 5 : i32
      %dma_wait3A_100 = arith.constant 0 : i32
      %dma_wait3A_101 = arith.constant 0 : i32
      %dma_wait3A_102 = tpu.memref_slice %arg5[%dma_wait3A, %dma_wait3A_100, %dma_wait3A_101] : memref<20x4x64xi32, #tpu.memory_space<vmem>> -> memref<15x4x64xi32, #tpu.memory_space<vmem>>
      %dma_wait3A_103 = arith.constant 5 : i32
      %dma_wait3A_104 = arith.constant 0 : i32
      %dma_wait3A_105 = arith.constant 0 : i32
      %dma_wait3A_106 = tpu.memref_slice %arg2[%add3A, %dma_wait3A_103, %dma_wait3A_104, %dma_wait3A_105] : memref<32x20x4x64xi32, #tpu.memory_space<hbm>> -> memref<1x15x4x64xi32, #tpu.memory_space<hbm>>
      %dma_wait3A_107 = tpu.memref_squeeze %dma_wait3A_106 : memref<1x15x4x64xi32, #tpu.memory_space<hbm>> -> memref<15x4x64xi32, #tpu.memory_space<hbm>>
      %dma_wait3A_108 = arith.constant 5 : i32
      %dma_wait3A_109 = arith.constant 0 : i32
      %dma_wait3A_110 = arith.constant 0 : i32
      %dma_wait3A_111 = tpu.memref_slice %arg5[%dma_wait3A_108, %dma_wait3A_109, %dma_wait3A_110] : memref<20x4x64xi32, #tpu.memory_space<vmem>> -> memref<15x4x64xi32, #tpu.memory_space<vmem>>
      %dma_wait3A_112 = arith.constant 5 : i32
      %dma_wait3A_113 = arith.constant 0 : i32
      %dma_wait3A_114 = arith.constant 0 : i32
      %dma_wait3A_115 = tpu.memref_slice %arg2[%add3A, %dma_wait3A_112, %dma_wait3A_113, %dma_wait3A_114] : memref<32x20x4x64xi32, #tpu.memory_space<hbm>> -> memref<1x15x4x64xi32, #tpu.memory_space<hbm>>
      %dma_wait3A_116 = tpu.memref_squeeze %dma_wait3A_115 : memref<1x15x4x64xi32, #tpu.memory_space<hbm>> -> memref<15x4x64xi32, #tpu.memory_space<hbm>>
      tpu.wait_dma2 semaphore(%run_scoped3A : memref<!tpu.dma_semaphore, #tpu.memory_space<semaphore_mem>>) src(%dma_wait3A_116 : memref<15x4x64xi32, #tpu.memory_space<hbm>>) dst(%dma_wait3A_111 : memref<15x4x64xi32, #tpu.memory_space<vmem>>)
      tpu.yield
    }) : () -> ()
    %scan3A_76 = arith.constant 0 : i32
    %scan3A_77 = arith.constant 0 : i32
    %scan3A_78 = arith.constant 8 : i32
    %scan3A_79 = arith.addi %scan3A_77, %scan3A_78 : i32
    %scan3A_80 = arith.constant 1 : i32
    scf.for %scan3A_82 = %scan3A_77 to %scan3A_79 step %scan3A_80  : i32 {
      %mul3A_83 = arith.constant 2 : i32
      %mul3A_84 = arith.muli %scan3A_82, %mul3A_83 : i32
      %add3A_85 = arith.constant 0 : i32
      %add3A_86 = arith.addi %mul3A_84, %add3A_85 : i32
      %add3A_87 = arith.constant 1 : i32
      %add3A_88 = arith.addi %add3A_86, %add3A_87 : i32
      %lt3A = arith.constant 16 : i32
      %lt3A_89 = arith.cmpi slt, %add3A_88, %lt3A : i32
      %convert_element_type3A = arith.extui %lt3A_89 : i1 to i32
      %cond3A = arith.constant 0 : i32
      %cond3A_90 = arith.cmpi ne, %convert_element_type3A, %cond3A : i32
      scf.if %cond3A_90 {
        %add3A_289 = arith.constant 1 : i32
        %add3A_290 = arith.addi %add3A_86, %add3A_289 : i32
        %jit3A_291 = arith.constant 4 : i32
        %div3A = arith.divsi %add3A_290, %jit3A_291 : i32
        %sign3A = arith.constant 0 : i32
        %sign3A_292 = arith.cmpi sgt, %add3A_290, %sign3A : i32
        %sign3A_293 = arith.extui %sign3A_292 : i1 to i32
        %sign3A_294 = arith.constant 0 : i32
        %sign3A_295 = arith.cmpi slt, %add3A_290, %sign3A_294 : i32
        %sign3A_296 = arith.extui %sign3A_295 : i1 to i32
        %sign3A_297 = arith.subi %sign3A_293, %sign3A_296 : i32
        %sign3A_298 = arith.constant 0 : i32
        %sign3A_299 = arith.cmpi sgt, %jit3A_291, %sign3A_298 : i32
        %sign3A_300 = arith.extui %sign3A_299 : i1 to i32
        %sign3A_301 = arith.constant 0 : i32
        %sign3A_302 = arith.cmpi slt, %jit3A_291, %sign3A_301 : i32
        %sign3A_303 = arith.extui %sign3A_302 : i1 to i32
        %sign3A_304 = arith.subi %sign3A_300, %sign3A_303 : i32
        %ne3A_305 = arith.cmpi ne, %sign3A_297, %sign3A_304 : i32
        %rem3A_306 = arith.remsi %add3A_290, %jit3A_291 : i32
        %ne3A_307 = arith.constant 0 : i32
        %ne3A_308 = arith.cmpi ne, %rem3A_306, %ne3A_307 : i32
        %and3A_309 = arith.andi %ne3A_305, %ne3A_308 : i1
        %sub3A = arith.constant 1 : i32
        %sub3A_310 = arith.subi %div3A, %sub3A : i32
        %select_n3A_311 = arith.select %and3A_309, %sub3A_310, %div3A : i32
        %jit3A_312 = arith.constant 4 : i32
        %eq3A_313 = arith.constant 0 : i32
        %eq3A_314 = arith.cmpi eq, %jit3A_312, %eq3A_313 : i32
        %jit3A_315 = arith.constant 1 : i32
        %select_n3A_316 = arith.select %eq3A_314, %jit3A_315, %jit3A_312 : i32
        %rem3A_317 = arith.remsi %add3A_290, %select_n3A_316 : i32
        %ne3A_318 = arith.constant 0 : i32
        %ne3A_319 = arith.cmpi ne, %rem3A_317, %ne3A_318 : i32
        %lt3A_320 = arith.constant 0 : i32
        %lt3A_321 = arith.cmpi slt, %rem3A_317, %lt3A_320 : i32
        %lt3A_322 = arith.constant 0 : i32
        %lt3A_323 = arith.cmpi slt, %select_n3A_316, %lt3A_322 : i32
        %ne3A_324 = arith.xori %lt3A_321, %lt3A_323 : i1
        %and3A_325 = arith.andi %ne3A_324, %ne3A_319 : i1
        %add3A_326 = arith.addi %rem3A_317, %select_n3A_316 : i32
        %select_n3A_327 = arith.select %and3A_325, %add3A_326, %rem3A_317 : i32
        %mul3A_328 = arith.constant 5 : i32
        %mul3A_329 = arith.muli %select_n3A_327, %mul3A_328 : i32
        %add3A_330 = arith.constant 0 : i32
        %add3A_331 = arith.addi %mul3A_329, %add3A_330 : i32
        %dma_start3A_332 = arith.constant 1 : i32
        %dma_start3A_333 = arith.constant 0 : i32
        %dma_start3A_334 = arith.constant 0 : i32
        %dma_start3A_335 = arith.constant 0 : i32
        %dma_start3A_336 = tpu.memref_slice %arg6[%dma_start3A_332, %dma_start3A_333, %dma_start3A_334, %dma_start3A_335] : memref<2x5x64x128xf32, #tpu.memory_space<vmem>> -> memref<1x1x64x128xf32, #tpu.memory_space<vmem>>
        %dma_start3A_337 = tpu.memref_squeeze %dma_start3A_336 : memref<1x1x64x128xf32, #tpu.memory_space<vmem>> -> memref<64x128xf32, #tpu.memory_space<vmem>>
        %dma_start3A_338 = arith.constant 0 : i32
        %dma_start3A_339 = tpu.memref_slice %arg5[%add3A_331, %select_n3A_311, %dma_start3A_338] : memref<20x4x64xi32, #tpu.memory_space<vmem>> -> memref<1x1x64xi32, #tpu.memory_space<vmem>>
        %dma_start3A_340 = tpu.memref_squeeze %dma_start3A_339 : memref<1x1x64xi32, #tpu.memory_space<vmem>> -> memref<64xi32, #tpu.memory_space<vmem>>
        %dma_start3A_341 = arith.constant 0 : i32
        %dma_start3A_342 = arith.constant 0 : i32
        %dma_start3A_343 = tpu.memref_slice %arg3[%dma_start3A_341, %dma_start3A_342] : memref<100000x128xf32, #tpu.memory_space<hbm>> -> memref<100000x128xf32, #tpu.memory_space<hbm>>
        tpu.enqueue_indirect_dma source(%dma_start3A_343 : memref<100000x128xf32, #tpu.memory_space<hbm>>) target(%dma_start3A_337 : memref<64x128xf32, #tpu.memory_space<vmem>>) offsets(%dma_start3A_340 : memref<64xi32, #tpu.memory_space<vmem>>) semaphore(%arg9 : memref<!tpu.dma_semaphore, #tpu.memory_space<semaphore_mem>>)
        %mul3A_344 = arith.constant 5 : i32
        %mul3A_345 = arith.muli %select_n3A_327, %mul3A_344 : i32
        %add3A_346 = arith.constant 1 : i32
        %add3A_347 = arith.addi %mul3A_345, %add3A_346 : i32
        %dma_start3A_348 = arith.constant 1 : i32
        %dma_start3A_349 = arith.constant 1 : i32
        %dma_start3A_350 = arith.constant 0 : i32
        %dma_start3A_351 = arith.constant 0 : i32
        %dma_start3A_352 = tpu.memref_slice %arg6[%dma_start3A_348, %dma_start3A_349, %dma_start3A_350, %dma_start3A_351] : memref<2x5x64x128xf32, #tpu.memory_space<vmem>> -> memref<1x1x64x128xf32, #tpu.memory_space<vmem>>
        %dma_start3A_353 = tpu.memref_squeeze %dma_start3A_352 : memref<1x1x64x128xf32, #tpu.memory_space<vmem>> -> memref<64x128xf32, #tpu.memory_space<vmem>>
        %dma_start3A_354 = arith.constant 0 : i32
        %dma_start3A_355 = tpu.memref_slice %arg5[%add3A_347, %select_n3A_311, %dma_start3A_354] : memref<20x4x64xi32, #tpu.memory_space<vmem>> -> memref<1x1x64xi32, #tpu.memory_space<vmem>>
        %dma_start3A_356 = tpu.memref_squeeze %dma_start3A_355 : memref<1x1x64xi32, #tpu.memory_space<vmem>> -> memref<64xi32, #tpu.memory_space<vmem>>
        %dma_start3A_357 = arith.constant 0 : i32
        %dma_start3A_358 = arith.constant 0 : i32
        %dma_start3A_359 = tpu.memref_slice %arg3[%dma_start3A_357, %dma_start3A_358] : memref<100000x128xf32, #tpu.memory_space<hbm>> -> memref<100000x128xf32, #tpu.memory_space<hbm>>
        tpu.enqueue_indirect_dma source(%dma_start3A_359 : memref<100000x128xf32, #tpu.memory_space<hbm>>) target(%dma_start3A_353 : memref<64x128xf32, #tpu.memory_space<vmem>>) offsets(%dma_start3A_356 : memref<64xi32, #tpu.memory_space<vmem>>) semaphore(%arg9 : memref<!tpu.dma_semaphore, #tpu.memory_space<semaphore_mem>>)
        %mul3A_360 = arith.constant 5 : i32
        %mul3A_361 = arith.muli %select_n3A_327, %mul3A_360 : i32
        %add3A_362 = arith.constant 2 : i32
        %add3A_363 = arith.addi %mul3A_361, %add3A_362 : i32
        %dma_start3A_364 = arith.constant 1 : i32
        %dma_start3A_365 = arith.constant 2 : i32
        %dma_start3A_366 = arith.constant 0 : i32
        %dma_start3A_367 = arith.constant 0 : i32
        %dma_start3A_368 = tpu.memref_slice %arg6[%dma_start3A_364, %dma_start3A_365, %dma_start3A_366, %dma_start3A_367] : memref<2x5x64x128xf32, #tpu.memory_space<vmem>> -> memref<1x1x64x128xf32, #tpu.memory_space<vmem>>
        %dma_start3A_369 = tpu.memref_squeeze %dma_start3A_368 : memref<1x1x64x128xf32, #tpu.memory_space<vmem>> -> memref<64x128xf32, #tpu.memory_space<vmem>>
        %dma_start3A_370 = arith.constant 0 : i32
        %dma_start3A_371 = tpu.memref_slice %arg5[%add3A_363, %select_n3A_311, %dma_start3A_370] : memref<20x4x64xi32, #tpu.memory_space<vmem>> -> memref<1x1x64xi32, #tpu.memory_space<vmem>>
        %dma_start3A_372 = tpu.memref_squeeze %dma_start3A_371 : memref<1x1x64xi32, #tpu.memory_space<vmem>> -> memref<64xi32, #tpu.memory_space<vmem>>
        %dma_start3A_373 = arith.constant 0 : i32
        %dma_start3A_374 = arith.constant 0 : i32
        %dma_start3A_375 = tpu.memref_slice %arg3[%dma_start3A_373, %dma_start3A_374] : memref<100000x128xf32, #tpu.memory_space<hbm>> -> memref<100000x128xf32, #tpu.memory_space<hbm>>
        tpu.enqueue_indirect_dma source(%dma_start3A_375 : memref<100000x128xf32, #tpu.memory_space<hbm>>) target(%dma_start3A_369 : memref<64x128xf32, #tpu.memory_space<vmem>>) offsets(%dma_start3A_372 : memref<64xi32, #tpu.memory_space<vmem>>) semaphore(%arg9 : memref<!tpu.dma_semaphore, #tpu.memory_space<semaphore_mem>>)
        %mul3A_376 = arith.constant 5 : i32
        %mul3A_377 = arith.muli %select_n3A_327, %mul3A_376 : i32
        %add3A_378 = arith.constant 3 : i32
        %add3A_379 = arith.addi %mul3A_377, %add3A_378 : i32
        %dma_start3A_380 = arith.constant 1 : i32
        %dma_start3A_381 = arith.constant 3 : i32
        %dma_start3A_382 = arith.constant 0 : i32
        %dma_start3A_383 = arith.constant 0 : i32
        %dma_start3A_384 = tpu.memref_slice %arg6[%dma_start3A_380, %dma_start3A_381, %dma_start3A_382, %dma_start3A_383] : memref<2x5x64x128xf32, #tpu.memory_space<vmem>> -> memref<1x1x64x128xf32, #tpu.memory_space<vmem>>
        %dma_start3A_385 = tpu.memref_squeeze %dma_start3A_384 : memref<1x1x64x128xf32, #tpu.memory_space<vmem>> -> memref<64x128xf32, #tpu.memory_space<vmem>>
        %dma_start3A_386 = arith.constant 0 : i32
        %dma_start3A_387 = tpu.memref_slice %arg5[%add3A_379, %select_n3A_311, %dma_start3A_386] : memref<20x4x64xi32, #tpu.memory_space<vmem>> -> memref<1x1x64xi32, #tpu.memory_space<vmem>>
        %dma_start3A_388 = tpu.memref_squeeze %dma_start3A_387 : memref<1x1x64xi32, #tpu.memory_space<vmem>> -> memref<64xi32, #tpu.memory_space<vmem>>
        %dma_start3A_389 = arith.constant 0 : i32
        %dma_start3A_390 = arith.constant 0 : i32
        %dma_start3A_391 = tpu.memref_slice %arg3[%dma_start3A_389, %dma_start3A_390] : memref<100000x128xf32, #tpu.memory_space<hbm>> -> memref<100000x128xf32, #tpu.memory_space<hbm>>
        tpu.enqueue_indirect_dma source(%dma_start3A_391 : memref<100000x128xf32, #tpu.memory_space<hbm>>) target(%dma_start3A_385 : memref<64x128xf32, #tpu.memory_space<vmem>>) offsets(%dma_start3A_388 : memref<64xi32, #tpu.memory_space<vmem>>) semaphore(%arg9 : memref<!tpu.dma_semaphore, #tpu.memory_space<semaphore_mem>>)
        %mul3A_392 = arith.constant 5 : i32
        %mul3A_393 = arith.muli %select_n3A_327, %mul3A_392 : i32
        %add3A_394 = arith.constant 4 : i32
        %add3A_395 = arith.addi %mul3A_393, %add3A_394 : i32
        %dma_start3A_396 = arith.constant 1 : i32
        %dma_start3A_397 = arith.constant 4 : i32
        %dma_start3A_398 = arith.constant 0 : i32
        %dma_start3A_399 = arith.constant 0 : i32
        %dma_start3A_400 = tpu.memref_slice %arg6[%dma_start3A_396, %dma_start3A_397, %dma_start3A_398, %dma_start3A_399] : memref<2x5x64x128xf32, #tpu.memory_space<vmem>> -> memref<1x1x64x128xf32, #tpu.memory_space<vmem>>
        %dma_start3A_401 = tpu.memref_squeeze %dma_start3A_400 : memref<1x1x64x128xf32, #tpu.memory_space<vmem>> -> memref<64x128xf32, #tpu.memory_space<vmem>>
        %dma_start3A_402 = arith.constant 0 : i32
        %dma_start3A_403 = tpu.memref_slice %arg5[%add3A_395, %select_n3A_311, %dma_start3A_402] : memref<20x4x64xi32, #tpu.memory_space<vmem>> -> memref<1x1x64xi32, #tpu.memory_space<vmem>>
        %dma_start3A_404 = tpu.memref_squeeze %dma_start3A_403 : memref<1x1x64xi32, #tpu.memory_space<vmem>> -> memref<64xi32, #tpu.memory_space<vmem>>
        %dma_start3A_405 = arith.constant 0 : i32
        %dma_start3A_406 = arith.constant 0 : i32
        %dma_start3A_407 = tpu.memref_slice %arg3[%dma_start3A_405, %dma_start3A_406] : memref<100000x128xf32, #tpu.memory_space<hbm>> -> memref<100000x128xf32, #tpu.memory_space<hbm>>
        tpu.enqueue_indirect_dma source(%dma_start3A_407 : memref<100000x128xf32, #tpu.memory_space<hbm>>) target(%dma_start3A_401 : memref<64x128xf32, #tpu.memory_space<vmem>>) offsets(%dma_start3A_404 : memref<64xi32, #tpu.memory_space<vmem>>) semaphore(%arg9 : memref<!tpu.dma_semaphore, #tpu.memory_space<semaphore_mem>>)
      } else {
      }
      %dma_wait3A = arith.constant 0 : i32
      %dma_wait3A_91 = arith.constant 0 : i32
      %dma_wait3A_92 = arith.constant 0 : i32
      %dma_wait3A_93 = arith.constant 0 : i32
      %dma_wait3A_94 = arith.constant 0 : i32
      %dma_wait3A_95 = arith.constant 0 : i32
      %dma_wait3A_96 = tpu.memref_slice %arg6[%dma_wait3A_92, %dma_wait3A_93, %dma_wait3A_94, %dma_wait3A_95] : memref<2x5x64x128xf32, #tpu.memory_space<vmem>> -> memref<1x1x64x128xf32, #tpu.memory_space<vmem>>
      %dma_wait3A_97 = tpu.memref_squeeze %dma_wait3A_96 : memref<1x1x64x128xf32, #tpu.memory_space<vmem>> -> memref<64x128xf32, #tpu.memory_space<vmem>>
      %dma_wait3A_98 = arith.constant 0 : i32
      %dma_wait3A_99 = tpu.memref_slice %arg5[%dma_wait3A, %dma_wait3A_91, %dma_wait3A_98] : memref<20x4x64xi32, #tpu.memory_space<vmem>> -> memref<1x1x64xi32, #tpu.memory_space<vmem>>
      %dma_wait3A_100 = tpu.memref_squeeze %dma_wait3A_99 : memref<1x1x64xi32, #tpu.memory_space<vmem>> -> memref<64xi32, #tpu.memory_space<vmem>>
      %dma_wait3A_101 = arith.constant 0 : i32
      %dma_wait3A_102 = arith.constant 0 : i32
      %dma_wait3A_103 = tpu.memref_slice %arg3[%dma_wait3A_101, %dma_wait3A_102] : memref<100000x128xf32, #tpu.memory_space<hbm>> -> memref<100000x128xf32, #tpu.memory_space<hbm>>
      tpu.wait_indirect_dma semaphore(%arg8 : memref<!tpu.dma_semaphore, #tpu.memory_space<semaphore_mem>>) src(%dma_wait3A_103 : memref<100000x128xf32, #tpu.memory_space<hbm>>) dst(%dma_wait3A_97 : memref<64x128xf32, #tpu.memory_space<vmem>>)
      %dma_wait3A_104 = arith.constant 0 : i32
      %dma_wait3A_105 = arith.constant 0 : i32
      %dma_wait3A_106 = arith.constant 0 : i32
      %dma_wait3A_107 = arith.constant 1 : i32
      %dma_wait3A_108 = arith.constant 0 : i32
      %dma_wait3A_109 = arith.constant 0 : i32
      %dma_wait3A_110 = tpu.memref_slice %arg6[%dma_wait3A_106, %dma_wait3A_107, %dma_wait3A_108, %dma_wait3A_109] : memref<2x5x64x128xf32, #tpu.memory_space<vmem>> -> memref<1x1x64x128xf32, #tpu.memory_space<vmem>>
      %dma_wait3A_111 = tpu.memref_squeeze %dma_wait3A_110 : memref<1x1x64x128xf32, #tpu.memory_space<vmem>> -> memref<64x128xf32, #tpu.memory_space<vmem>>
      %dma_wait3A_112 = arith.constant 0 : i32
      %dma_wait3A_113 = tpu.memref_slice %arg5[%dma_wait3A_104, %dma_wait3A_105, %dma_wait3A_112] : memref<20x4x64xi32, #tpu.memory_space<vmem>> -> memref<1x1x64xi32, #tpu.memory_space<vmem>>
      %dma_wait3A_114 = tpu.memref_squeeze %dma_wait3A_113 : memref<1x1x64xi32, #tpu.memory_space<vmem>> -> memref<64xi32, #tpu.memory_space<vmem>>
      %dma_wait3A_115 = arith.constant 0 : i32
      %dma_wait3A_116 = arith.constant 0 : i32
      %dma_wait3A_117 = tpu.memref_slice %arg3[%dma_wait3A_115, %dma_wait3A_116] : memref<100000x128xf32, #tpu.memory_space<hbm>> -> memref<100000x128xf32, #tpu.memory_space<hbm>>
      tpu.wait_indirect_dma semaphore(%arg8 : memref<!tpu.dma_semaphore, #tpu.memory_space<semaphore_mem>>) src(%dma_wait3A_117 : memref<100000x128xf32, #tpu.memory_space<hbm>>) dst(%dma_wait3A_111 : memref<64x128xf32, #tpu.memory_space<vmem>>)
      %dma_wait3A_118 = arith.constant 0 : i32
      %dma_wait3A_119 = arith.constant 0 : i32
      %dma_wait3A_120 = arith.constant 0 : i32
      %dma_wait3A_121 = arith.constant 2 : i32
      %dma_wait3A_122 = arith.constant 0 : i32
      %dma_wait3A_123 = arith.constant 0 : i32
      %dma_wait3A_124 = tpu.memref_slice %arg6[%dma_wait3A_120, %dma_wait3A_121, %dma_wait3A_122, %dma_wait3A_123] : memref<2x5x64x128xf32, #tpu.memory_space<vmem>> -> memref<1x1x64x128xf32, #tpu.memory_space<vmem>>
      %dma_wait3A_125 = tpu.memref_squeeze %dma_wait3A_124 : memref<1x1x64x128xf32, #tpu.memory_space<vmem>> -> memref<64x128xf32, #tpu.memory_space<vmem>>
      %dma_wait3A_126 = arith.constant 0 : i32
      %dma_wait3A_127 = tpu.memref_slice %arg5[%dma_wait3A_118, %dma_wait3A_119, %dma_wait3A_126] : memref<20x4x64xi32, #tpu.memory_space<vmem>> -> memref<1x1x64xi32, #tpu.memory_space<vmem>>
      %dma_wait3A_128 = tpu.memref_squeeze %dma_wait3A_127 : memref<1x1x64xi32, #tpu.memory_space<vmem>> -> memref<64xi32, #tpu.memory_space<vmem>>
      %dma_wait3A_129 = arith.constant 0 : i32
      %dma_wait3A_130 = arith.constant 0 : i32
      %dma_wait3A_131 = tpu.memref_slice %arg3[%dma_wait3A_129, %dma_wait3A_130] : memref<100000x128xf32, #tpu.memory_space<hbm>> -> memref<100000x128xf32, #tpu.memory_space<hbm>>
      tpu.wait_indirect_dma semaphore(%arg8 : memref<!tpu.dma_semaphore, #tpu.memory_space<semaphore_mem>>) src(%dma_wait3A_131 : memref<100000x128xf32, #tpu.memory_space<hbm>>) dst(%dma_wait3A_125 : memref<64x128xf32, #tpu.memory_space<vmem>>)
      %dma_wait3A_132 = arith.constant 0 : i32
      %dma_wait3A_133 = arith.constant 0 : i32
      %dma_wait3A_134 = arith.constant 0 : i32
      %dma_wait3A_135 = arith.constant 3 : i32
      %dma_wait3A_136 = arith.constant 0 : i32
      %dma_wait3A_137 = arith.constant 0 : i32
      %dma_wait3A_138 = tpu.memref_slice %arg6[%dma_wait3A_134, %dma_wait3A_135, %dma_wait3A_136, %dma_wait3A_137] : memref<2x5x64x128xf32, #tpu.memory_space<vmem>> -> memref<1x1x64x128xf32, #tpu.memory_space<vmem>>
      %dma_wait3A_139 = tpu.memref_squeeze %dma_wait3A_138 : memref<1x1x64x128xf32, #tpu.memory_space<vmem>> -> memref<64x128xf32, #tpu.memory_space<vmem>>
      %dma_wait3A_140 = arith.constant 0 : i32
      %dma_wait3A_141 = tpu.memref_slice %arg5[%dma_wait3A_132, %dma_wait3A_133, %dma_wait3A_140] : memref<20x4x64xi32, #tpu.memory_space<vmem>> -> memref<1x1x64xi32, #tpu.memory_space<vmem>>
      %dma_wait3A_142 = tpu.memref_squeeze %dma_wait3A_141 : memref<1x1x64xi32, #tpu.memory_space<vmem>> -> memref<64xi32, #tpu.memory_space<vmem>>
      %dma_wait3A_143 = arith.constant 0 : i32
      %dma_wait3A_144 = arith.constant 0 : i32
      %dma_wait3A_145 = tpu.memref_slice %arg3[%dma_wait3A_143, %dma_wait3A_144] : memref<100000x128xf32, #tpu.memory_space<hbm>> -> memref<100000x128xf32, #tpu.memory_space<hbm>>
      tpu.wait_indirect_dma semaphore(%arg8 : memref<!tpu.dma_semaphore, #tpu.memory_space<semaphore_mem>>) src(%dma_wait3A_145 : memref<100000x128xf32, #tpu.memory_space<hbm>>) dst(%dma_wait3A_139 : memref<64x128xf32, #tpu.memory_space<vmem>>)
      %dma_wait3A_146 = arith.constant 0 : i32
      %dma_wait3A_147 = arith.constant 0 : i32
      %dma_wait3A_148 = arith.constant 0 : i32
      %dma_wait3A_149 = arith.constant 4 : i32
      %dma_wait3A_150 = arith.constant 0 : i32
      %dma_wait3A_151 = arith.constant 0 : i32
      %dma_wait3A_152 = tpu.memref_slice %arg6[%dma_wait3A_148, %dma_wait3A_149, %dma_wait3A_150, %dma_wait3A_151] : memref<2x5x64x128xf32, #tpu.memory_space<vmem>> -> memref<1x1x64x128xf32, #tpu.memory_space<vmem>>
      %dma_wait3A_153 = tpu.memref_squeeze %dma_wait3A_152 : memref<1x1x64x128xf32, #tpu.memory_space<vmem>> -> memref<64x128xf32, #tpu.memory_space<vmem>>
      %dma_wait3A_154 = arith.constant 0 : i32
      %dma_wait3A_155 = tpu.memref_slice %arg5[%dma_wait3A_146, %dma_wait3A_147, %dma_wait3A_154] : memref<20x4x64xi32, #tpu.memory_space<vmem>> -> memref<1x1x64xi32, #tpu.memory_space<vmem>>
      %dma_wait3A_156 = tpu.memref_squeeze %dma_wait3A_155 : memref<1x1x64xi32, #tpu.memory_space<vmem>> -> memref<64xi32, #tpu.memory_space<vmem>>
      %dma_wait3A_157 = arith.constant 0 : i32
      %dma_wait3A_158 = arith.constant 0 : i32
      %dma_wait3A_159 = tpu.memref_slice %arg3[%dma_wait3A_157, %dma_wait3A_158] : memref<100000x128xf32, #tpu.memory_space<hbm>> -> memref<100000x128xf32, #tpu.memory_space<hbm>>
      tpu.wait_indirect_dma semaphore(%arg8 : memref<!tpu.dma_semaphore, #tpu.memory_space<semaphore_mem>>) src(%dma_wait3A_159 : memref<100000x128xf32, #tpu.memory_space<hbm>>) dst(%dma_wait3A_153 : memref<64x128xf32, #tpu.memory_space<vmem>>)
      %scan3A_160 = arith.constant 0 : i32
      %scan3A_161 = arith.constant 0 : i32
      %scan3A_162 = arith.constant 32 : i32
      %scan3A_163 = arith.addi %scan3A_161, %scan3A_162 : i32
      %scan3A_164 = arith.constant 1 : i32
      scf.for %scan3A_289 = %scan3A_161 to %scan3A_163 step %scan3A_164  : i32 {
        %mul3A_290 = arith.constant 2 : i32
        %mul3A_291 = arith.muli %scan3A_289, %mul3A_290 : i32
        %add3A_292 = arith.constant 0 : i32
        %add3A_293 = arith.addi %mul3A_291, %add3A_292 : i32
        %get3A = arith.constant 0 : i32
        %get3A_294 = arith.constant 0 : i32
        %get3A_295 = arith.index_cast %get3A : i32 to index
        %get3A_296 = arith.index_cast %get3A_294 : i32 to index
        %get3A_297 = arith.index_cast %add3A_293 : i32 to index
        %get3A_298 = arith.constant 0 : index
        %get3A_299 = tpu.vector_load %arg6[%get3A_295, %get3A_296, %get3A_297, %get3A_298] {strides = array<i32>} : memref<2x5x64x128xf32, #tpu.memory_space<vmem>>, vector<1x1x1x16xf32>,
        %get3A_300 = vector.shape_cast %get3A_299 : vector<1x1x1x16xf32> to vector<16xf32>
        %get3A_301 = arith.constant 0 : i32
        %get3A_302 = arith.constant 1 : i32
        %get3A_303 = arith.index_cast %get3A_301 : i32 to index
        %get3A_304 = arith.index_cast %get3A_302 : i32 to index
        %get3A_305 = arith.index_cast %add3A_293 : i32 to index
        %get3A_306 = arith.constant 0 : index
        %get3A_307 = tpu.vector_load %arg6[%get3A_303, %get3A_304, %get3A_305, %get3A_306] {strides = array<i32>} : memref<2x5x64x128xf32, #tpu.memory_space<vmem>>, vector<1x1x1x16xf32>,
        %get3A_308 = vector.shape_cast %get3A_307 : vector<1x1x1x16xf32> to vector<16xf32>
        %add3A_309 = arith.addf %get3A_300, %get3A_308 : vector<16xf32>
        %get3A_310 = arith.constant 0 : i32
        %get3A_311 = arith.constant 2 : i32
        %get3A_312 = arith.index_cast %get3A_310 : i32 to index
        %get3A_313 = arith.index_cast %get3A_311 : i32 to index
        %get3A_314 = arith.index_cast %add3A_293 : i32 to index
        %get3A_315 = arith.constant 0 : index
        %get3A_316 = tpu.vector_load %arg6[%get3A_312, %get3A_313, %get3A_314, %get3A_315] {strides = array<i32>} : memref<2x5x64x128xf32, #tpu.memory_space<vmem>>, vector<1x1x1x16xf32>,
        %get3A_317 = vector.shape_cast %get3A_316 : vector<1x1x1x16xf32> to vector<16xf32>
        %add3A_318 = arith.addf %add3A_309, %get3A_317 : vector<16xf32>
        %get3A_319 = arith.constant 0 : i32
        %get3A_320 = arith.constant 3 : i32
        %get3A_321 = arith.index_cast %get3A_319 : i32 to index
        %get3A_322 = arith.index_cast %get3A_320 : i32 to index
        %get3A_323 = arith.index_cast %add3A_293 : i32 to index
        %get3A_324 = arith.constant 0 : index
        %get3A_325 = tpu.vector_load %arg6[%get3A_321, %get3A_322, %get3A_323, %get3A_324] {strides = array<i32>} : memref<2x5x64x128xf32, #tpu.memory_space<vmem>>, vector<1x1x1x16xf32>,
        %get3A_326 = vector.shape_cast %get3A_325 : vector<1x1x1x16xf32> to vector<16xf32>
        %add3A_327 = arith.addf %add3A_318, %get3A_326 : vector<16xf32>
        %get3A_328 = arith.constant 0 : i32
        %get3A_329 = arith.constant 4 : i32
        %get3A_330 = arith.index_cast %get3A_328 : i32 to index
        %get3A_331 = arith.index_cast %get3A_329 : i32 to index
        %get3A_332 = arith.index_cast %add3A_293 : i32 to index
        %get3A_333 = arith.constant 0 : index
        %get3A_334 = tpu.vector_load %arg6[%get3A_330, %get3A_331, %get3A_332, %get3A_333] {strides = array<i32>} : memref<2x5x64x128xf32, #tpu.memory_space<vmem>>, vector<1x1x1x16xf32>,
        %get3A_335 = vector.shape_cast %get3A_334 : vector<1x1x1x16xf32> to vector<16xf32>
        %add3A_336 = arith.addf %add3A_327, %get3A_335 : vector<16xf32>
        %swap3A = arith.index_cast %add3A_293 : i32 to index
        %swap3A_337 = arith.constant 0 : index
        %swap3A_338 = tpu.vector_load %arg7[%swap3A, %swap3A_337] {strides = array<i32>} : memref<64x128xf32, #tpu.memory_space<vmem>>, vector<1x16xf32>,
        %swap3A_339 = vector.shape_cast %swap3A_338 : vector<1x16xf32> to vector<16xf32>
        %swap3A_340 = vector.shape_cast %add3A_336 : vector<16xf32> to vector<1x16xf32>
        tpu.vector_store %arg7[%swap3A, %swap3A_337], %swap3A_340 {add = true, strides = array<i32>} : memref<64x128xf32, #tpu.memory_space<vmem>>, vector<1x16xf32>,
        %get3A_341 = arith.constant 0 : i32
        %get3A_342 = arith.constant 0 : i32
        %get3A_343 = arith.index_cast %get3A_341 : i32 to index
        %get3A_344 = arith.index_cast %get3A_342 : i32 to index
        %get3A_345 = arith.index_cast %add3A_293 : i32 to index
        %get3A_346 = arith.constant 16 : index
        %get3A_347 = tpu.vector_load %arg6[%get3A_343, %get3A_344, %get3A_345, %get3A_346] {strides = array<i32>} : memref<2x5x64x128xf32, #tpu.memory_space<vmem>>, vector<1x1x1x16xf32>,
        %get3A_348 = vector.shape_cast %get3A_347 : vector<1x1x1x16xf32> to vector<16xf32>
        %get3A_349 = arith.constant 0 : i32
        %get3A_350 = arith.constant 1 : i32
        %get3A_351 = arith.index_cast %get3A_349 : i32 to index
        %get3A_352 = arith.index_cast %get3A_350 : i32 to index
        %get3A_353 = arith.index_cast %add3A_293 : i32 to index
        %get3A_354 = arith.constant 16 : index
        %get3A_355 = tpu.vector_load %arg6[%get3A_351, %get3A_352, %get3A_353, %get3A_354] {strides = array<i32>} : memref<2x5x64x128xf32, #tpu.memory_space<vmem>>, vector<1x1x1x16xf32>,
        %get3A_356 = vector.shape_cast %get3A_355 : vector<1x1x1x16xf32> to vector<16xf32>
        %add3A_357 = arith.addf %get3A_348, %get3A_356 : vector<16xf32>
        %get3A_358 = arith.constant 0 : i32
        %get3A_359 = arith.constant 2 : i32
        %get3A_360 = arith.index_cast %get3A_358 : i32 to index
        %get3A_361 = arith.index_cast %get3A_359 : i32 to index
        %get3A_362 = arith.index_cast %add3A_293 : i32 to index
        %get3A_363 = arith.constant 16 : index
        %get3A_364 = tpu.vector_load %arg6[%get3A_360, %get3A_361, %get3A_362, %get3A_363] {strides = array<i32>} : memref<2x5x64x128xf32, #tpu.memory_space<vmem>>, vector<1x1x1x16xf32>,
        %get3A_365 = vector.shape_cast %get3A_364 : vector<1x1x1x16xf32> to vector<16xf32>
        %add3A_366 = arith.addf %add3A_357, %get3A_365 : vector<16xf32>
        %get3A_367 = arith.constant 0 : i32
        %get3A_368 = arith.constant 3 : i32
        %get3A_369 = arith.index_cast %get3A_367 : i32 to index
        %get3A_370 = arith.index_cast %get3A_368 : i32 to index
        %get3A_371 = arith.index_cast %add3A_293 : i32 to index
        %get3A_372 = arith.constant 16 : index
        %get3A_373 = tpu.vector_load %arg6[%get3A_369, %get3A_370, %get3A_371, %get3A_372] {strides = array<i32>} : memref<2x5x64x128xf32, #tpu.memory_space<vmem>>, vector<1x1x1x16xf32>,
        %get3A_374 = vector.shape_cast %get3A_373 : vector<1x1x1x16xf32> to vector<16xf32>
        %add3A_375 = arith.addf %add3A_366, %get3A_374 : vector<16xf32>
        %get3A_376 = arith.constant 0 : i32
        %get3A_377 = arith.constant 4 : i32
        %get3A_378 = arith.index_cast %get3A_376 : i32 to index
        %get3A_379 = arith.index_cast %get3A_377 : i32 to index
        %get3A_380 = arith.index_cast %add3A_293 : i32 to index
        %get3A_381 = arith.constant 16 : index
        %get3A_382 = tpu.vector_load %arg6[%get3A_378, %get3A_379, %get3A_380, %get3A_381] {strides = array<i32>} : memref<2x5x64x128xf32, #tpu.memory_space<vmem>>, vector<1x1x1x16xf32>,
        %get3A_383 = vector.shape_cast %get3A_382 : vector<1x1x1x16xf32> to vector<16xf32>
        %add3A_384 = arith.addf %add3A_375, %get3A_383 : vector<16xf32>
        %swap3A_385 = arith.index_cast %add3A_293 : i32 to index
        %swap3A_386 = arith.constant 16 : index
        %swap3A_387 = tpu.vector_load %arg7[%swap3A_385, %swap3A_386] {strides = array<i32>} : memref<64x128xf32, #tpu.memory_space<vmem>>, vector<1x16xf32>,
        %swap3A_388 = vector.shape_cast %swap3A_387 : vector<1x16xf32> to vector<16xf32>
        %swap3A_389 = vector.shape_cast %add3A_384 : vector<16xf32> to vector<1x16xf32>
        tpu.vector_store %arg7[%swap3A_385, %swap3A_386], %swap3A_389 {add = true, strides = array<i32>} : memref<64x128xf32, #tpu.memory_space<vmem>>, vector<1x16xf32>,
        %get3A_390 = arith.constant 0 : i32
        %get3A_391 = arith.constant 0 : i32
        %get3A_392 = arith.index_cast %get3A_390 : i32 to index
        %get3A_393 = arith.index_cast %get3A_391 : i32 to index
        %get3A_394 = arith.index_cast %add3A_293 : i32 to index
        %get3A_395 = arith.constant 32 : index
        %get3A_396 = tpu.vector_load %arg6[%get3A_392, %get3A_393, %get3A_394, %get3A_395] {strides = array<i32>} : memref<2x5x64x128xf32, #tpu.memory_space<vmem>>, vector<1x1x1x16xf32>,
        %get3A_397 = vector.shape_cast %get3A_396 : vector<1x1x1x16xf32> to vector<16xf32>
        %get3A_398 = arith.constant 0 : i32
        %get3A_399 = arith.constant 1 : i32
        %get3A_400 = arith.index_cast %get3A_398 : i32 to index
        %get3A_401 = arith.index_cast %get3A_399 : i32 to index
        %get3A_402 = arith.index_cast %add3A_293 : i32 to index
        %get3A_403 = arith.constant 32 : index
        %get3A_404 = tpu.vector_load %arg6[%get3A_400, %get3A_401, %get3A_402, %get3A_403] {strides = array<i32>} : memref<2x5x64x128xf32, #tpu.memory_space<vmem>>, vector<1x1x1x16xf32>,
        %get3A_405 = vector.shape_cast %get3A_404 : vector<1x1x1x16xf32> to vector<16xf32>
        %add3A_406 = arith.addf %get3A_397, %get3A_405 : vector<16xf32>
        %get3A_407 = arith.constant 0 : i32
        %get3A_408 = arith.constant 2 : i32
        %get3A_409 = arith.index_cast %get3A_407 : i32 to index
        %get3A_410 = arith.index_cast %get3A_408 : i32 to index
        %get3A_411 = arith.index_cast %add3A_293 : i32 to index
        %get3A_412 = arith.constant 32 : index
        %get3A_413 = tpu.vector_load %arg6[%get3A_409, %get3A_410, %get3A_411, %get3A_412] {strides = array<i32>} : memref<2x5x64x128xf32, #tpu.memory_space<vmem>>, vector<1x1x1x16xf32>,
        %get3A_414 = vector.shape_cast %get3A_413 : vector<1x1x1x16xf32> to vector<16xf32>
        %add3A_415 = arith.addf %add3A_406, %get3A_414 : vector<16xf32>
        %get3A_416 = arith.constant 0 : i32
        %get3A_417 = arith.constant 3 : i32
        %get3A_418 = arith.index_cast %get3A_416 : i32 to index
        %get3A_419 = arith.index_cast %get3A_417 : i32 to index
        %get3A_420 = arith.index_cast %add3A_293 : i32 to index
        %get3A_421 = arith.constant 32 : index
        %get3A_422 = tpu.vector_load %arg6[%get3A_418, %get3A_419, %get3A_420, %get3A_421] {strides = array<i32>} : memref<2x5x64x128xf32, #tpu.memory_space<vmem>>, vector<1x1x1x16xf32>,
        %get3A_423 = vector.shape_cast %get3A_422 : vector<1x1x1x16xf32> to vector<16xf32>
        %add3A_424 = arith.addf %add3A_415, %get3A_423 : vector<16xf32>
        %get3A_425 = arith.constant 0 : i32
        %get3A_426 = arith.constant 4 : i32
        %get3A_427 = arith.index_cast %get3A_425 : i32 to index
        %get3A_428 = arith.index_cast %get3A_426 : i32 to index
        %get3A_429 = arith.index_cast %add3A_293 : i32 to index
        %get3A_430 = arith.constant 32 : index
        %get3A_431 = tpu.vector_load %arg6[%get3A_427, %get3A_428, %get3A_429, %get3A_430] {strides = array<i32>} : memref<2x5x64x128xf32, #tpu.memory_space<vmem>>, vector<1x1x1x16xf32>,
        %get3A_432 = vector.shape_cast %get3A_431 : vector<1x1x1x16xf32> to vector<16xf32>
        %add3A_433 = arith.addf %add3A_424, %get3A_432 : vector<16xf32>
        %swap3A_434 = arith.index_cast %add3A_293 : i32 to index
        %swap3A_435 = arith.constant 32 : index
        %swap3A_436 = tpu.vector_load %arg7[%swap3A_434, %swap3A_435] {strides = array<i32>} : memref<64x128xf32, #tpu.memory_space<vmem>>, vector<1x16xf32>,
        %swap3A_437 = vector.shape_cast %swap3A_436 : vector<1x16xf32> to vector<16xf32>
        %swap3A_438 = vector.shape_cast %add3A_433 : vector<16xf32> to vector<1x16xf32>
        tpu.vector_store %arg7[%swap3A_434, %swap3A_435], %swap3A_438 {add = true, strides = array<i32>} : memref<64x128xf32, #tpu.memory_space<vmem>>, vector<1x16xf32>,
        %get3A_439 = arith.constant 0 : i32
        %get3A_440 = arith.constant 0 : i32
        %get3A_441 = arith.index_cast %get3A_439 : i32 to index
        %get3A_442 = arith.index_cast %get3A_440 : i32 to index
        %get3A_443 = arith.index_cast %add3A_293 : i32 to index
        %get3A_444 = arith.constant 48 : index
        %get3A_445 = tpu.vector_load %arg6[%get3A_441, %get3A_442, %get3A_443, %get3A_444] {strides = array<i32>} : memref<2x5x64x128xf32, #tpu.memory_space<vmem>>, vector<1x1x1x16xf32>,
        %get3A_446 = vector.shape_cast %get3A_445 : vector<1x1x1x16xf32> to vector<16xf32>
        %get3A_447 = arith.constant 0 : i32
        %get3A_448 = arith.constant 1 : i32
        %get3A_449 = arith.index_cast %get3A_447 : i32 to index
        %get3A_450 = arith.index_cast %get3A_448 : i32 to index
        %get3A_451 = arith.index_cast %add3A_293 : i32 to index
        %get3A_452 = arith.constant 48 : index
        %get3A_453 = tpu.vector_load %arg6[%get3A_449, %get3A_450, %get3A_451, %get3A_452] {strides = array<i32>} : memref<2x5x64x128xf32, #tpu.memory_space<vmem>>, vector<1x1x1x16xf32>,
        %get3A_454 = vector.shape_cast %get3A_453 : vector<1x1x1x16xf32> to vector<16xf32>
        %add3A_455 = arith.addf %get3A_446, %get3A_454 : vector<16xf32>
        %get3A_456 = arith.constant 0 : i32
        %get3A_457 = arith.constant 2 : i32
        %get3A_458 = arith.index_cast %get3A_456 : i32 to index
        %get3A_459 = arith.index_cast %get3A_457 : i32 to index
        %get3A_460 = arith.index_cast %add3A_293 : i32 to index
        %get3A_461 = arith.constant 48 : index
        %get3A_462 = tpu.vector_load %arg6[%get3A_458, %get3A_459, %get3A_460, %get3A_461] {strides = array<i32>} : memref<2x5x64x128xf32, #tpu.memory_space<vmem>>, vector<1x1x1x16xf32>,
        %get3A_463 = vector.shape_cast %get3A_462 : vector<1x1x1x16xf32> to vector<16xf32>
        %add3A_464 = arith.addf %add3A_455, %get3A_463 : vector<16xf32>
        %get3A_465 = arith.constant 0 : i32
        %get3A_466 = arith.constant 3 : i32
        %get3A_467 = arith.index_cast %get3A_465 : i32 to index
        %get3A_468 = arith.index_cast %get3A_466 : i32 to index
        %get3A_469 = arith.index_cast %add3A_293 : i32 to index
        %get3A_470 = arith.constant 48 : index
        %get3A_471 = tpu.vector_load %arg6[%get3A_467, %get3A_468, %get3A_469, %get3A_470] {strides = array<i32>} : memref<2x5x64x128xf32, #tpu.memory_space<vmem>>, vector<1x1x1x16xf32>,
        %get3A_472 = vector.shape_cast %get3A_471 : vector<1x1x1x16xf32> to vector<16xf32>
        %add3A_473 = arith.addf %add3A_464, %get3A_472 : vector<16xf32>
        %get3A_474 = arith.constant 0 : i32
        %get3A_475 = arith.constant 4 : i32
        %get3A_476 = arith.index_cast %get3A_474 : i32 to index
        %get3A_477 = arith.index_cast %get3A_475 : i32 to index
        %get3A_478 = arith.index_cast %add3A_293 : i32 to index
        %get3A_479 = arith.constant 48 : index
        %get3A_480 = tpu.vector_load %arg6[%get3A_476, %get3A_477, %get3A_478, %get3A_479] {strides = array<i32>} : memref<2x5x64x128xf32, #tpu.memory_space<vmem>>, vector<1x1x1x16xf32>,
        %get3A_481 = vector.shape_cast %get3A_480 : vector<1x1x1x16xf32> to vector<16xf32>
        %add3A_482 = arith.addf %add3A_473, %get3A_481 : vector<16xf32>
        %swap3A_483 = arith.index_cast %add3A_293 : i32 to index
        %swap3A_484 = arith.constant 48 : index
        %swap3A_485 = tpu.vector_load %arg7[%swap3A_483, %swap3A_484] {strides = array<i32>} : memref<64x128xf32, #tpu.memory_space<vmem>>, vector<1x16xf32>,
        %swap3A_486 = vector.shape_cast %swap3A_485 : vector<1x16xf32> to vector<16xf32>
        %swap3A_487 = vector.shape_cast %add3A_482 : vector<16xf32> to vector<1x16xf32>
        tpu.vector_store %arg7[%swap3A_483, %swap3A_484], %swap3A_487 {add = true, strides = array<i32>} : memref<64x128xf32, #tpu.memory_space<vmem>>, vector<1x16xf32>,
        %get3A_488 = arith.constant 0 : i32
        %get3A_489 = arith.constant 0 : i32
        %get3A_490 = arith.index_cast %get3A_488 : i32 to index
        %get3A_491 = arith.index_cast %get3A_489 : i32 to index
        %get3A_492 = arith.index_cast %add3A_293 : i32 to index
        %get3A_493 = arith.constant 64 : index
        %get3A_494 = tpu.vector_load %arg6[%get3A_490, %get3A_491, %get3A_492, %get3A_493] {strides = array<i32>} : memref<2x5x64x128xf32, #tpu.memory_space<vmem>>, vector<1x1x1x16xf32>,
        %get3A_495 = vector.shape_cast %get3A_494 : vector<1x1x1x16xf32> to vector<16xf32>
        %get3A_496 = arith.constant 0 : i32
        %get3A_497 = arith.constant 1 : i32
        %get3A_498 = arith.index_cast %get3A_496 : i32 to index
        %get3A_499 = arith.index_cast %get3A_497 : i32 to index
        %get3A_500 = arith.index_cast %add3A_293 : i32 to index
        %get3A_501 = arith.constant 64 : index
        %get3A_502 = tpu.vector_load %arg6[%get3A_498, %get3A_499, %get3A_500, %get3A_501] {strides = array<i32>} : memref<2x5x64x128xf32, #tpu.memory_space<vmem>>, vector<1x1x1x16xf32>,
        %get3A_503 = vector.shape_cast %get3A_502 : vector<1x1x1x16xf32> to vector<16xf32>
        %add3A_504 = arith.addf %get3A_495, %get3A_503 : vector<16xf32>
        %get3A_505 = arith.constant 0 : i32
        %get3A_506 = arith.constant 2 : i32
        %get3A_507 = arith.index_cast %get3A_505 : i32 to index
        %get3A_508 = arith.index_cast %get3A_506 : i32 to index
        %get3A_509 = arith.index_cast %add3A_293 : i32 to index
        %get3A_510 = arith.constant 64 : index
        %get3A_511 = tpu.vector_load %arg6[%get3A_507, %get3A_508, %get3A_509, %get3A_510] {strides = array<i32>} : memref<2x5x64x128xf32, #tpu.memory_space<vmem>>, vector<1x1x1x16xf32>,
        %get3A_512 = vector.shape_cast %get3A_511 : vector<1x1x1x16xf32> to vector<16xf32>
        %add3A_513 = arith.addf %add3A_504, %get3A_512 : vector<16xf32>
        %get3A_514 = arith.constant 0 : i32
        %get3A_515 = arith.constant 3 : i32
        %get3A_516 = arith.index_cast %get3A_514 : i32 to index
        %get3A_517 = arith.index_cast %get3A_515 : i32 to index
        %get3A_518 = arith.index_cast %add3A_293 : i32 to index
        %get3A_519 = arith.constant 64 : index
        %get3A_520 = tpu.vector_load %arg6[%get3A_516, %get3A_517, %get3A_518, %get3A_519] {strides = array<i32>} : memref<2x5x64x128xf32, #tpu.memory_space<vmem>>, vector<1x1x1x16xf32>,
        %get3A_521 = vector.shape_cast %get3A_520 : vector<1x1x1x16xf32> to vector<16xf32>
        %add3A_522 = arith.addf %add3A_513, %get3A_521 : vector<16xf32>
        %get3A_523 = arith.constant 0 : i32
        %get3A_524 = arith.constant 4 : i32
        %get3A_525 = arith.index_cast %get3A_523 : i32 to index
        %get3A_526 = arith.index_cast %get3A_524 : i32 to index
        %get3A_527 = arith.index_cast %add3A_293 : i32 to index
        %get3A_528 = arith.constant 64 : index
        %get3A_529 = tpu.vector_load %arg6[%get3A_525, %get3A_526, %get3A_527, %get3A_528] {strides = array<i32>} : memref<2x5x64x128xf32, #tpu.memory_space<vmem>>, vector<1x1x1x16xf32>,
        %get3A_530 = vector.shape_cast %get3A_529 : vector<1x1x1x16xf32> to vector<16xf32>
        %add3A_531 = arith.addf %add3A_522, %get3A_530 : vector<16xf32>
        %swap3A_532 = arith.index_cast %add3A_293 : i32 to index
        %swap3A_533 = arith.constant 64 : index
        %swap3A_534 = tpu.vector_load %arg7[%swap3A_532, %swap3A_533] {strides = array<i32>} : memref<64x128xf32, #tpu.memory_space<vmem>>, vector<1x16xf32>,
        %swap3A_535 = vector.shape_cast %swap3A_534 : vector<1x16xf32> to vector<16xf32>
        %swap3A_536 = vector.shape_cast %add3A_531 : vector<16xf32> to vector<1x16xf32>
        tpu.vector_store %arg7[%swap3A_532, %swap3A_533], %swap3A_536 {add = true, strides = array<i32>} : memref<64x128xf32, #tpu.memory_space<vmem>>, vector<1x16xf32>,
        %get3A_537 = arith.constant 0 : i32
        %get3A_538 = arith.constant 0 : i32
        %get3A_539 = arith.index_cast %get3A_537 : i32 to index
        %get3A_540 = arith.index_cast %get3A_538 : i32 to index
        %get3A_541 = arith.index_cast %add3A_293 : i32 to index
        %get3A_542 = arith.constant 80 : index
        %get3A_543 = tpu.vector_load %arg6[%get3A_539, %get3A_540, %get3A_541, %get3A_542] {strides = array<i32>} : memref<2x5x64x128xf32, #tpu.memory_space<vmem>>, vector<1x1x1x16xf32>,
        %get3A_544 = vector.shape_cast %get3A_543 : vector<1x1x1x16xf32> to vector<16xf32>
        %get3A_545 = arith.constant 0 : i32
        %get3A_546 = arith.constant 1 : i32
        %get3A_547 = arith.index_cast %get3A_545 : i32 to index
        %get3A_548 = arith.index_cast %get3A_546 : i32 to index
        %get3A_549 = arith.index_cast %add3A_293 : i32 to index
        %get3A_550 = arith.constant 80 : index
        %get3A_551 = tpu.vector_load %arg6[%get3A_547, %get3A_548, %get3A_549, %get3A_550] {strides = array<i32>} : memref<2x5x64x128xf32, #tpu.memory_space<vmem>>, vector<1x1x1x16xf32>,
        %get3A_552 = vector.shape_cast %get3A_551 : vector<1x1x1x16xf32> to vector<16xf32>
        %add3A_553 = arith.addf %get3A_544, %get3A_552 : vector<16xf32>
        %get3A_554 = arith.constant 0 : i32
        %get3A_555 = arith.constant 2 : i32
        %get3A_556 = arith.index_cast %get3A_554 : i32 to index
        %get3A_557 = arith.index_cast %get3A_555 : i32 to index
        %get3A_558 = arith.index_cast %add3A_293 : i32 to index
        %get3A_559 = arith.constant 80 : index
        %get3A_560 = tpu.vector_load %arg6[%get3A_556, %get3A_557, %get3A_558, %get3A_559] {strides = array<i32>} : memref<2x5x64x128xf32, #tpu.memory_space<vmem>>, vector<1x1x1x16xf32>,
        %get3A_561 = vector.shape_cast %get3A_560 : vector<1x1x1x16xf32> to vector<16xf32>
        %add3A_562 = arith.addf %add3A_553, %get3A_561 : vector<16xf32>
        %get3A_563 = arith.constant 0 : i32
        %get3A_564 = arith.constant 3 : i32
        %get3A_565 = arith.index_cast %get3A_563 : i32 to index
        %get3A_566 = arith.index_cast %get3A_564 : i32 to index
        %get3A_567 = arith.index_cast %add3A_293 : i32 to index
        %get3A_568 = arith.constant 80 : index
        %get3A_569 = tpu.vector_load %arg6[%get3A_565, %get3A_566, %get3A_567, %get3A_568] {strides = array<i32>} : memref<2x5x64x128xf32, #tpu.memory_space<vmem>>, vector<1x1x1x16xf32>,
        %get3A_570 = vector.shape_cast %get3A_569 : vector<1x1x1x16xf32> to vector<16xf32>
        %add3A_571 = arith.addf %add3A_562, %get3A_570 : vector<16xf32>
        %get3A_572 = arith.constant 0 : i32
        %get3A_573 = arith.constant 4 : i32
        %get3A_574 = arith.index_cast %get3A_572 : i32 to index
        %get3A_575 = arith.index_cast %get3A_573 : i32 to index
        %get3A_576 = arith.index_cast %add3A_293 : i32 to index
        %get3A_577 = arith.constant 80 : index
        %get3A_578 = tpu.vector_load %arg6[%get3A_574, %get3A_575, %get3A_576, %get3A_577] {strides = array<i32>} : memref<2x5x64x128xf32, #tpu.memory_space<vmem>>, vector<1x1x1x16xf32>,
        %get3A_579 = vector.shape_cast %get3A_578 : vector<1x1x1x16xf32> to vector<16xf32>
        %add3A_580 = arith.addf %add3A_571, %get3A_579 : vector<16xf32>
        %swap3A_581 = arith.index_cast %add3A_293 : i32 to index
        %swap3A_582 = arith.constant 80 : index
        %swap3A_583 = tpu.vector_load %arg7[%swap3A_581, %swap3A_582] {strides = array<i32>} : memref<64x128xf32, #tpu.memory_space<vmem>>, vector<1x16xf32>,
        %swap3A_584 = vector.shape_cast %swap3A_583 : vector<1x16xf32> to vector<16xf32>
        %swap3A_585 = vector.shape_cast %add3A_580 : vector<16xf32> to vector<1x16xf32>
        tpu.vector_store %arg7[%swap3A_581, %swap3A_582], %swap3A_585 {add = true, strides = array<i32>} : memref<64x128xf32, #tpu.memory_space<vmem>>, vector<1x16xf32>,
        %get3A_586 = arith.constant 0 : i32
        %get3A_587 = arith.constant 0 : i32
        %get3A_588 = arith.index_cast %get3A_586 : i32 to index
        %get3A_589 = arith.index_cast %get3A_587 : i32 to index
        %get3A_590 = arith.index_cast %add3A_293 : i32 to index
        %get3A_591 = arith.constant 96 : index
        %get3A_592 = tpu.vector_load %arg6[%get3A_588, %get3A_589, %get3A_590, %get3A_591] {strides = array<i32>} : memref<2x5x64x128xf32, #tpu.memory_space<vmem>>, vector<1x1x1x16xf32>,
        %get3A_593 = vector.shape_cast %get3A_592 : vector<1x1x1x16xf32> to vector<16xf32>
        %get3A_594 = arith.constant 0 : i32
        %get3A_595 = arith.constant 1 : i32
        %get3A_596 = arith.index_cast %get3A_594 : i32 to index
        %get3A_597 = arith.index_cast %get3A_595 : i32 to index
        %get3A_598 = arith.index_cast %add3A_293 : i32 to index
        %get3A_599 = arith.constant 96 : index
        %get3A_600 = tpu.vector_load %arg6[%get3A_596, %get3A_597, %get3A_598, %get3A_599] {strides = array<i32>} : memref<2x5x64x128xf32, #tpu.memory_space<vmem>>, vector<1x1x1x16xf32>,
        %get3A_601 = vector.shape_cast %get3A_600 : vector<1x1x1x16xf32> to vector<16xf32>
        %add3A_602 = arith.addf %get3A_593, %get3A_601 : vector<16xf32>
        %get3A_603 = arith.constant 0 : i32
        %get3A_604 = arith.constant 2 : i32
        %get3A_605 = arith.index_cast %get3A_603 : i32 to index
        %get3A_606 = arith.index_cast %get3A_604 : i32 to index
        %get3A_607 = arith.index_cast %add3A_293 : i32 to index
        %get3A_608 = arith.constant 96 : index
        %get3A_609 = tpu.vector_load %arg6[%get3A_605, %get3A_606, %get3A_607, %get3A_608] {strides = array<i32>} : memref<2x5x64x128xf32, #tpu.memory_space<vmem>>, vector<1x1x1x16xf32>,
        %get3A_610 = vector.shape_cast %get3A_609 : vector<1x1x1x16xf32> to vector<16xf32>
        %add3A_611 = arith.addf %add3A_602, %get3A_610 : vector<16xf32>
        %get3A_612 = arith.constant 0 : i32
        %get3A_613 = arith.constant 3 : i32
        %get3A_614 = arith.index_cast %get3A_612 : i32 to index
        %get3A_615 = arith.index_cast %get3A_613 : i32 to index
        %get3A_616 = arith.index_cast %add3A_293 : i32 to index
        %get3A_617 = arith.constant 96 : index
        %get3A_618 = tpu.vector_load %arg6[%get3A_614, %get3A_615, %get3A_616, %get3A_617] {strides = array<i32>} : memref<2x5x64x128xf32, #tpu.memory_space<vmem>>, vector<1x1x1x16xf32>,
        %get3A_619 = vector.shape_cast %get3A_618 : vector<1x1x1x16xf32> to vector<16xf32>
        %add3A_620 = arith.addf %add3A_611, %get3A_619 : vector<16xf32>
        %get3A_621 = arith.constant 0 : i32
        %get3A_622 = arith.constant 4 : i32
        %get3A_623 = arith.index_cast %get3A_621 : i32 to index
        %get3A_624 = arith.index_cast %get3A_622 : i32 to index
        %get3A_625 = arith.index_cast %add3A_293 : i32 to index
        %get3A_626 = arith.constant 96 : index
        %get3A_627 = tpu.vector_load %arg6[%get3A_623, %get3A_624, %get3A_625, %get3A_626] {strides = array<i32>} : memref<2x5x64x128xf32, #tpu.memory_space<vmem>>, vector<1x1x1x16xf32>,
        %get3A_628 = vector.shape_cast %get3A_627 : vector<1x1x1x16xf32> to vector<16xf32>
        %add3A_629 = arith.addf %add3A_620, %get3A_628 : vector<16xf32>
        %swap3A_630 = arith.index_cast %add3A_293 : i32 to index
        %swap3A_631 = arith.constant 96 : index
        %swap3A_632 = tpu.vector_load %arg7[%swap3A_630, %swap3A_631] {strides = array<i32>} : memref<64x128xf32, #tpu.memory_space<vmem>>, vector<1x16xf32>,
        %swap3A_633 = vector.shape_cast %swap3A_632 : vector<1x16xf32> to vector<16xf32>
        %swap3A_634 = vector.shape_cast %add3A_629 : vector<16xf32> to vector<1x16xf32>
        tpu.vector_store %arg7[%swap3A_630, %swap3A_631], %swap3A_634 {add = true, strides = array<i32>} : memref<64x128xf32, #tpu.memory_space<vmem>>, vector<1x16xf32>,
        %get3A_635 = arith.constant 0 : i32
        %get3A_636 = arith.constant 0 : i32
        %get3A_637 = arith.index_cast %get3A_635 : i32 to index
        %get3A_638 = arith.index_cast %get3A_636 : i32 to index
        %get3A_639 = arith.index_cast %add3A_293 : i32 to index
        %get3A_640 = arith.constant 112 : index
        %get3A_641 = tpu.vector_load %arg6[%get3A_637, %get3A_638, %get3A_639, %get3A_640] {strides = array<i32>} : memref<2x5x64x128xf32, #tpu.memory_space<vmem>>, vector<1x1x1x16xf32>,
        %get3A_642 = vector.shape_cast %get3A_641 : vector<1x1x1x16xf32> to vector<16xf32>
        %get3A_643 = arith.constant 0 : i32
        %get3A_644 = arith.constant 1 : i32
        %get3A_645 = arith.index_cast %get3A_643 : i32 to index
        %get3A_646 = arith.index_cast %get3A_644 : i32 to index
        %get3A_647 = arith.index_cast %add3A_293 : i32 to index
        %get3A_648 = arith.constant 112 : index
        %get3A_649 = tpu.vector_load %arg6[%get3A_645, %get3A_646, %get3A_647, %get3A_648] {strides = array<i32>} : memref<2x5x64x128xf32, #tpu.memory_space<vmem>>, vector<1x1x1x16xf32>,
        %get3A_650 = vector.shape_cast %get3A_649 : vector<1x1x1x16xf32> to vector<16xf32>
        %add3A_651 = arith.addf %get3A_642, %get3A_650 : vector<16xf32>
        %get3A_652 = arith.constant 0 : i32
        %get3A_653 = arith.constant 2 : i32
        %get3A_654 = arith.index_cast %get3A_652 : i32 to index
        %get3A_655 = arith.index_cast %get3A_653 : i32 to index
        %get3A_656 = arith.index_cast %add3A_293 : i32 to index
        %get3A_657 = arith.constant 112 : index
        %get3A_658 = tpu.vector_load %arg6[%get3A_654, %get3A_655, %get3A_656, %get3A_657] {strides = array<i32>} : memref<2x5x64x128xf32, #tpu.memory_space<vmem>>, vector<1x1x1x16xf32>,
        %get3A_659 = vector.shape_cast %get3A_658 : vector<1x1x1x16xf32> to vector<16xf32>
        %add3A_660 = arith.addf %add3A_651, %get3A_659 : vector<16xf32>
        %get3A_661 = arith.constant 0 : i32
        %get3A_662 = arith.constant 3 : i32
        %get3A_663 = arith.index_cast %get3A_661 : i32 to index
        %get3A_664 = arith.index_cast %get3A_662 : i32 to index
        %get3A_665 = arith.index_cast %add3A_293 : i32 to index
        %get3A_666 = arith.constant 112 : index
        %get3A_667 = tpu.vector_load %arg6[%get3A_663, %get3A_664, %get3A_665, %get3A_666] {strides = array<i32>} : memref<2x5x64x128xf32, #tpu.memory_space<vmem>>, vector<1x1x1x16xf32>,
        %get3A_668 = vector.shape_cast %get3A_667 : vector<1x1x1x16xf32> to vector<16xf32>
        %add3A_669 = arith.addf %add3A_660, %get3A_668 : vector<16xf32>
        %get3A_670 = arith.constant 0 : i32
        %get3A_671 = arith.constant 4 : i32
        %get3A_672 = arith.index_cast %get3A_670 : i32 to index
        %get3A_673 = arith.index_cast %get3A_671 : i32 to index
        %get3A_674 = arith.index_cast %add3A_293 : i32 to index
        %get3A_675 = arith.constant 112 : index
        %get3A_676 = tpu.vector_load %arg6[%get3A_672, %get3A_673, %get3A_674, %get3A_675] {strides = array<i32>} : memref<2x5x64x128xf32, #tpu.memory_space<vmem>>, vector<1x1x1x16xf32>,
        %get3A_677 = vector.shape_cast %get3A_676 : vector<1x1x1x16xf32> to vector<16xf32>
        %add3A_678 = arith.addf %add3A_669, %get3A_677 : vector<16xf32>
        %swap3A_679 = arith.index_cast %add3A_293 : i32 to index
        %swap3A_680 = arith.constant 112 : index
        %swap3A_681 = tpu.vector_load %arg7[%swap3A_679, %swap3A_680] {strides = array<i32>} : memref<64x128xf32, #tpu.memory_space<vmem>>, vector<1x16xf32>,
        %swap3A_682 = vector.shape_cast %swap3A_681 : vector<1x16xf32> to vector<16xf32>
        %swap3A_683 = vector.shape_cast %add3A_678 : vector<16xf32> to vector<1x16xf32>
        tpu.vector_store %arg7[%swap3A_679, %swap3A_680], %swap3A_683 {add = true, strides = array<i32>} : memref<64x128xf32, #tpu.memory_space<vmem>>, vector<1x16xf32>,
        %mul3A_684 = arith.constant 2 : i32
        %mul3A_685 = arith.muli %scan3A_289, %mul3A_684 : i32
        %add3A_686 = arith.constant 1 : i32
        %add3A_687 = arith.addi %mul3A_685, %add3A_686 : i32
        %get3A_688 = arith.constant 0 : i32
        %get3A_689 = arith.constant 0 : i32
        %get3A_690 = arith.index_cast %get3A_688 : i32 to index
        %get3A_691 = arith.index_cast %get3A_689 : i32 to index
        %get3A_692 = arith.index_cast %add3A_687 : i32 to index
        %get3A_693 = arith.constant 0 : index
        %get3A_694 = tpu.vector_load %arg6[%get3A_690, %get3A_691, %get3A_692, %get3A_693] {strides = array<i32>} : memref<2x5x64x128xf32, #tpu.memory_space<vmem>>, vector<1x1x1x16xf32>,
        %get3A_695 = vector.shape_cast %get3A_694 : vector<1x1x1x16xf32> to vector<16xf32>
        %get3A_696 = arith.constant 0 : i32
        %get3A_697 = arith.constant 1 : i32
        %get3A_698 = arith.index_cast %get3A_696 : i32 to index
        %get3A_699 = arith.index_cast %get3A_697 : i32 to index
        %get3A_700 = arith.index_cast %add3A_687 : i32 to index
        %get3A_701 = arith.constant 0 : index
        %get3A_702 = tpu.vector_load %arg6[%get3A_698, %get3A_699, %get3A_700, %get3A_701] {strides = array<i32>} : memref<2x5x64x128xf32, #tpu.memory_space<vmem>>, vector<1x1x1x16xf32>,
        %get3A_703 = vector.shape_cast %get3A_702 : vector<1x1x1x16xf32> to vector<16xf32>
        %add3A_704 = arith.addf %get3A_695, %get3A_703 : vector<16xf32>
        %get3A_705 = arith.constant 0 : i32
        %get3A_706 = arith.constant 2 : i32
        %get3A_707 = arith.index_cast %get3A_705 : i32 to index
        %get3A_708 = arith.index_cast %get3A_706 : i32 to index
        %get3A_709 = arith.index_cast %add3A_687 : i32 to index
        %get3A_710 = arith.constant 0 : index
        %get3A_711 = tpu.vector_load %arg6[%get3A_707, %get3A_708, %get3A_709, %get3A_710] {strides = array<i32>} : memref<2x5x64x128xf32, #tpu.memory_space<vmem>>, vector<1x1x1x16xf32>,
        %get3A_712 = vector.shape_cast %get3A_711 : vector<1x1x1x16xf32> to vector<16xf32>
        %add3A_713 = arith.addf %add3A_704, %get3A_712 : vector<16xf32>
        %get3A_714 = arith.constant 0 : i32
        %get3A_715 = arith.constant 3 : i32
        %get3A_716 = arith.index_cast %get3A_714 : i32 to index
        %get3A_717 = arith.index_cast %get3A_715 : i32 to index
        %get3A_718 = arith.index_cast %add3A_687 : i32 to index
        %get3A_719 = arith.constant 0 : index
        %get3A_720 = tpu.vector_load %arg6[%get3A_716, %get3A_717, %get3A_718, %get3A_719] {strides = array<i32>} : memref<2x5x64x128xf32, #tpu.memory_space<vmem>>, vector<1x1x1x16xf32>,
        %get3A_721 = vector.shape_cast %get3A_720 : vector<1x1x1x16xf32> to vector<16xf32>
        %add3A_722 = arith.addf %add3A_713, %get3A_721 : vector<16xf32>
        %get3A_723 = arith.constant 0 : i32
        %get3A_724 = arith.constant 4 : i32
        %get3A_725 = arith.index_cast %get3A_723 : i32 to index
        %get3A_726 = arith.index_cast %get3A_724 : i32 to index
        %get3A_727 = arith.index_cast %add3A_687 : i32 to index
        %get3A_728 = arith.constant 0 : index
        %get3A_729 = tpu.vector_load %arg6[%get3A_725, %get3A_726, %get3A_727, %get3A_728] {strides = array<i32>} : memref<2x5x64x128xf32, #tpu.memory_space<vmem>>, vector<1x1x1x16xf32>,
        %get3A_730 = vector.shape_cast %get3A_729 : vector<1x1x1x16xf32> to vector<16xf32>
        %add3A_731 = arith.addf %add3A_722, %get3A_730 : vector<16xf32>
        %swap3A_732 = arith.index_cast %add3A_687 : i32 to index
        %swap3A_733 = arith.constant 0 : index
        %swap3A_734 = tpu.vector_load %arg7[%swap3A_732, %swap3A_733] {strides = array<i32>} : memref<64x128xf32, #tpu.memory_space<vmem>>, vector<1x16xf32>,
        %swap3A_735 = vector.shape_cast %swap3A_734 : vector<1x16xf32> to vector<16xf32>
        %swap3A_736 = vector.shape_cast %add3A_731 : vector<16xf32> to vector<1x16xf32>
        tpu.vector_store %arg7[%swap3A_732, %swap3A_733], %swap3A_736 {add = true, strides = array<i32>} : memref<64x128xf32, #tpu.memory_space<vmem>>, vector<1x16xf32>,
        %get3A_737 = arith.constant 0 : i32
        %get3A_738 = arith.constant 0 : i32
        %get3A_739 = arith.index_cast %get3A_737 : i32 to index
        %get3A_740 = arith.index_cast %get3A_738 : i32 to index
        %get3A_741 = arith.index_cast %add3A_687 : i32 to index
        %get3A_742 = arith.constant 16 : index
        %get3A_743 = tpu.vector_load %arg6[%get3A_739, %get3A_740, %get3A_741, %get3A_742] {strides = array<i32>} : memref<2x5x64x128xf32, #tpu.memory_space<vmem>>, vector<1x1x1x16xf32>,
        %get3A_744 = vector.shape_cast %get3A_743 : vector<1x1x1x16xf32> to vector<16xf32>
        %get3A_745 = arith.constant 0 : i32
        %get3A_746 = arith.constant 1 : i32
        %get3A_747 = arith.index_cast %get3A_745 : i32 to index
        %get3A_748 = arith.index_cast %get3A_746 : i32 to index
        %get3A_749 = arith.index_cast %add3A_687 : i32 to index
        %get3A_750 = arith.constant 16 : index
        %get3A_751 = tpu.vector_load %arg6[%get3A_747, %get3A_748, %get3A_749, %get3A_750] {strides = array<i32>} : memref<2x5x64x128xf32, #tpu.memory_space<vmem>>, vector<1x1x1x16xf32>,
        %get3A_752 = vector.shape_cast %get3A_751 : vector<1x1x1x16xf32> to vector<16xf32>
        %add3A_753 = arith.addf %get3A_744, %get3A_752 : vector<16xf32>
        %get3A_754 = arith.constant 0 : i32
        %get3A_755 = arith.constant 2 : i32
        %get3A_756 = arith.index_cast %get3A_754 : i32 to index
        %get3A_757 = arith.index_cast %get3A_755 : i32 to index
        %get3A_758 = arith.index_cast %add3A_687 : i32 to index
        %get3A_759 = arith.constant 16 : index
        %get3A_760 = tpu.vector_load %arg6[%get3A_756, %get3A_757, %get3A_758, %get3A_759] {strides = array<i32>} : memref<2x5x64x128xf32, #tpu.memory_space<vmem>>, vector<1x1x1x16xf32>,
        %get3A_761 = vector.shape_cast %get3A_760 : vector<1x1x1x16xf32> to vector<16xf32>
        %add3A_762 = arith.addf %add3A_753, %get3A_761 : vector<16xf32>
        %get3A_763 = arith.constant 0 : i32
        %get3A_764 = arith.constant 3 : i32
        %get3A_765 = arith.index_cast %get3A_763 : i32 to index
        %get3A_766 = arith.index_cast %get3A_764 : i32 to index
        %get3A_767 = arith.index_cast %add3A_687 : i32 to index
        %get3A_768 = arith.constant 16 : index
        %get3A_769 = tpu.vector_load %arg6[%get3A_765, %get3A_766, %get3A_767, %get3A_768] {strides = array<i32>} : memref<2x5x64x128xf32, #tpu.memory_space<vmem>>, vector<1x1x1x16xf32>,
        %get3A_770 = vector.shape_cast %get3A_769 : vector<1x1x1x16xf32> to vector<16xf32>
        %add3A_771 = arith.addf %add3A_762, %get3A_770 : vector<16xf32>
        %get3A_772 = arith.constant 0 : i32
        %get3A_773 = arith.constant 4 : i32
        %get3A_774 = arith.index_cast %get3A_772 : i32 to index
        %get3A_775 = arith.index_cast %get3A_773 : i32 to index
        %get3A_776 = arith.index_cast %add3A_687 : i32 to index
        %get3A_777 = arith.constant 16 : index
        %get3A_778 = tpu.vector_load %arg6[%get3A_774, %get3A_775, %get3A_776, %get3A_777] {strides = array<i32>} : memref<2x5x64x128xf32, #tpu.memory_space<vmem>>, vector<1x1x1x16xf32>,
        %get3A_779 = vector.shape_cast %get3A_778 : vector<1x1x1x16xf32> to vector<16xf32>
        %add3A_780 = arith.addf %add3A_771, %get3A_779 : vector<16xf32>
        %swap3A_781 = arith.index_cast %add3A_687 : i32 to index
        %swap3A_782 = arith.constant 16 : index
        %swap3A_783 = tpu.vector_load %arg7[%swap3A_781, %swap3A_782] {strides = array<i32>} : memref<64x128xf32, #tpu.memory_space<vmem>>, vector<1x16xf32>,
        %swap3A_784 = vector.shape_cast %swap3A_783 : vector<1x16xf32> to vector<16xf32>
        %swap3A_785 = vector.shape_cast %add3A_780 : vector<16xf32> to vector<1x16xf32>
        tpu.vector_store %arg7[%swap3A_781, %swap3A_782], %swap3A_785 {add = true, strides = array<i32>} : memref<64x128xf32, #tpu.memory_space<vmem>>, vector<1x16xf32>,
        %get3A_786 = arith.constant 0 : i32
        %get3A_787 = arith.constant 0 : i32
        %get3A_788 = arith.index_cast %get3A_786 : i32 to index
        %get3A_789 = arith.index_cast %get3A_787 : i32 to index
        %get3A_790 = arith.index_cast %add3A_687 : i32 to index
        %get3A_791 = arith.constant 32 : index
        %get3A_792 = tpu.vector_load %arg6[%get3A_788, %get3A_789, %get3A_790, %get3A_791] {strides = array<i32>} : memref<2x5x64x128xf32, #tpu.memory_space<vmem>>, vector<1x1x1x16xf32>,
        %get3A_793 = vector.shape_cast %get3A_792 : vector<1x1x1x16xf32> to vector<16xf32>
        %get3A_794 = arith.constant 0 : i32
        %get3A_795 = arith.constant 1 : i32
        %get3A_796 = arith.index_cast %get3A_794 : i32 to index
        %get3A_797 = arith.index_cast %get3A_795 : i32 to index
        %get3A_798 = arith.index_cast %add3A_687 : i32 to index
        %get3A_799 = arith.constant 32 : index
        %get3A_800 = tpu.vector_load %arg6[%get3A_796, %get3A_797, %get3A_798, %get3A_799] {strides = array<i32>} : memref<2x5x64x128xf32, #tpu.memory_space<vmem>>, vector<1x1x1x16xf32>,
        %get3A_801 = vector.shape_cast %get3A_800 : vector<1x1x1x16xf32> to vector<16xf32>
        %add3A_802 = arith.addf %get3A_793, %get3A_801 : vector<16xf32>
        %get3A_803 = arith.constant 0 : i32
        %get3A_804 = arith.constant 2 : i32
        %get3A_805 = arith.index_cast %get3A_803 : i32 to index
        %get3A_806 = arith.index_cast %get3A_804 : i32 to index
        %get3A_807 = arith.index_cast %add3A_687 : i32 to index
        %get3A_808 = arith.constant 32 : index
        %get3A_809 = tpu.vector_load %arg6[%get3A_805, %get3A_806, %get3A_807, %get3A_808] {strides = array<i32>} : memref<2x5x64x128xf32, #tpu.memory_space<vmem>>, vector<1x1x1x16xf32>,
        %get3A_810 = vector.shape_cast %get3A_809 : vector<1x1x1x16xf32> to vector<16xf32>
        %add3A_811 = arith.addf %add3A_802, %get3A_810 : vector<16xf32>
        %get3A_812 = arith.constant 0 : i32
        %get3A_813 = arith.constant 3 : i32
        %get3A_814 = arith.index_cast %get3A_812 : i32 to index
        %get3A_815 = arith.index_cast %get3A_813 : i32 to index
        %get3A_816 = arith.index_cast %add3A_687 : i32 to index
        %get3A_817 = arith.constant 32 : index
        %get3A_818 = tpu.vector_load %arg6[%get3A_814, %get3A_815, %get3A_816, %get3A_817] {strides = array<i32>} : memref<2x5x64x128xf32, #tpu.memory_space<vmem>>, vector<1x1x1x16xf32>,
        %get3A_819 = vector.shape_cast %get3A_818 : vector<1x1x1x16xf32> to vector<16xf32>
        %add3A_820 = arith.addf %add3A_811, %get3A_819 : vector<16xf32>
        %get3A_821 = arith.constant 0 : i32
        %get3A_822 = arith.constant 4 : i32
        %get3A_823 = arith.index_cast %get3A_821 : i32 to index
        %get3A_824 = arith.index_cast %get3A_822 : i32 to index
        %get3A_825 = arith.index_cast %add3A_687 : i32 to index
        %get3A_826 = arith.constant 32 : index
        %get3A_827 = tpu.vector_load %arg6[%get3A_823, %get3A_824, %get3A_825, %get3A_826] {strides = array<i32>} : memref<2x5x64x128xf32, #tpu.memory_space<vmem>>, vector<1x1x1x16xf32>,
        %get3A_828 = vector.shape_cast %get3A_827 : vector<1x1x1x16xf32> to vector<16xf32>
        %add3A_829 = arith.addf %add3A_820, %get3A_828 : vector<16xf32>
        %swap3A_830 = arith.index_cast %add3A_687 : i32 to index
        %swap3A_831 = arith.constant 32 : index
        %swap3A_832 = tpu.vector_load %arg7[%swap3A_830, %swap3A_831] {strides = array<i32>} : memref<64x128xf32, #tpu.memory_space<vmem>>, vector<1x16xf32>,
        %swap3A_833 = vector.shape_cast %swap3A_832 : vector<1x16xf32> to vector<16xf32>
        %swap3A_834 = vector.shape_cast %add3A_829 : vector<16xf32> to vector<1x16xf32>
        tpu.vector_store %arg7[%swap3A_830, %swap3A_831], %swap3A_834 {add = true, strides = array<i32>} : memref<64x128xf32, #tpu.memory_space<vmem>>, vector<1x16xf32>,
        %get3A_835 = arith.constant 0 : i32
        %get3A_836 = arith.constant 0 : i32
        %get3A_837 = arith.index_cast %get3A_835 : i32 to index
        %get3A_838 = arith.index_cast %get3A_836 : i32 to index
        %get3A_839 = arith.index_cast %add3A_687 : i32 to index
        %get3A_840 = arith.constant 48 : index
        %get3A_841 = tpu.vector_load %arg6[%get3A_837, %get3A_838, %get3A_839, %get3A_840] {strides = array<i32>} : memref<2x5x64x128xf32, #tpu.memory_space<vmem>>, vector<1x1x1x16xf32>,
        %get3A_842 = vector.shape_cast %get3A_841 : vector<1x1x1x16xf32> to vector<16xf32>
        %get3A_843 = arith.constant 0 : i32
        %get3A_844 = arith.constant 1 : i32
        %get3A_845 = arith.index_cast %get3A_843 : i32 to index
        %get3A_846 = arith.index_cast %get3A_844 : i32 to index
        %get3A_847 = arith.index_cast %add3A_687 : i32 to index
        %get3A_848 = arith.constant 48 : index
        %get3A_849 = tpu.vector_load %arg6[%get3A_845, %get3A_846, %get3A_847, %get3A_848] {strides = array<i32>} : memref<2x5x64x128xf32, #tpu.memory_space<vmem>>, vector<1x1x1x16xf32>,
        %get3A_850 = vector.shape_cast %get3A_849 : vector<1x1x1x16xf32> to vector<16xf32>
        %add3A_851 = arith.addf %get3A_842, %get3A_850 : vector<16xf32>
        %get3A_852 = arith.constant 0 : i32
        %get3A_853 = arith.constant 2 : i32
        %get3A_854 = arith.index_cast %get3A_852 : i32 to index
        %get3A_855 = arith.index_cast %get3A_853 : i32 to index
        %get3A_856 = arith.index_cast %add3A_687 : i32 to index
        %get3A_857 = arith.constant 48 : index
        %get3A_858 = tpu.vector_load %arg6[%get3A_854, %get3A_855, %get3A_856, %get3A_857] {strides = array<i32>} : memref<2x5x64x128xf32, #tpu.memory_space<vmem>>, vector<1x1x1x16xf32>,
        %get3A_859 = vector.shape_cast %get3A_858 : vector<1x1x1x16xf32> to vector<16xf32>
        %add3A_860 = arith.addf %add3A_851, %get3A_859 : vector<16xf32>
        %get3A_861 = arith.constant 0 : i32
        %get3A_862 = arith.constant 3 : i32
        %get3A_863 = arith.index_cast %get3A_861 : i32 to index
        %get3A_864 = arith.index_cast %get3A_862 : i32 to index
        %get3A_865 = arith.index_cast %add3A_687 : i32 to index
        %get3A_866 = arith.constant 48 : index
        %get3A_867 = tpu.vector_load %arg6[%get3A_863, %get3A_864, %get3A_865, %get3A_866] {strides = array<i32>} : memref<2x5x64x128xf32, #tpu.memory_space<vmem>>, vector<1x1x1x16xf32>,
        %get3A_868 = vector.shape_cast %get3A_867 : vector<1x1x1x16xf32> to vector<16xf32>
        %add3A_869 = arith.addf %add3A_860, %get3A_868 : vector<16xf32>
        %get3A_870 = arith.constant 0 : i32
        %get3A_871 = arith.constant 4 : i32
        %get3A_872 = arith.index_cast %get3A_870 : i32 to index
        %get3A_873 = arith.index_cast %get3A_871 : i32 to index
        %get3A_874 = arith.index_cast %add3A_687 : i32 to index
        %get3A_875 = arith.constant 48 : index
        %get3A_876 = tpu.vector_load %arg6[%get3A_872, %get3A_873, %get3A_874, %get3A_875] {strides = array<i32>} : memref<2x5x64x128xf32, #tpu.memory_space<vmem>>, vector<1x1x1x16xf32>,
        %get3A_877 = vector.shape_cast %get3A_876 : vector<1x1x1x16xf32> to vector<16xf32>
        %add3A_878 = arith.addf %add3A_869, %get3A_877 : vector<16xf32>
        %swap3A_879 = arith.index_cast %add3A_687 : i32 to index
        %swap3A_880 = arith.constant 48 : index
        %swap3A_881 = tpu.vector_load %arg7[%swap3A_879, %swap3A_880] {strides = array<i32>} : memref<64x128xf32, #tpu.memory_space<vmem>>, vector<1x16xf32>,
        %swap3A_882 = vector.shape_cast %swap3A_881 : vector<1x16xf32> to vector<16xf32>
        %swap3A_883 = vector.shape_cast %add3A_878 : vector<16xf32> to vector<1x16xf32>
        tpu.vector_store %arg7[%swap3A_879, %swap3A_880], %swap3A_883 {add = true, strides = array<i32>} : memref<64x128xf32, #tpu.memory_space<vmem>>, vector<1x16xf32>,
        %get3A_884 = arith.constant 0 : i32
        %get3A_885 = arith.constant 0 : i32
        %get3A_886 = arith.index_cast %get3A_884 : i32 to index
        %get3A_887 = arith.index_cast %get3A_885 : i32 to index
        %get3A_888 = arith.index_cast %add3A_687 : i32 to index
        %get3A_889 = arith.constant 64 : index
        %get3A_890 = tpu.vector_load %arg6[%get3A_886, %get3A_887, %get3A_888, %get3A_889] {strides = array<i32>} : memref<2x5x64x128xf32, #tpu.memory_space<vmem>>, vector<1x1x1x16xf32>,
        %get3A_891 = vector.shape_cast %get3A_890 : vector<1x1x1x16xf32> to vector<16xf32>
        %get3A_892 = arith.constant 0 : i32
        %get3A_893 = arith.constant 1 : i32
        %get3A_894 = arith.index_cast %get3A_892 : i32 to index
        %get3A_895 = arith.index_cast %get3A_893 : i32 to index
        %get3A_896 = arith.index_cast %add3A_687 : i32 to index
        %get3A_897 = arith.constant 64 : index
        %get3A_898 = tpu.vector_load %arg6[%get3A_894, %get3A_895, %get3A_896, %get3A_897] {strides = array<i32>} : memref<2x5x64x128xf32, #tpu.memory_space<vmem>>, vector<1x1x1x16xf32>,
        %get3A_899 = vector.shape_cast %get3A_898 : vector<1x1x1x16xf32> to vector<16xf32>
        %add3A_900 = arith.addf %get3A_891, %get3A_899 : vector<16xf32>
        %get3A_901 = arith.constant 0 : i32
        %get3A_902 = arith.constant 2 : i32
        %get3A_903 = arith.index_cast %get3A_901 : i32 to index
        %get3A_904 = arith.index_cast %get3A_902 : i32 to index
        %get3A_905 = arith.index_cast %add3A_687 : i32 to index
        %get3A_906 = arith.constant 64 : index
        %get3A_907 = tpu.vector_load %arg6[%get3A_903, %get3A_904, %get3A_905, %get3A_906] {strides = array<i32>} : memref<2x5x64x128xf32, #tpu.memory_space<vmem>>, vector<1x1x1x16xf32>,
        %get3A_908 = vector.shape_cast %get3A_907 : vector<1x1x1x16xf32> to vector<16xf32>
        %add3A_909 = arith.addf %add3A_900, %get3A_908 : vector<16xf32>
        %get3A_910 = arith.constant 0 : i32
        %get3A_911 = arith.constant 3 : i32
        %get3A_912 = arith.index_cast %get3A_910 : i32 to index
        %get3A_913 = arith.index_cast %get3A_911 : i32 to index
        %get3A_914 = arith.index_cast %add3A_687 : i32 to index
        %get3A_915 = arith.constant 64 : index
        %get3A_916 = tpu.vector_load %arg6[%get3A_912, %get3A_913, %get3A_914, %get3A_915] {strides = array<i32>} : memref<2x5x64x128xf32, #tpu.memory_space<vmem>>, vector<1x1x1x16xf32>,
        %get3A_917 = vector.shape_cast %get3A_916 : vector<1x1x1x16xf32> to vector<16xf32>
        %add3A_918 = arith.addf %add3A_909, %get3A_917 : vector<16xf32>
        %get3A_919 = arith.constant 0 : i32
        %get3A_920 = arith.constant 4 : i32
        %get3A_921 = arith.index_cast %get3A_919 : i32 to index
        %get3A_922 = arith.index_cast %get3A_920 : i32 to index
        %get3A_923 = arith.index_cast %add3A_687 : i32 to index
        %get3A_924 = arith.constant 64 : index
        %get3A_925 = tpu.vector_load %arg6[%get3A_921, %get3A_922, %get3A_923, %get3A_924] {strides = array<i32>} : memref<2x5x64x128xf32, #tpu.memory_space<vmem>>, vector<1x1x1x16xf32>,
        %get3A_926 = vector.shape_cast %get3A_925 : vector<1x1x1x16xf32> to vector<16xf32>
        %add3A_927 = arith.addf %add3A_918, %get3A_926 : vector<16xf32>
        %swap3A_928 = arith.index_cast %add3A_687 : i32 to index
        %swap3A_929 = arith.constant 64 : index
        %swap3A_930 = tpu.vector_load %arg7[%swap3A_928, %swap3A_929] {strides = array<i32>} : memref<64x128xf32, #tpu.memory_space<vmem>>, vector<1x16xf32>,
        %swap3A_931 = vector.shape_cast %swap3A_930 : vector<1x16xf32> to vector<16xf32>
        %swap3A_932 = vector.shape_cast %add3A_927 : vector<16xf32> to vector<1x16xf32>
        tpu.vector_store %arg7[%swap3A_928, %swap3A_929], %swap3A_932 {add = true, strides = array<i32>} : memref<64x128xf32, #tpu.memory_space<vmem>>, vector<1x16xf32>,
        %get3A_933 = arith.constant 0 : i32
        %get3A_934 = arith.constant 0 : i32
        %get3A_935 = arith.index_cast %get3A_933 : i32 to index
        %get3A_936 = arith.index_cast %get3A_934 : i32 to index
        %get3A_937 = arith.index_cast %add3A_687 : i32 to index
        %get3A_938 = arith.constant 80 : index
        %get3A_939 = tpu.vector_load %arg6[%get3A_935, %get3A_936, %get3A_937, %get3A_938] {strides = array<i32>} : memref<2x5x64x128xf32, #tpu.memory_space<vmem>>, vector<1x1x1x16xf32>,
        %get3A_940 = vector.shape_cast %get3A_939 : vector<1x1x1x16xf32> to vector<16xf32>
        %get3A_941 = arith.constant 0 : i32
        %get3A_942 = arith.constant 1 : i32
        %get3A_943 = arith.index_cast %get3A_941 : i32 to index
        %get3A_944 = arith.index_cast %get3A_942 : i32 to index
        %get3A_945 = arith.index_cast %add3A_687 : i32 to index
        %get3A_946 = arith.constant 80 : index
        %get3A_947 = tpu.vector_load %arg6[%get3A_943, %get3A_944, %get3A_945, %get3A_946] {strides = array<i32>} : memref<2x5x64x128xf32, #tpu.memory_space<vmem>>, vector<1x1x1x16xf32>,
        %get3A_948 = vector.shape_cast %get3A_947 : vector<1x1x1x16xf32> to vector<16xf32>
        %add3A_949 = arith.addf %get3A_940, %get3A_948 : vector<16xf32>
        %get3A_950 = arith.constant 0 : i32
        %get3A_951 = arith.constant 2 : i32
        %get3A_952 = arith.index_cast %get3A_950 : i32 to index
        %get3A_953 = arith.index_cast %get3A_951 : i32 to index
        %get3A_954 = arith.index_cast %add3A_687 : i32 to index
        %get3A_955 = arith.constant 80 : index
        %get3A_956 = tpu.vector_load %arg6[%get3A_952, %get3A_953, %get3A_954, %get3A_955] {strides = array<i32>} : memref<2x5x64x128xf32, #tpu.memory_space<vmem>>, vector<1x1x1x16xf32>,
        %get3A_957 = vector.shape_cast %get3A_956 : vector<1x1x1x16xf32> to vector<16xf32>
        %add3A_958 = arith.addf %add3A_949, %get3A_957 : vector<16xf32>
        %get3A_959 = arith.constant 0 : i32
        %get3A_960 = arith.constant 3 : i32
        %get3A_961 = arith.index_cast %get3A_959 : i32 to index
        %get3A_962 = arith.index_cast %get3A_960 : i32 to index
        %get3A_963 = arith.index_cast %add3A_687 : i32 to index
        %get3A_964 = arith.constant 80 : index
        %get3A_965 = tpu.vector_load %arg6[%get3A_961, %get3A_962, %get3A_963, %get3A_964] {strides = array<i32>} : memref<2x5x64x128xf32, #tpu.memory_space<vmem>>, vector<1x1x1x16xf32>,
        %get3A_966 = vector.shape_cast %get3A_965 : vector<1x1x1x16xf32> to vector<16xf32>
        %add3A_967 = arith.addf %add3A_958, %get3A_966 : vector<16xf32>
        %get3A_968 = arith.constant 0 : i32
        %get3A_969 = arith.constant 4 : i32
        %get3A_970 = arith.index_cast %get3A_968 : i32 to index
        %get3A_971 = arith.index_cast %get3A_969 : i32 to index
        %get3A_972 = arith.index_cast %add3A_687 : i32 to index
        %get3A_973 = arith.constant 80 : index
        %get3A_974 = tpu.vector_load %arg6[%get3A_970, %get3A_971, %get3A_972, %get3A_973] {strides = array<i32>} : memref<2x5x64x128xf32, #tpu.memory_space<vmem>>, vector<1x1x1x16xf32>,
        %get3A_975 = vector.shape_cast %get3A_974 : vector<1x1x1x16xf32> to vector<16xf32>
        %add3A_976 = arith.addf %add3A_967, %get3A_975 : vector<16xf32>
        %swap3A_977 = arith.index_cast %add3A_687 : i32 to index
        %swap3A_978 = arith.constant 80 : index
        %swap3A_979 = tpu.vector_load %arg7[%swap3A_977, %swap3A_978] {strides = array<i32>} : memref<64x128xf32, #tpu.memory_space<vmem>>, vector<1x16xf32>,
        %swap3A_980 = vector.shape_cast %swap3A_979 : vector<1x16xf32> to vector<16xf32>
        %swap3A_981 = vector.shape_cast %add3A_976 : vector<16xf32> to vector<1x16xf32>
        tpu.vector_store %arg7[%swap3A_977, %swap3A_978], %swap3A_981 {add = true, strides = array<i32>} : memref<64x128xf32, #tpu.memory_space<vmem>>, vector<1x16xf32>,
        %get3A_982 = arith.constant 0 : i32
        %get3A_983 = arith.constant 0 : i32
        %get3A_984 = arith.index_cast %get3A_982 : i32 to index
        %get3A_985 = arith.index_cast %get3A_983 : i32 to index
        %get3A_986 = arith.index_cast %add3A_687 : i32 to index
        %get3A_987 = arith.constant 96 : index
        %get3A_988 = tpu.vector_load %arg6[%get3A_984, %get3A_985, %get3A_986, %get3A_987] {strides = array<i32>} : memref<2x5x64x128xf32, #tpu.memory_space<vmem>>, vector<1x1x1x16xf32>,
        %get3A_989 = vector.shape_cast %get3A_988 : vector<1x1x1x16xf32> to vector<16xf32>
        %get3A_990 = arith.constant 0 : i32
        %get3A_991 = arith.constant 1 : i32
        %get3A_992 = arith.index_cast %get3A_990 : i32 to index
        %get3A_993 = arith.index_cast %get3A_991 : i32 to index
        %get3A_994 = arith.index_cast %add3A_687 : i32 to index
        %get3A_995 = arith.constant 96 : index
        %get3A_996 = tpu.vector_load %arg6[%get3A_992, %get3A_993, %get3A_994, %get3A_995] {strides = array<i32>} : memref<2x5x64x128xf32, #tpu.memory_space<vmem>>, vector<1x1x1x16xf32>,
        %get3A_997 = vector.shape_cast %get3A_996 : vector<1x1x1x16xf32> to vector<16xf32>
        %add3A_998 = arith.addf %get3A_989, %get3A_997 : vector<16xf32>
        %get3A_999 = arith.constant 0 : i32
        %get3A_1000 = arith.constant 2 : i32
        %get3A_1001 = arith.index_cast %get3A_999 : i32 to index
        %get3A_1002 = arith.index_cast %get3A_1000 : i32 to index
        %get3A_1003 = arith.index_cast %add3A_687 : i32 to index
        %get3A_1004 = arith.constant 96 : index
        %get3A_1005 = tpu.vector_load %arg6[%get3A_1001, %get3A_1002, %get3A_1003, %get3A_1004] {strides = array<i32>} : memref<2x5x64x128xf32, #tpu.memory_space<vmem>>, vector<1x1x1x16xf32>,
        %get3A_1006 = vector.shape_cast %get3A_1005 : vector<1x1x1x16xf32> to vector<16xf32>
        %add3A_1007 = arith.addf %add3A_998, %get3A_1006 : vector<16xf32>
        %get3A_1008 = arith.constant 0 : i32
        %get3A_1009 = arith.constant 3 : i32
        %get3A_1010 = arith.index_cast %get3A_1008 : i32 to index
        %get3A_1011 = arith.index_cast %get3A_1009 : i32 to index
        %get3A_1012 = arith.index_cast %add3A_687 : i32 to index
        %get3A_1013 = arith.constant 96 : index
        %get3A_1014 = tpu.vector_load %arg6[%get3A_1010, %get3A_1011, %get3A_1012, %get3A_1013] {strides = array<i32>} : memref<2x5x64x128xf32, #tpu.memory_space<vmem>>, vector<1x1x1x16xf32>,
        %get3A_1015 = vector.shape_cast %get3A_1014 : vector<1x1x1x16xf32> to vector<16xf32>
        %add3A_1016 = arith.addf %add3A_1007, %get3A_1015 : vector<16xf32>
        %get3A_1017 = arith.constant 0 : i32
        %get3A_1018 = arith.constant 4 : i32
        %get3A_1019 = arith.index_cast %get3A_1017 : i32 to index
        %get3A_1020 = arith.index_cast %get3A_1018 : i32 to index
        %get3A_1021 = arith.index_cast %add3A_687 : i32 to index
        %get3A_1022 = arith.constant 96 : index
        %get3A_1023 = tpu.vector_load %arg6[%get3A_1019, %get3A_1020, %get3A_1021, %get3A_1022] {strides = array<i32>} : memref<2x5x64x128xf32, #tpu.memory_space<vmem>>, vector<1x1x1x16xf32>,
        %get3A_1024 = vector.shape_cast %get3A_1023 : vector<1x1x1x16xf32> to vector<16xf32>
        %add3A_1025 = arith.addf %add3A_1016, %get3A_1024 : vector<16xf32>
        %swap3A_1026 = arith.index_cast %add3A_687 : i32 to index
        %swap3A_1027 = arith.constant 96 : index
        %swap3A_1028 = tpu.vector_load %arg7[%swap3A_1026, %swap3A_1027] {strides = array<i32>} : memref<64x128xf32, #tpu.memory_space<vmem>>, vector<1x16xf32>,
        %swap3A_1029 = vector.shape_cast %swap3A_1028 : vector<1x16xf32> to vector<16xf32>
        %swap3A_1030 = vector.shape_cast %add3A_1025 : vector<16xf32> to vector<1x16xf32>
        tpu.vector_store %arg7[%swap3A_1026, %swap3A_1027], %swap3A_1030 {add = true, strides = array<i32>} : memref<64x128xf32, #tpu.memory_space<vmem>>, vector<1x16xf32>,
        %get3A_1031 = arith.constant 0 : i32
        %get3A_1032 = arith.constant 0 : i32
        %get3A_1033 = arith.index_cast %get3A_1031 : i32 to index
        %get3A_1034 = arith.index_cast %get3A_1032 : i32 to index
        %get3A_1035 = arith.index_cast %add3A_687 : i32 to index
        %get3A_1036 = arith.constant 112 : index
        %get3A_1037 = tpu.vector_load %arg6[%get3A_1033, %get3A_1034, %get3A_1035, %get3A_1036] {strides = array<i32>} : memref<2x5x64x128xf32, #tpu.memory_space<vmem>>, vector<1x1x1x16xf32>,
        %get3A_1038 = vector.shape_cast %get3A_1037 : vector<1x1x1x16xf32> to vector<16xf32>
        %get3A_1039 = arith.constant 0 : i32
        %get3A_1040 = arith.constant 1 : i32
        %get3A_1041 = arith.index_cast %get3A_1039 : i32 to index
        %get3A_1042 = arith.index_cast %get3A_1040 : i32 to index
        %get3A_1043 = arith.index_cast %add3A_687 : i32 to index
        %get3A_1044 = arith.constant 112 : index
        %get3A_1045 = tpu.vector_load %arg6[%get3A_1041, %get3A_1042, %get3A_1043, %get3A_1044] {strides = array<i32>} : memref<2x5x64x128xf32, #tpu.memory_space<vmem>>, vector<1x1x1x16xf32>,
        %get3A_1046 = vector.shape_cast %get3A_1045 : vector<1x1x1x16xf32> to vector<16xf32>
        %add3A_1047 = arith.addf %get3A_1038, %get3A_1046 : vector<16xf32>
        %get3A_1048 = arith.constant 0 : i32
        %get3A_1049 = arith.constant 2 : i32
        %get3A_1050 = arith.index_cast %get3A_1048 : i32 to index
        %get3A_1051 = arith.index_cast %get3A_1049 : i32 to index
        %get3A_1052 = arith.index_cast %add3A_687 : i32 to index
        %get3A_1053 = arith.constant 112 : index
        %get3A_1054 = tpu.vector_load %arg6[%get3A_1050, %get3A_1051, %get3A_1052, %get3A_1053] {strides = array<i32>} : memref<2x5x64x128xf32, #tpu.memory_space<vmem>>, vector<1x1x1x16xf32>,
        %get3A_1055 = vector.shape_cast %get3A_1054 : vector<1x1x1x16xf32> to vector<16xf32>
        %add3A_1056 = arith.addf %add3A_1047, %get3A_1055 : vector<16xf32>
        %get3A_1057 = arith.constant 0 : i32
        %get3A_1058 = arith.constant 3 : i32
        %get3A_1059 = arith.index_cast %get3A_1057 : i32 to index
        %get3A_1060 = arith.index_cast %get3A_1058 : i32 to index
        %get3A_1061 = arith.index_cast %add3A_687 : i32 to index
        %get3A_1062 = arith.constant 112 : index
        %get3A_1063 = tpu.vector_load %arg6[%get3A_1059, %get3A_1060, %get3A_1061, %get3A_1062] {strides = array<i32>} : memref<2x5x64x128xf32, #tpu.memory_space<vmem>>, vector<1x1x1x16xf32>,
        %get3A_1064 = vector.shape_cast %get3A_1063 : vector<1x1x1x16xf32> to vector<16xf32>
        %add3A_1065 = arith.addf %add3A_1056, %get3A_1064 : vector<16xf32>
        %get3A_1066 = arith.constant 0 : i32
        %get3A_1067 = arith.constant 4 : i32
        %get3A_1068 = arith.index_cast %get3A_1066 : i32 to index
        %get3A_1069 = arith.index_cast %get3A_1067 : i32 to index
        %get3A_1070 = arith.index_cast %add3A_687 : i32 to index
        %get3A_1071 = arith.constant 112 : index
        %get3A_1072 = tpu.vector_load %arg6[%get3A_1068, %get3A_1069, %get3A_1070, %get3A_1071] {strides = array<i32>} : memref<2x5x64x128xf32, #tpu.memory_space<vmem>>, vector<1x1x1x16xf32>,
        %get3A_1073 = vector.shape_cast %get3A_1072 : vector<1x1x1x16xf32> to vector<16xf32>
        %add3A_1074 = arith.addf %add3A_1065, %get3A_1073 : vector<16xf32>
        %swap3A_1075 = arith.index_cast %add3A_687 : i32 to index
        %swap3A_1076 = arith.constant 112 : index
        %swap3A_1077 = tpu.vector_load %arg7[%swap3A_1075, %swap3A_1076] {strides = array<i32>} : memref<64x128xf32, #tpu.memory_space<vmem>>, vector<1x16xf32>,
        %swap3A_1078 = vector.shape_cast %swap3A_1077 : vector<1x16xf32> to vector<16xf32>
        %swap3A_1079 = vector.shape_cast %add3A_1074 : vector<16xf32> to vector<1x16xf32>
        tpu.vector_store %arg7[%swap3A_1075, %swap3A_1076], %swap3A_1079 {add = true, strides = array<i32>} : memref<64x128xf32, #tpu.memory_space<vmem>>, vector<1x16xf32>,
      }
      %scan3A_165 = arith.constant 32 : i32
      %jit3A = arith.constant 4 : i32
      %eq3A = arith.constant 0 : i32
      %eq3A_166 = arith.cmpi eq, %jit3A, %eq3A : i32
      %jit3A_167 = arith.constant 1 : i32
      %select_n3A = arith.select %eq3A_166, %jit3A_167, %jit3A : i32
      %rem3A = arith.remsi %add3A_86, %select_n3A : i32
      %ne3A = arith.constant 0 : i32
      %ne3A_168 = arith.cmpi ne, %rem3A, %ne3A : i32
      %lt3A_169 = arith.constant 0 : i32
      %lt3A_170 = arith.cmpi slt, %rem3A, %lt3A_169 : i32
      %lt3A_171 = arith.constant 0 : i32
      %lt3A_172 = arith.cmpi slt, %select_n3A, %lt3A_171 : i32
      %ne3A_173 = arith.xori %lt3A_170, %lt3A_172 : i1
      %and3A = arith.andi %ne3A_173, %ne3A_168 : i1
      %add3A_174 = arith.addi %rem3A, %select_n3A : i32
      %select_n3A_175 = arith.select %and3A, %add3A_174, %rem3A : i32
      %eq3A_176 = arith.constant 3 : i32
      %eq3A_177 = arith.cmpi eq, %select_n3A_175, %eq3A_176 : i32
      %convert_element_type3A_178 = arith.extui %eq3A_177 : i1 to i32
      %cond3A_179 = arith.constant 0 : i32
      %cond3A_180 = arith.cmpi ne, %convert_element_type3A_178, %cond3A_179 : i32
      scf.if %cond3A_180 {
        %jit3A_289 = arith.constant 4 : i32
        %div3A = arith.divsi %add3A_86, %jit3A_289 : i32
        %sign3A = arith.constant 0 : i32
        %sign3A_290 = arith.cmpi sgt, %add3A_86, %sign3A : i32
        %sign3A_291 = arith.extui %sign3A_290 : i1 to i32
        %sign3A_292 = arith.constant 0 : i32
        %sign3A_293 = arith.cmpi slt, %add3A_86, %sign3A_292 : i32
        %sign3A_294 = arith.extui %sign3A_293 : i1 to i32
        %sign3A_295 = arith.subi %sign3A_291, %sign3A_294 : i32
        %sign3A_296 = arith.constant 0 : i32
        %sign3A_297 = arith.cmpi sgt, %jit3A_289, %sign3A_296 : i32
        %sign3A_298 = arith.extui %sign3A_297 : i1 to i32
        %sign3A_299 = arith.constant 0 : i32
        %sign3A_300 = arith.cmpi slt, %jit3A_289, %sign3A_299 : i32
        %sign3A_301 = arith.extui %sign3A_300 : i1 to i32
        %sign3A_302 = arith.subi %sign3A_298, %sign3A_301 : i32
        %ne3A_303 = arith.cmpi ne, %sign3A_295, %sign3A_302 : i32
        %rem3A_304 = arith.remsi %add3A_86, %jit3A_289 : i32
        %ne3A_305 = arith.constant 0 : i32
        %ne3A_306 = arith.cmpi ne, %rem3A_304, %ne3A_305 : i32
        %and3A_307 = arith.andi %ne3A_303, %ne3A_306 : i1
        %sub3A = arith.constant 1 : i32
        %sub3A_308 = arith.subi %div3A, %sub3A : i32
        %select_n3A_309 = arith.select %and3A_307, %sub3A_308, %div3A : i32
        %mul3A_310 = arith.constant 256 : i32
        %mul3A_311 = arith.muli %add3A, %mul3A_310 : i32
        %mul3A_312 = arith.constant 64 : i32
        %mul3A_313 = arith.muli %select_n3A_309, %mul3A_312 : i32
        %add3A_314 = arith.addi %mul3A_311, %mul3A_313 : i32
        "tpu.region"() ({
          %run_scoped3A = tpu.sem_alloc : memref<!tpu.dma_semaphore, #tpu.memory_space<semaphore_mem>>
          %dma_start3A_321 = arith.constant 0 : i32
          %dma_start3A_322 = tpu.memref_slice %arg4[%add3A_314, %dma_start3A_321] : memref<8192x128xf32, #tpu.memory_space<hbm>> -> memref<64x128xf32, #tpu.memory_space<hbm>>
          %dma_start3A_323 = arith.constant 0 : i32
          %dma_start3A_324 = tpu.memref_slice %arg4[%add3A_314, %dma_start3A_323] : memref<8192x128xf32, #tpu.memory_space<hbm>> -> memref<64x128xf32, #tpu.memory_space<hbm>>
          tpu.enqueue_dma source(%arg7 : memref<64x128xf32, #tpu.memory_space<vmem>>) target(%dma_start3A_324 : memref<64x128xf32, #tpu.memory_space<hbm>>) target_semaphore(%run_scoped3A : memref<!tpu.dma_semaphore, #tpu.memory_space<semaphore_mem>>)
          %dma_wait3A_325 = arith.constant 0 : i32
          %dma_wait3A_326 = tpu.memref_slice %arg4[%add3A_314, %dma_wait3A_325] : memref<8192x128xf32, #tpu.memory_space<hbm>> -> memref<64x128xf32, #tpu.memory_space<hbm>>
          %dma_wait3A_327 = arith.constant 0 : i32
          %dma_wait3A_328 = tpu.memref_slice %arg4[%add3A_314, %dma_wait3A_327] : memref<8192x128xf32, #tpu.memory_space<hbm>> -> memref<64x128xf32, #tpu.memory_space<hbm>>
          tpu.wait_dma2 semaphore(%run_scoped3A : memref<!tpu.dma_semaphore, #tpu.memory_space<semaphore_mem>>) src(%arg7 : memref<64x128xf32, #tpu.memory_space<vmem>>) dst(%dma_wait3A_328 : memref<64x128xf32, #tpu.memory_space<hbm>>)
          tpu.yield
        }) : () -> ()
        %scan3A_315 = arith.constant 0 : i32
        %scan3A_316 = arith.constant 0 : i32
        %scan3A_317 = arith.constant 32 : i32
        %scan3A_318 = arith.addi %scan3A_316, %scan3A_317 : i32
        %scan3A_319 = arith.constant 1 : i32
        scf.for %scan3A_321 = %scan3A_316 to %scan3A_318 step %scan3A_319  : i32 {
          %mul3A_322 = arith.constant 2 : i32
          %mul3A_323 = arith.muli %scan3A_321, %mul3A_322 : i32
          %add3A_324 = arith.constant 0 : i32
          %add3A_325 = arith.addi %mul3A_323, %add3A_324 : i32
          %swap3A = arith.index_cast %add3A_325 : i32 to index
          %swap3A_326 = arith.constant 0 : index
          %swap3A_327 = tpu.vector_load %arg7[%swap3A, %swap3A_326] {strides = array<i32>} : memref<64x128xf32, #tpu.memory_space<vmem>>, vector<1x16xf32>,
          %swap3A_328 = vector.shape_cast %swap3A_327 : vector<1x16xf32> to vector<16xf32>
          %swap3A_329 = vector.shape_cast %broadcast_in_dim3A_1 : vector<16xf32> to vector<1x16xf32>
          tpu.vector_store %arg7[%swap3A, %swap3A_326], %swap3A_329 {strides = array<i32>} : memref<64x128xf32, #tpu.memory_space<vmem>>, vector<1x16xf32>,
          %swap3A_330 = arith.index_cast %add3A_325 : i32 to index
          %swap3A_331 = arith.constant 16 : index
          %swap3A_332 = tpu.vector_load %arg7[%swap3A_330, %swap3A_331] {strides = array<i32>} : memref<64x128xf32, #tpu.memory_space<vmem>>, vector<1x16xf32>,
          %swap3A_333 = vector.shape_cast %swap3A_332 : vector<1x16xf32> to vector<16xf32>
          %swap3A_334 = vector.shape_cast %broadcast_in_dim3A_1 : vector<16xf32> to vector<1x16xf32>
          tpu.vector_store %arg7[%swap3A_330, %swap3A_331], %swap3A_334 {strides = array<i32>} : memref<64x128xf32, #tpu.memory_space<vmem>>, vector<1x16xf32>,
          %swap3A_335 = arith.index_cast %add3A_325 : i32 to index
          %swap3A_336 = arith.constant 32 : index
          %swap3A_337 = tpu.vector_load %arg7[%swap3A_335, %swap3A_336] {strides = array<i32>} : memref<64x128xf32, #tpu.memory_space<vmem>>, vector<1x16xf32>,
          %swap3A_338 = vector.shape_cast %swap3A_337 : vector<1x16xf32> to vector<16xf32>
          %swap3A_339 = vector.shape_cast %broadcast_in_dim3A_1 : vector<16xf32> to vector<1x16xf32>
          tpu.vector_store %arg7[%swap3A_335, %swap3A_336], %swap3A_339 {strides = array<i32>} : memref<64x128xf32, #tpu.memory_space<vmem>>, vector<1x16xf32>,
          %swap3A_340 = arith.index_cast %add3A_325 : i32 to index
          %swap3A_341 = arith.constant 48 : index
          %swap3A_342 = tpu.vector_load %arg7[%swap3A_340, %swap3A_341] {strides = array<i32>} : memref<64x128xf32, #tpu.memory_space<vmem>>, vector<1x16xf32>,
          %swap3A_343 = vector.shape_cast %swap3A_342 : vector<1x16xf32> to vector<16xf32>
          %swap3A_344 = vector.shape_cast %broadcast_in_dim3A_1 : vector<16xf32> to vector<1x16xf32>
          tpu.vector_store %arg7[%swap3A_340, %swap3A_341], %swap3A_344 {strides = array<i32>} : memref<64x128xf32, #tpu.memory_space<vmem>>, vector<1x16xf32>,
          %swap3A_345 = arith.index_cast %add3A_325 : i32 to index
          %swap3A_346 = arith.constant 64 : index
          %swap3A_347 = tpu.vector_load %arg7[%swap3A_345, %swap3A_346] {strides = array<i32>} : memref<64x128xf32, #tpu.memory_space<vmem>>, vector<1x16xf32>,
          %swap3A_348 = vector.shape_cast %swap3A_347 : vector<1x16xf32> to vector<16xf32>
          %swap3A_349 = vector.shape_cast %broadcast_in_dim3A_1 : vector<16xf32> to vector<1x16xf32>
          tpu.vector_store %arg7[%swap3A_345, %swap3A_346], %swap3A_349 {strides = array<i32>} : memref<64x128xf32, #tpu.memory_space<vmem>>, vector<1x16xf32>,
          %swap3A_350 = arith.index_cast %add3A_325 : i32 to index
          %swap3A_351 = arith.constant 80 : index
          %swap3A_352 = tpu.vector_load %arg7[%swap3A_350, %swap3A_351] {strides = array<i32>} : memref<64x128xf32, #tpu.memory_space<vmem>>, vector<1x16xf32>,
          %swap3A_353 = vector.shape_cast %swap3A_352 : vector<1x16xf32> to vector<16xf32>
          %swap3A_354 = vector.shape_cast %broadcast_in_dim3A_1 : vector<16xf32> to vector<1x16xf32>
          tpu.vector_store %arg7[%swap3A_350, %swap3A_351], %swap3A_354 {strides = array<i32>} : memref<64x128xf32, #tpu.memory_space<vmem>>, vector<1x16xf32>,
          %swap3A_355 = arith.index_cast %add3A_325 : i32 to index
          %swap3A_356 = arith.constant 96 : index
          %swap3A_357 = tpu.vector_load %arg7[%swap3A_355, %swap3A_356] {strides = array<i32>} : memref<64x128xf32, #tpu.memory_space<vmem>>, vector<1x16xf32>,
          %swap3A_358 = vector.shape_cast %swap3A_357 : vector<1x16xf32> to vector<16xf32>
          %swap3A_359 = vector.shape_cast %broadcast_in_dim3A_1 : vector<16xf32> to vector<1x16xf32>
          tpu.vector_store %arg7[%swap3A_355, %swap3A_356], %swap3A_359 {strides = array<i32>} : memref<64x128xf32, #tpu.memory_space<vmem>>, vector<1x16xf32>,
          %swap3A_360 = arith.index_cast %add3A_325 : i32 to index
          %swap3A_361 = arith.constant 112 : index
          %swap3A_362 = tpu.vector_load %arg7[%swap3A_360, %swap3A_361] {strides = array<i32>} : memref<64x128xf32, #tpu.memory_space<vmem>>, vector<1x16xf32>,
          %swap3A_363 = vector.shape_cast %swap3A_362 : vector<1x16xf32> to vector<16xf32>
          %swap3A_364 = vector.shape_cast %broadcast_in_dim3A_1 : vector<16xf32> to vector<1x16xf32>
          tpu.vector_store %arg7[%swap3A_360, %swap3A_361], %swap3A_364 {strides = array<i32>} : memref<64x128xf32, #tpu.memory_space<vmem>>, vector<1x16xf32>,
          %mul3A_365 = arith.constant 2 : i32
          %mul3A_366 = arith.muli %scan3A_321, %mul3A_365 : i32
          %add3A_367 = arith.constant 1 : i32
          %add3A_368 = arith.addi %mul3A_366, %add3A_367 : i32
          %swap3A_369 = arith.index_cast %add3A_368 : i32 to index
          %swap3A_370 = arith.constant 0 : index
          %swap3A_371 = tpu.vector_load %arg7[%swap3A_369, %swap3A_370] {strides = array<i32>} : memref<64x128xf32, #tpu.memory_space<vmem>>, vector<1x16xf32>,
          %swap3A_372 = vector.shape_cast %swap3A_371 : vector<1x16xf32> to vector<16xf32>
          %swap3A_373 = vector.shape_cast %broadcast_in_dim3A_1 : vector<16xf32> to vector<1x16xf32>
          tpu.vector_store %arg7[%swap3A_369, %swap3A_370], %swap3A_373 {strides = array<i32>} : memref<64x128xf32, #tpu.memory_space<vmem>>, vector<1x16xf32>,
          %swap3A_374 = arith.index_cast %add3A_368 : i32 to index
          %swap3A_375 = arith.constant 16 : index
          %swap3A_376 = tpu.vector_load %arg7[%swap3A_374, %swap3A_375] {strides = array<i32>} : memref<64x128xf32, #tpu.memory_space<vmem>>, vector<1x16xf32>,
          %swap3A_377 = vector.shape_cast %swap3A_376 : vector<1x16xf32> to vector<16xf32>
          %swap3A_378 = vector.shape_cast %broadcast_in_dim3A_1 : vector<16xf32> to vector<1x16xf32>
          tpu.vector_store %arg7[%swap3A_374, %swap3A_375], %swap3A_378 {strides = array<i32>} : memref<64x128xf32, #tpu.memory_space<vmem>>, vector<1x16xf32>,
          %swap3A_379 = arith.index_cast %add3A_368 : i32 to index
          %swap3A_380 = arith.constant 32 : index
          %swap3A_381 = tpu.vector_load %arg7[%swap3A_379, %swap3A_380] {strides = array<i32>} : memref<64x128xf32, #tpu.memory_space<vmem>>, vector<1x16xf32>,
          %swap3A_382 = vector.shape_cast %swap3A_381 : vector<1x16xf32> to vector<16xf32>
          %swap3A_383 = vector.shape_cast %broadcast_in_dim3A_1 : vector<16xf32> to vector<1x16xf32>
          tpu.vector_store %arg7[%swap3A_379, %swap3A_380], %swap3A_383 {strides = array<i32>} : memref<64x128xf32, #tpu.memory_space<vmem>>, vector<1x16xf32>,
          %swap3A_384 = arith.index_cast %add3A_368 : i32 to index
          %swap3A_385 = arith.constant 48 : index
          %swap3A_386 = tpu.vector_load %arg7[%swap3A_384, %swap3A_385] {strides = array<i32>} : memref<64x128xf32, #tpu.memory_space<vmem>>, vector<1x16xf32>,
          %swap3A_387 = vector.shape_cast %swap3A_386 : vector<1x16xf32> to vector<16xf32>
          %swap3A_388 = vector.shape_cast %broadcast_in_dim3A_1 : vector<16xf32> to vector<1x16xf32>
          tpu.vector_store %arg7[%swap3A_384, %swap3A_385], %swap3A_388 {strides = array<i32>} : memref<64x128xf32, #tpu.memory_space<vmem>>, vector<1x16xf32>,
          %swap3A_389 = arith.index_cast %add3A_368 : i32 to index
          %swap3A_390 = arith.constant 64 : index
          %swap3A_391 = tpu.vector_load %arg7[%swap3A_389, %swap3A_390] {strides = array<i32>} : memref<64x128xf32, #tpu.memory_space<vmem>>, vector<1x16xf32>,
          %swap3A_392 = vector.shape_cast %swap3A_391 : vector<1x16xf32> to vector<16xf32>
          %swap3A_393 = vector.shape_cast %broadcast_in_dim3A_1 : vector<16xf32> to vector<1x16xf32>
          tpu.vector_store %arg7[%swap3A_389, %swap3A_390], %swap3A_393 {strides = array<i32>} : memref<64x128xf32, #tpu.memory_space<vmem>>, vector<1x16xf32>,
          %swap3A_394 = arith.index_cast %add3A_368 : i32 to index
          %swap3A_395 = arith.constant 80 : index
          %swap3A_396 = tpu.vector_load %arg7[%swap3A_394, %swap3A_395] {strides = array<i32>} : memref<64x128xf32, #tpu.memory_space<vmem>>, vector<1x16xf32>,
          %swap3A_397 = vector.shape_cast %swap3A_396 : vector<1x16xf32> to vector<16xf32>
          %swap3A_398 = vector.shape_cast %broadcast_in_dim3A_1 : vector<16xf32> to vector<1x16xf32>
          tpu.vector_store %arg7[%swap3A_394, %swap3A_395], %swap3A_398 {strides = array<i32>} : memref<64x128xf32, #tpu.memory_space<vmem>>, vector<1x16xf32>,
          %swap3A_399 = arith.index_cast %add3A_368 : i32 to index
          %swap3A_400 = arith.constant 96 : index
          %swap3A_401 = tpu.vector_load %arg7[%swap3A_399, %swap3A_400] {strides = array<i32>} : memref<64x128xf32, #tpu.memory_space<vmem>>, vector<1x16xf32>,
          %swap3A_402 = vector.shape_cast %swap3A_401 : vector<1x16xf32> to vector<16xf32>
          %swap3A_403 = vector.shape_cast %broadcast_in_dim3A_1 : vector<16xf32> to vector<1x16xf32>
          tpu.vector_store %arg7[%swap3A_399, %swap3A_400], %swap3A_403 {strides = array<i32>} : memref<64x128xf32, #tpu.memory_space<vmem>>, vector<1x16xf32>,
          %swap3A_404 = arith.index_cast %add3A_368 : i32 to index
          %swap3A_405 = arith.constant 112 : index
          %swap3A_406 = tpu.vector_load %arg7[%swap3A_404, %swap3A_405] {strides = array<i32>} : memref<64x128xf32, #tpu.memory_space<vmem>>, vector<1x16xf32>,
          %swap3A_407 = vector.shape_cast %swap3A_406 : vector<1x16xf32> to vector<16xf32>
          %swap3A_408 = vector.shape_cast %broadcast_in_dim3A_1 : vector<16xf32> to vector<1x16xf32>
          tpu.vector_store %arg7[%swap3A_404, %swap3A_405], %swap3A_408 {strides = array<i32>} : memref<64x128xf32, #tpu.memory_space<vmem>>, vector<1x16xf32>,
        }
        %scan3A_320 = arith.constant 32 : i32
      } else {
      }
      %mul3A_181 = arith.constant 2 : i32
      %mul3A_182 = arith.muli %scan3A_82, %mul3A_181 : i32
      %add3A_183 = arith.constant 1 : i32
      %add3A_184 = arith.addi %mul3A_182, %add3A_183 : i32
      %add3A_185 = arith.constant 1 : i32
      %add3A_186 = arith.addi %add3A_184, %add3A_185 : i32
      %lt3A_187 = arith.constant 16 : i32
      %lt3A_188 = arith.cmpi slt, %add3A_186, %lt3A_187 : i32
      %convert_element_type3A_189 = arith.extui %lt3A_188 : i1 to i32
      %cond3A_190 = arith.constant 0 : i32
      %cond3A_191 = arith.cmpi ne, %convert_element_type3A_189, %cond3A_190 : i32
      scf.if %cond3A_191 {
        %add3A_289 = arith.constant 1 : i32
        %add3A_290 = arith.addi %add3A_184, %add3A_289 : i32
        %jit3A_291 = arith.constant 4 : i32
        %div3A = arith.divsi %add3A_290, %jit3A_291 : i32
        %sign3A = arith.constant 0 : i32
        %sign3A_292 = arith.cmpi sgt, %add3A_290, %sign3A : i32
        %sign3A_293 = arith.extui %sign3A_292 : i1 to i32
        %sign3A_294 = arith.constant 0 : i32
        %sign3A_295 = arith.cmpi slt, %add3A_290, %sign3A_294 : i32
        %sign3A_296 = arith.extui %sign3A_295 : i1 to i32
        %sign3A_297 = arith.subi %sign3A_293, %sign3A_296 : i32
        %sign3A_298 = arith.constant 0 : i32
        %sign3A_299 = arith.cmpi sgt, %jit3A_291, %sign3A_298 : i32
        %sign3A_300 = arith.extui %sign3A_299 : i1 to i32
        %sign3A_301 = arith.constant 0 : i32
        %sign3A_302 = arith.cmpi slt, %jit3A_291, %sign3A_301 : i32
        %sign3A_303 = arith.extui %sign3A_302 : i1 to i32
        %sign3A_304 = arith.subi %sign3A_300, %sign3A_303 : i32
        %ne3A_305 = arith.cmpi ne, %sign3A_297, %sign3A_304 : i32
        %rem3A_306 = arith.remsi %add3A_290, %jit3A_291 : i32
        %ne3A_307 = arith.constant 0 : i32
        %ne3A_308 = arith.cmpi ne, %rem3A_306, %ne3A_307 : i32
        %and3A_309 = arith.andi %ne3A_305, %ne3A_308 : i1
        %sub3A = arith.constant 1 : i32
        %sub3A_310 = arith.subi %div3A, %sub3A : i32
        %select_n3A_311 = arith.select %and3A_309, %sub3A_310, %div3A : i32
        %jit3A_312 = arith.constant 4 : i32
        %eq3A_313 = arith.constant 0 : i32
        %eq3A_314 = arith.cmpi eq, %jit3A_312, %eq3A_313 : i32
        %jit3A_315 = arith.constant 1 : i32
        %select_n3A_316 = arith.select %eq3A_314, %jit3A_315, %jit3A_312 : i32
        %rem3A_317 = arith.remsi %add3A_290, %select_n3A_316 : i32
        %ne3A_318 = arith.constant 0 : i32
        %ne3A_319 = arith.cmpi ne, %rem3A_317, %ne3A_318 : i32
        %lt3A_320 = arith.constant 0 : i32
        %lt3A_321 = arith.cmpi slt, %rem3A_317, %lt3A_320 : i32
        %lt3A_322 = arith.constant 0 : i32
        %lt3A_323 = arith.cmpi slt, %select_n3A_316, %lt3A_322 : i32
        %ne3A_324 = arith.xori %lt3A_321, %lt3A_323 : i1
        %and3A_325 = arith.andi %ne3A_324, %ne3A_319 : i1
        %add3A_326 = arith.addi %rem3A_317, %select_n3A_316 : i32
        %select_n3A_327 = arith.select %and3A_325, %add3A_326, %rem3A_317 : i32
        %mul3A_328 = arith.constant 5 : i32
        %mul3A_329 = arith.muli %select_n3A_327, %mul3A_328 : i32
        %add3A_330 = arith.constant 0 : i32
        %add3A_331 = arith.addi %mul3A_329, %add3A_330 : i32
        %dma_start3A_332 = arith.constant 0 : i32
        %dma_start3A_333 = arith.constant 0 : i32
        %dma_start3A_334 = arith.constant 0 : i32
        %dma_start3A_335 = arith.constant 0 : i32
        %dma_start3A_336 = tpu.memref_slice %arg6[%dma_start3A_332, %dma_start3A_333, %dma_start3A_334, %dma_start3A_335] : memref<2x5x64x128xf32, #tpu.memory_space<vmem>> -> memref<1x1x64x128xf32, #tpu.memory_space<vmem>>
        %dma_start3A_337 = tpu.memref_squeeze %dma_start3A_336 : memref<1x1x64x128xf32, #tpu.memory_space<vmem>> -> memref<64x128xf32, #tpu.memory_space<vmem>>
        %dma_start3A_338 = arith.constant 0 : i32
        %dma_start3A_339 = tpu.memref_slice %arg5[%add3A_331, %select_n3A_311, %dma_start3A_338] : memref<20x4x64xi32, #tpu.memory_space<vmem>> -> memref<1x1x64xi32, #tpu.memory_space<vmem>>
        %dma_start3A_340 = tpu.memref_squeeze %dma_start3A_339 : memref<1x1x64xi32, #tpu.memory_space<vmem>> -> memref<64xi32, #tpu.memory_space<vmem>>
        %dma_start3A_341 = arith.constant 0 : i32
        %dma_start3A_342 = arith.constant 0 : i32
        %dma_start3A_343 = tpu.memref_slice %arg3[%dma_start3A_341, %dma_start3A_342] : memref<100000x128xf32, #tpu.memory_space<hbm>> -> memref<100000x128xf32, #tpu.memory_space<hbm>>
        tpu.enqueue_indirect_dma source(%dma_start3A_343 : memref<100000x128xf32, #tpu.memory_space<hbm>>) target(%dma_start3A_337 : memref<64x128xf32, #tpu.memory_space<vmem>>) offsets(%dma_start3A_340 : memref<64xi32, #tpu.memory_space<vmem>>) semaphore(%arg8 : memref<!tpu.dma_semaphore, #tpu.memory_space<semaphore_mem>>)
        %mul3A_344 = arith.constant 5 : i32
        %mul3A_345 = arith.muli %select_n3A_327, %mul3A_344 : i32
        %add3A_346 = arith.constant 1 : i32
        %add3A_347 = arith.addi %mul3A_345, %add3A_346 : i32
        %dma_start3A_348 = arith.constant 0 : i32
        %dma_start3A_349 = arith.constant 1 : i32
        %dma_start3A_350 = arith.constant 0 : i32
        %dma_start3A_351 = arith.constant 0 : i32
        %dma_start3A_352 = tpu.memref_slice %arg6[%dma_start3A_348, %dma_start3A_349, %dma_start3A_350, %dma_start3A_351] : memref<2x5x64x128xf32, #tpu.memory_space<vmem>> -> memref<1x1x64x128xf32, #tpu.memory_space<vmem>>
        %dma_start3A_353 = tpu.memref_squeeze %dma_start3A_352 : memref<1x1x64x128xf32, #tpu.memory_space<vmem>> -> memref<64x128xf32, #tpu.memory_space<vmem>>
        %dma_start3A_354 = arith.constant 0 : i32
        %dma_start3A_355 = tpu.memref_slice %arg5[%add3A_347, %select_n3A_311, %dma_start3A_354] : memref<20x4x64xi32, #tpu.memory_space<vmem>> -> memref<1x1x64xi32, #tpu.memory_space<vmem>>
        %dma_start3A_356 = tpu.memref_squeeze %dma_start3A_355 : memref<1x1x64xi32, #tpu.memory_space<vmem>> -> memref<64xi32, #tpu.memory_space<vmem>>
        %dma_start3A_357 = arith.constant 0 : i32
        %dma_start3A_358 = arith.constant 0 : i32
        %dma_start3A_359 = tpu.memref_slice %arg3[%dma_start3A_357, %dma_start3A_358] : memref<100000x128xf32, #tpu.memory_space<hbm>> -> memref<100000x128xf32, #tpu.memory_space<hbm>>
        tpu.enqueue_indirect_dma source(%dma_start3A_359 : memref<100000x128xf32, #tpu.memory_space<hbm>>) target(%dma_start3A_353 : memref<64x128xf32, #tpu.memory_space<vmem>>) offsets(%dma_start3A_356 : memref<64xi32, #tpu.memory_space<vmem>>) semaphore(%arg8 : memref<!tpu.dma_semaphore, #tpu.memory_space<semaphore_mem>>)
        %mul3A_360 = arith.constant 5 : i32
        %mul3A_361 = arith.muli %select_n3A_327, %mul3A_360 : i32
        %add3A_362 = arith.constant 2 : i32
        %add3A_363 = arith.addi %mul3A_361, %add3A_362 : i32
        %dma_start3A_364 = arith.constant 0 : i32
        %dma_start3A_365 = arith.constant 2 : i32
        %dma_start3A_366 = arith.constant 0 : i32
        %dma_start3A_367 = arith.constant 0 : i32
        %dma_start3A_368 = tpu.memref_slice %arg6[%dma_start3A_364, %dma_start3A_365, %dma_start3A_366, %dma_start3A_367] : memref<2x5x64x128xf32, #tpu.memory_space<vmem>> -> memref<1x1x64x128xf32, #tpu.memory_space<vmem>>
        %dma_start3A_369 = tpu.memref_squeeze %dma_start3A_368 : memref<1x1x64x128xf32, #tpu.memory_space<vmem>> -> memref<64x128xf32, #tpu.memory_space<vmem>>
        %dma_start3A_370 = arith.constant 0 : i32
        %dma_start3A_371 = tpu.memref_slice %arg5[%add3A_363, %select_n3A_311, %dma_start3A_370] : memref<20x4x64xi32, #tpu.memory_space<vmem>> -> memref<1x1x64xi32, #tpu.memory_space<vmem>>
        %dma_start3A_372 = tpu.memref_squeeze %dma_start3A_371 : memref<1x1x64xi32, #tpu.memory_space<vmem>> -> memref<64xi32, #tpu.memory_space<vmem>>
        %dma_start3A_373 = arith.constant 0 : i32
        %dma_start3A_374 = arith.constant 0 : i32
        %dma_start3A_375 = tpu.memref_slice %arg3[%dma_start3A_373, %dma_start3A_374] : memref<100000x128xf32, #tpu.memory_space<hbm>> -> memref<100000x128xf32, #tpu.memory_space<hbm>>
        tpu.enqueue_indirect_dma source(%dma_start3A_375 : memref<100000x128xf32, #tpu.memory_space<hbm>>) target(%dma_start3A_369 : memref<64x128xf32, #tpu.memory_space<vmem>>) offsets(%dma_start3A_372 : memref<64xi32, #tpu.memory_space<vmem>>) semaphore(%arg8 : memref<!tpu.dma_semaphore, #tpu.memory_space<semaphore_mem>>)
        %mul3A_376 = arith.constant 5 : i32
        %mul3A_377 = arith.muli %select_n3A_327, %mul3A_376 : i32
        %add3A_378 = arith.constant 3 : i32
        %add3A_379 = arith.addi %mul3A_377, %add3A_378 : i32
        %dma_start3A_380 = arith.constant 0 : i32
        %dma_start3A_381 = arith.constant 3 : i32
        %dma_start3A_382 = arith.constant 0 : i32
        %dma_start3A_383 = arith.constant 0 : i32
        %dma_start3A_384 = tpu.memref_slice %arg6[%dma_start3A_380, %dma_start3A_381, %dma_start3A_382, %dma_start3A_383] : memref<2x5x64x128xf32, #tpu.memory_space<vmem>> -> memref<1x1x64x128xf32, #tpu.memory_space<vmem>>
        %dma_start3A_385 = tpu.memref_squeeze %dma_start3A_384 : memref<1x1x64x128xf32, #tpu.memory_space<vmem>> -> memref<64x128xf32, #tpu.memory_space<vmem>>
        %dma_start3A_386 = arith.constant 0 : i32
        %dma_start3A_387 = tpu.memref_slice %arg5[%add3A_379, %select_n3A_311, %dma_start3A_386] : memref<20x4x64xi32, #tpu.memory_space<vmem>> -> memref<1x1x64xi32, #tpu.memory_space<vmem>>
        %dma_start3A_388 = tpu.memref_squeeze %dma_start3A_387 : memref<1x1x64xi32, #tpu.memory_space<vmem>> -> memref<64xi32, #tpu.memory_space<vmem>>
        %dma_start3A_389 = arith.constant 0 : i32
        %dma_start3A_390 = arith.constant 0 : i32
        %dma_start3A_391 = tpu.memref_slice %arg3[%dma_start3A_389, %dma_start3A_390] : memref<100000x128xf32, #tpu.memory_space<hbm>> -> memref<100000x128xf32, #tpu.memory_space<hbm>>
        tpu.enqueue_indirect_dma source(%dma_start3A_391 : memref<100000x128xf32, #tpu.memory_space<hbm>>) target(%dma_start3A_385 : memref<64x128xf32, #tpu.memory_space<vmem>>) offsets(%dma_start3A_388 : memref<64xi32, #tpu.memory_space<vmem>>) semaphore(%arg8 : memref<!tpu.dma_semaphore, #tpu.memory_space<semaphore_mem>>)
        %mul3A_392 = arith.constant 5 : i32
        %mul3A_393 = arith.muli %select_n3A_327, %mul3A_392 : i32
        %add3A_394 = arith.constant 4 : i32
        %add3A_395 = arith.addi %mul3A_393, %add3A_394 : i32
        %dma_start3A_396 = arith.constant 0 : i32
        %dma_start3A_397 = arith.constant 4 : i32
        %dma_start3A_398 = arith.constant 0 : i32
        %dma_start3A_399 = arith.constant 0 : i32
        %dma_start3A_400 = tpu.memref_slice %arg6[%dma_start3A_396, %dma_start3A_397, %dma_start3A_398, %dma_start3A_399] : memref<2x5x64x128xf32, #tpu.memory_space<vmem>> -> memref<1x1x64x128xf32, #tpu.memory_space<vmem>>
        %dma_start3A_401 = tpu.memref_squeeze %dma_start3A_400 : memref<1x1x64x128xf32, #tpu.memory_space<vmem>> -> memref<64x128xf32, #tpu.memory_space<vmem>>
        %dma_start3A_402 = arith.constant 0 : i32
        %dma_start3A_403 = tpu.memref_slice %arg5[%add3A_395, %select_n3A_311, %dma_start3A_402] : memref<20x4x64xi32, #tpu.memory_space<vmem>> -> memref<1x1x64xi32, #tpu.memory_space<vmem>>
        %dma_start3A_404 = tpu.memref_squeeze %dma_start3A_403 : memref<1x1x64xi32, #tpu.memory_space<vmem>> -> memref<64xi32, #tpu.memory_space<vmem>>
        %dma_start3A_405 = arith.constant 0 : i32
        %dma_start3A_406 = arith.constant 0 : i32
        %dma_start3A_407 = tpu.memref_slice %arg3[%dma_start3A_405, %dma_start3A_406] : memref<100000x128xf32, #tpu.memory_space<hbm>> -> memref<100000x128xf32, #tpu.memory_space<hbm>>
        tpu.enqueue_indirect_dma source(%dma_start3A_407 : memref<100000x128xf32, #tpu.memory_space<hbm>>) target(%dma_start3A_401 : memref<64x128xf32, #tpu.memory_space<vmem>>) offsets(%dma_start3A_404 : memref<64xi32, #tpu.memory_space<vmem>>) semaphore(%arg8 : memref<!tpu.dma_semaphore, #tpu.memory_space<semaphore_mem>>)
      } else {
      }
      %dma_wait3A_192 = arith.constant 0 : i32
      %dma_wait3A_193 = arith.constant 0 : i32
      %dma_wait3A_194 = arith.constant 1 : i32
      %dma_wait3A_195 = arith.constant 0 : i32
      %dma_wait3A_196 = arith.constant 0 : i32
      %dma_wait3A_197 = arith.constant 0 : i32
      %dma_wait3A_198 = tpu.memref_slice %arg6[%dma_wait3A_194, %dma_wait3A_195, %dma_wait3A_196, %dma_wait3A_197] : memref<2x5x64x128xf32, #tpu.memory_space<vmem>> -> memref<1x1x64x128xf32, #tpu.memory_space<vmem>>
      %dma_wait3A_199 = tpu.memref_squeeze %dma_wait3A_198 : memref<1x1x64x128xf32, #tpu.memory_space<vmem>> -> memref<64x128xf32, #tpu.memory_space<vmem>>
      %dma_wait3A_200 = arith.constant 0 : i32
      %dma_wait3A_201 = tpu.memref_slice %arg5[%dma_wait3A_192, %dma_wait3A_193, %dma_wait3A_200] : memref<20x4x64xi32, #tpu.memory_space<vmem>> -> memref<1x1x64xi32, #tpu.memory_space<vmem>>
      %dma_wait3A_202 = tpu.memref_squeeze %dma_wait3A_201 : memref<1x1x64xi32, #tpu.memory_space<vmem>> -> memref<64xi32, #tpu.memory_space<vmem>>
      %dma_wait3A_203 = arith.constant 0 : i32
      %dma_wait3A_204 = arith.constant 0 : i32
      %dma_wait3A_205 = tpu.memref_slice %arg3[%dma_wait3A_203, %dma_wait3A_204] : memref<100000x128xf32, #tpu.memory_space<hbm>> -> memref<100000x128xf32, #tpu.memory_space<hbm>>
      tpu.wait_indirect_dma semaphore(%arg9 : memref<!tpu.dma_semaphore, #tpu.memory_space<semaphore_mem>>) src(%dma_wait3A_205 : memref<100000x128xf32, #tpu.memory_space<hbm>>) dst(%dma_wait3A_199 : memref<64x128xf32, #tpu.memory_space<vmem>>)
      %dma_wait3A_206 = arith.constant 0 : i32
      %dma_wait3A_207 = arith.constant 0 : i32
      %dma_wait3A_208 = arith.constant 1 : i32
      %dma_wait3A_209 = arith.constant 1 : i32
      %dma_wait3A_210 = arith.constant 0 : i32
      %dma_wait3A_211 = arith.constant 0 : i32
      %dma_wait3A_212 = tpu.memref_slice %arg6[%dma_wait3A_208, %dma_wait3A_209, %dma_wait3A_210, %dma_wait3A_211] : memref<2x5x64x128xf32, #tpu.memory_space<vmem>> -> memref<1x1x64x128xf32, #tpu.memory_space<vmem>>
      %dma_wait3A_213 = tpu.memref_squeeze %dma_wait3A_212 : memref<1x1x64x128xf32, #tpu.memory_space<vmem>> -> memref<64x128xf32, #tpu.memory_space<vmem>>
      %dma_wait3A_214 = arith.constant 0 : i32
      %dma_wait3A_215 = tpu.memref_slice %arg5[%dma_wait3A_206, %dma_wait3A_207, %dma_wait3A_214] : memref<20x4x64xi32, #tpu.memory_space<vmem>> -> memref<1x1x64xi32, #tpu.memory_space<vmem>>
      %dma_wait3A_216 = tpu.memref_squeeze %dma_wait3A_215 : memref<1x1x64xi32, #tpu.memory_space<vmem>> -> memref<64xi32, #tpu.memory_space<vmem>>
      %dma_wait3A_217 = arith.constant 0 : i32
      %dma_wait3A_218 = arith.constant 0 : i32
      %dma_wait3A_219 = tpu.memref_slice %arg3[%dma_wait3A_217, %dma_wait3A_218] : memref<100000x128xf32, #tpu.memory_space<hbm>> -> memref<100000x128xf32, #tpu.memory_space<hbm>>
      tpu.wait_indirect_dma semaphore(%arg9 : memref<!tpu.dma_semaphore, #tpu.memory_space<semaphore_mem>>) src(%dma_wait3A_219 : memref<100000x128xf32, #tpu.memory_space<hbm>>) dst(%dma_wait3A_213 : memref<64x128xf32, #tpu.memory_space<vmem>>)
      %dma_wait3A_220 = arith.constant 0 : i32
      %dma_wait3A_221 = arith.constant 0 : i32
      %dma_wait3A_222 = arith.constant 1 : i32
      %dma_wait3A_223 = arith.constant 2 : i32
      %dma_wait3A_224 = arith.constant 0 : i32
      %dma_wait3A_225 = arith.constant 0 : i32
      %dma_wait3A_226 = tpu.memref_slice %arg6[%dma_wait3A_222, %dma_wait3A_223, %dma_wait3A_224, %dma_wait3A_225] : memref<2x5x64x128xf32, #tpu.memory_space<vmem>> -> memref<1x1x64x128xf32, #tpu.memory_space<vmem>>
      %dma_wait3A_227 = tpu.memref_squeeze %dma_wait3A_226 : memref<1x1x64x128xf32, #tpu.memory_space<vmem>> -> memref<64x128xf32, #tpu.memory_space<vmem>>
      %dma_wait3A_228 = arith.constant 0 : i32
      %dma_wait3A_229 = tpu.memref_slice %arg5[%dma_wait3A_220, %dma_wait3A_221, %dma_wait3A_228] : memref<20x4x64xi32, #tpu.memory_space<vmem>> -> memref<1x1x64xi32, #tpu.memory_space<vmem>>
      %dma_wait3A_230 = tpu.memref_squeeze %dma_wait3A_229 : memref<1x1x64xi32, #tpu.memory_space<vmem>> -> memref<64xi32, #tpu.memory_space<vmem>>
      %dma_wait3A_231 = arith.constant 0 : i32
      %dma_wait3A_232 = arith.constant 0 : i32
      %dma_wait3A_233 = tpu.memref_slice %arg3[%dma_wait3A_231, %dma_wait3A_232] : memref<100000x128xf32, #tpu.memory_space<hbm>> -> memref<100000x128xf32, #tpu.memory_space<hbm>>
      tpu.wait_indirect_dma semaphore(%arg9 : memref<!tpu.dma_semaphore, #tpu.memory_space<semaphore_mem>>) src(%dma_wait3A_233 : memref<100000x128xf32, #tpu.memory_space<hbm>>) dst(%dma_wait3A_227 : memref<64x128xf32, #tpu.memory_space<vmem>>)
      %dma_wait3A_234 = arith.constant 0 : i32
      %dma_wait3A_235 = arith.constant 0 : i32
      %dma_wait3A_236 = arith.constant 1 : i32
      %dma_wait3A_237 = arith.constant 3 : i32
      %dma_wait3A_238 = arith.constant 0 : i32
      %dma_wait3A_239 = arith.constant 0 : i32
      %dma_wait3A_240 = tpu.memref_slice %arg6[%dma_wait3A_236, %dma_wait3A_237, %dma_wait3A_238, %dma_wait3A_239] : memref<2x5x64x128xf32, #tpu.memory_space<vmem>> -> memref<1x1x64x128xf32, #tpu.memory_space<vmem>>
      %dma_wait3A_241 = tpu.memref_squeeze %dma_wait3A_240 : memref<1x1x64x128xf32, #tpu.memory_space<vmem>> -> memref<64x128xf32, #tpu.memory_space<vmem>>
      %dma_wait3A_242 = arith.constant 0 : i32
      %dma_wait3A_243 = tpu.memref_slice %arg5[%dma_wait3A_234, %dma_wait3A_235, %dma_wait3A_242] : memref<20x4x64xi32, #tpu.memory_space<vmem>> -> memref<1x1x64xi32, #tpu.memory_space<vmem>>
      %dma_wait3A_244 = tpu.memref_squeeze %dma_wait3A_243 : memref<1x1x64xi32, #tpu.memory_space<vmem>> -> memref<64xi32, #tpu.memory_space<vmem>>
      %dma_wait3A_245 = arith.constant 0 : i32
      %dma_wait3A_246 = arith.constant 0 : i32
      %dma_wait3A_247 = tpu.memref_slice %arg3[%dma_wait3A_245, %dma_wait3A_246] : memref<100000x128xf32, #tpu.memory_space<hbm>> -> memref<100000x128xf32, #tpu.memory_space<hbm>>
      tpu.wait_indirect_dma semaphore(%arg9 : memref<!tpu.dma_semaphore, #tpu.memory_space<semaphore_mem>>) src(%dma_wait3A_247 : memref<100000x128xf32, #tpu.memory_space<hbm>>) dst(%dma_wait3A_241 : memref<64x128xf32, #tpu.memory_space<vmem>>)
      %dma_wait3A_248 = arith.constant 0 : i32
      %dma_wait3A_249 = arith.constant 0 : i32
      %dma_wait3A_250 = arith.constant 1 : i32
      %dma_wait3A_251 = arith.constant 4 : i32
      %dma_wait3A_252 = arith.constant 0 : i32
      %dma_wait3A_253 = arith.constant 0 : i32
      %dma_wait3A_254 = tpu.memref_slice %arg6[%dma_wait3A_250, %dma_wait3A_251, %dma_wait3A_252, %dma_wait3A_253] : memref<2x5x64x128xf32, #tpu.memory_space<vmem>> -> memref<1x1x64x128xf32, #tpu.memory_space<vmem>>
      %dma_wait3A_255 = tpu.memref_squeeze %dma_wait3A_254 : memref<1x1x64x128xf32, #tpu.memory_space<vmem>> -> memref<64x128xf32, #tpu.memory_space<vmem>>
      %dma_wait3A_256 = arith.constant 0 : i32
      %dma_wait3A_257 = tpu.memref_slice %arg5[%dma_wait3A_248, %dma_wait3A_249, %dma_wait3A_256] : memref<20x4x64xi32, #tpu.memory_space<vmem>> -> memref<1x1x64xi32, #tpu.memory_space<vmem>>
      %dma_wait3A_258 = tpu.memref_squeeze %dma_wait3A_257 : memref<1x1x64xi32, #tpu.memory_space<vmem>> -> memref<64xi32, #tpu.memory_space<vmem>>
      %dma_wait3A_259 = arith.constant 0 : i32
      %dma_wait3A_260 = arith.constant 0 : i32
      %dma_wait3A_261 = tpu.memref_slice %arg3[%dma_wait3A_259, %dma_wait3A_260] : memref<100000x128xf32, #tpu.memory_space<hbm>> -> memref<100000x128xf32, #tpu.memory_space<hbm>>
      tpu.wait_indirect_dma semaphore(%arg9 : memref<!tpu.dma_semaphore, #tpu.memory_space<semaphore_mem>>) src(%dma_wait3A_261 : memref<100000x128xf32, #tpu.memory_space<hbm>>) dst(%dma_wait3A_255 : memref<64x128xf32, #tpu.memory_space<vmem>>)
      %scan3A_262 = arith.constant 0 : i32
      %scan3A_263 = arith.constant 0 : i32
      %scan3A_264 = arith.constant 32 : i32
      %scan3A_265 = arith.addi %scan3A_263, %scan3A_264 : i32
      %scan3A_266 = arith.constant 1 : i32
      scf.for %scan3A_289 = %scan3A_263 to %scan3A_265 step %scan3A_266  : i32 {
        %mul3A_290 = arith.constant 2 : i32
        %mul3A_291 = arith.muli %scan3A_289, %mul3A_290 : i32
        %add3A_292 = arith.constant 0 : i32
        %add3A_293 = arith.addi %mul3A_291, %add3A_292 : i32
        %get3A = arith.constant 1 : i32
        %get3A_294 = arith.constant 0 : i32
        %get3A_295 = arith.index_cast %get3A : i32 to index
        %get3A_296 = arith.index_cast %get3A_294 : i32 to index
        %get3A_297 = arith.index_cast %add3A_293 : i32 to index
        %get3A_298 = arith.constant 0 : index
        %get3A_299 = tpu.vector_load %arg6[%get3A_295, %get3A_296, %get3A_297, %get3A_298] {strides = array<i32>} : memref<2x5x64x128xf32, #tpu.memory_space<vmem>>, vector<1x1x1x16xf32>,
        %get3A_300 = vector.shape_cast %get3A_299 : vector<1x1x1x16xf32> to vector<16xf32>
        %get3A_301 = arith.constant 1 : i32
        %get3A_302 = arith.constant 1 : i32
        %get3A_303 = arith.index_cast %get3A_301 : i32 to index
        %get3A_304 = arith.index_cast %get3A_302 : i32 to index
        %get3A_305 = arith.index_cast %add3A_293 : i32 to index
        %get3A_306 = arith.constant 0 : index
        %get3A_307 = tpu.vector_load %arg6[%get3A_303, %get3A_304, %get3A_305, %get3A_306] {strides = array<i32>} : memref<2x5x64x128xf32, #tpu.memory_space<vmem>>, vector<1x1x1x16xf32>,
        %get3A_308 = vector.shape_cast %get3A_307 : vector<1x1x1x16xf32> to vector<16xf32>
        %add3A_309 = arith.addf %get3A_300, %get3A_308 : vector<16xf32>
        %get3A_310 = arith.constant 1 : i32
        %get3A_311 = arith.constant 2 : i32
        %get3A_312 = arith.index_cast %get3A_310 : i32 to index
        %get3A_313 = arith.index_cast %get3A_311 : i32 to index
        %get3A_314 = arith.index_cast %add3A_293 : i32 to index
        %get3A_315 = arith.constant 0 : index
        %get3A_316 = tpu.vector_load %arg6[%get3A_312, %get3A_313, %get3A_314, %get3A_315] {strides = array<i32>} : memref<2x5x64x128xf32, #tpu.memory_space<vmem>>, vector<1x1x1x16xf32>,
        %get3A_317 = vector.shape_cast %get3A_316 : vector<1x1x1x16xf32> to vector<16xf32>
        %add3A_318 = arith.addf %add3A_309, %get3A_317 : vector<16xf32>
        %get3A_319 = arith.constant 1 : i32
        %get3A_320 = arith.constant 3 : i32
        %get3A_321 = arith.index_cast %get3A_319 : i32 to index
        %get3A_322 = arith.index_cast %get3A_320 : i32 to index
        %get3A_323 = arith.index_cast %add3A_293 : i32 to index
        %get3A_324 = arith.constant 0 : index
        %get3A_325 = tpu.vector_load %arg6[%get3A_321, %get3A_322, %get3A_323, %get3A_324] {strides = array<i32>} : memref<2x5x64x128xf32, #tpu.memory_space<vmem>>, vector<1x1x1x16xf32>,
        %get3A_326 = vector.shape_cast %get3A_325 : vector<1x1x1x16xf32> to vector<16xf32>
        %add3A_327 = arith.addf %add3A_318, %get3A_326 : vector<16xf32>
        %get3A_328 = arith.constant 1 : i32
        %get3A_329 = arith.constant 4 : i32
        %get3A_330 = arith.index_cast %get3A_328 : i32 to index
        %get3A_331 = arith.index_cast %get3A_329 : i32 to index
        %get3A_332 = arith.index_cast %add3A_293 : i32 to index
        %get3A_333 = arith.constant 0 : index
        %get3A_334 = tpu.vector_load %arg6[%get3A_330, %get3A_331, %get3A_332, %get3A_333] {strides = array<i32>} : memref<2x5x64x128xf32, #tpu.memory_space<vmem>>, vector<1x1x1x16xf32>,
        %get3A_335 = vector.shape_cast %get3A_334 : vector<1x1x1x16xf32> to vector<16xf32>
        %add3A_336 = arith.addf %add3A_327, %get3A_335 : vector<16xf32>
        %swap3A = arith.index_cast %add3A_293 : i32 to index
        %swap3A_337 = arith.constant 0 : index
        %swap3A_338 = tpu.vector_load %arg7[%swap3A, %swap3A_337] {strides = array<i32>} : memref<64x128xf32, #tpu.memory_space<vmem>>, vector<1x16xf32>,
        %swap3A_339 = vector.shape_cast %swap3A_338 : vector<1x16xf32> to vector<16xf32>
        %swap3A_340 = vector.shape_cast %add3A_336 : vector<16xf32> to vector<1x16xf32>
        tpu.vector_store %arg7[%swap3A, %swap3A_337], %swap3A_340 {add = true, strides = array<i32>} : memref<64x128xf32, #tpu.memory_space<vmem>>, vector<1x16xf32>,
        %get3A_341 = arith.constant 1 : i32
        %get3A_342 = arith.constant 0 : i32
        %get3A_343 = arith.index_cast %get3A_341 : i32 to index
        %get3A_344 = arith.index_cast %get3A_342 : i32 to index
        %get3A_345 = arith.index_cast %add3A_293 : i32 to index
        %get3A_346 = arith.constant 16 : index
        %get3A_347 = tpu.vector_load %arg6[%get3A_343, %get3A_344, %get3A_345, %get3A_346] {strides = array<i32>} : memref<2x5x64x128xf32, #tpu.memory_space<vmem>>, vector<1x1x1x16xf32>,
        %get3A_348 = vector.shape_cast %get3A_347 : vector<1x1x1x16xf32> to vector<16xf32>
        %get3A_349 = arith.constant 1 : i32
        %get3A_350 = arith.constant 1 : i32
        %get3A_351 = arith.index_cast %get3A_349 : i32 to index
        %get3A_352 = arith.index_cast %get3A_350 : i32 to index
        %get3A_353 = arith.index_cast %add3A_293 : i32 to index
        %get3A_354 = arith.constant 16 : index
        %get3A_355 = tpu.vector_load %arg6[%get3A_351, %get3A_352, %get3A_353, %get3A_354] {strides = array<i32>} : memref<2x5x64x128xf32, #tpu.memory_space<vmem>>, vector<1x1x1x16xf32>,
        %get3A_356 = vector.shape_cast %get3A_355 : vector<1x1x1x16xf32> to vector<16xf32>
        %add3A_357 = arith.addf %get3A_348, %get3A_356 : vector<16xf32>
        %get3A_358 = arith.constant 1 : i32
        %get3A_359 = arith.constant 2 : i32
        %get3A_360 = arith.index_cast %get3A_358 : i32 to index
        %get3A_361 = arith.index_cast %get3A_359 : i32 to index
        %get3A_362 = arith.index_cast %add3A_293 : i32 to index
        %get3A_363 = arith.constant 16 : index
        %get3A_364 = tpu.vector_load %arg6[%get3A_360, %get3A_361, %get3A_362, %get3A_363] {strides = array<i32>} : memref<2x5x64x128xf32, #tpu.memory_space<vmem>>, vector<1x1x1x16xf32>,
        %get3A_365 = vector.shape_cast %get3A_364 : vector<1x1x1x16xf32> to vector<16xf32>
        %add3A_366 = arith.addf %add3A_357, %get3A_365 : vector<16xf32>
        %get3A_367 = arith.constant 1 : i32
        %get3A_368 = arith.constant 3 : i32
        %get3A_369 = arith.index_cast %get3A_367 : i32 to index
        %get3A_370 = arith.index_cast %get3A_368 : i32 to index
        %get3A_371 = arith.index_cast %add3A_293 : i32 to index
        %get3A_372 = arith.constant 16 : index
        %get3A_373 = tpu.vector_load %arg6[%get3A_369, %get3A_370, %get3A_371, %get3A_372] {strides = array<i32>} : memref<2x5x64x128xf32, #tpu.memory_space<vmem>>, vector<1x1x1x16xf32>,
        %get3A_374 = vector.shape_cast %get3A_373 : vector<1x1x1x16xf32> to vector<16xf32>
        %add3A_375 = arith.addf %add3A_366, %get3A_374 : vector<16xf32>
        %get3A_376 = arith.constant 1 : i32
        %get3A_377 = arith.constant 4 : i32
        %get3A_378 = arith.index_cast %get3A_376 : i32 to index
        %get3A_379 = arith.index_cast %get3A_377 : i32 to index
        %get3A_380 = arith.index_cast %add3A_293 : i32 to index
        %get3A_381 = arith.constant 16 : index
        %get3A_382 = tpu.vector_load %arg6[%get3A_378, %get3A_379, %get3A_380, %get3A_381] {strides = array<i32>} : memref<2x5x64x128xf32, #tpu.memory_space<vmem>>, vector<1x1x1x16xf32>,
        %get3A_383 = vector.shape_cast %get3A_382 : vector<1x1x1x16xf32> to vector<16xf32>
        %add3A_384 = arith.addf %add3A_375, %get3A_383 : vector<16xf32>
        %swap3A_385 = arith.index_cast %add3A_293 : i32 to index
        %swap3A_386 = arith.constant 16 : index
        %swap3A_387 = tpu.vector_load %arg7[%swap3A_385, %swap3A_386] {strides = array<i32>} : memref<64x128xf32, #tpu.memory_space<vmem>>, vector<1x16xf32>,
        %swap3A_388 = vector.shape_cast %swap3A_387 : vector<1x16xf32> to vector<16xf32>
        %swap3A_389 = vector.shape_cast %add3A_384 : vector<16xf32> to vector<1x16xf32>
        tpu.vector_store %arg7[%swap3A_385, %swap3A_386], %swap3A_389 {add = true, strides = array<i32>} : memref<64x128xf32, #tpu.memory_space<vmem>>, vector<1x16xf32>,
        %get3A_390 = arith.constant 1 : i32
        %get3A_391 = arith.constant 0 : i32
        %get3A_392 = arith.index_cast %get3A_390 : i32 to index
        %get3A_393 = arith.index_cast %get3A_391 : i32 to index
        %get3A_394 = arith.index_cast %add3A_293 : i32 to index
        %get3A_395 = arith.constant 32 : index
        %get3A_396 = tpu.vector_load %arg6[%get3A_392, %get3A_393, %get3A_394, %get3A_395] {strides = array<i32>} : memref<2x5x64x128xf32, #tpu.memory_space<vmem>>, vector<1x1x1x16xf32>,
        %get3A_397 = vector.shape_cast %get3A_396 : vector<1x1x1x16xf32> to vector<16xf32>
        %get3A_398 = arith.constant 1 : i32
        %get3A_399 = arith.constant 1 : i32
        %get3A_400 = arith.index_cast %get3A_398 : i32 to index
        %get3A_401 = arith.index_cast %get3A_399 : i32 to index
        %get3A_402 = arith.index_cast %add3A_293 : i32 to index
        %get3A_403 = arith.constant 32 : index
        %get3A_404 = tpu.vector_load %arg6[%get3A_400, %get3A_401, %get3A_402, %get3A_403] {strides = array<i32>} : memref<2x5x64x128xf32, #tpu.memory_space<vmem>>, vector<1x1x1x16xf32>,
        %get3A_405 = vector.shape_cast %get3A_404 : vector<1x1x1x16xf32> to vector<16xf32>
        %add3A_406 = arith.addf %get3A_397, %get3A_405 : vector<16xf32>
        %get3A_407 = arith.constant 1 : i32
        %get3A_408 = arith.constant 2 : i32
        %get3A_409 = arith.index_cast %get3A_407 : i32 to index
        %get3A_410 = arith.index_cast %get3A_408 : i32 to index
        %get3A_411 = arith.index_cast %add3A_293 : i32 to index
        %get3A_412 = arith.constant 32 : index
        %get3A_413 = tpu.vector_load %arg6[%get3A_409, %get3A_410, %get3A_411, %get3A_412] {strides = array<i32>} : memref<2x5x64x128xf32, #tpu.memory_space<vmem>>, vector<1x1x1x16xf32>,
        %get3A_414 = vector.shape_cast %get3A_413 : vector<1x1x1x16xf32> to vector<16xf32>
        %add3A_415 = arith.addf %add3A_406, %get3A_414 : vector<16xf32>
        %get3A_416 = arith.constant 1 : i32
        %get3A_417 = arith.constant 3 : i32
        %get3A_418 = arith.index_cast %get3A_416 : i32 to index
        %get3A_419 = arith.index_cast %get3A_417 : i32 to index
        %get3A_420 = arith.index_cast %add3A_293 : i32 to index
        %get3A_421 = arith.constant 32 : index
        %get3A_422 = tpu.vector_load %arg6[%get3A_418, %get3A_419, %get3A_420, %get3A_421] {strides = array<i32>} : memref<2x5x64x128xf32, #tpu.memory_space<vmem>>, vector<1x1x1x16xf32>,
        %get3A_423 = vector.shape_cast %get3A_422 : vector<1x1x1x16xf32> to vector<16xf32>
        %add3A_424 = arith.addf %add3A_415, %get3A_423 : vector<16xf32>
        %get3A_425 = arith.constant 1 : i32
        %get3A_426 = arith.constant 4 : i32
        %get3A_427 = arith.index_cast %get3A_425 : i32 to index
        %get3A_428 = arith.index_cast %get3A_426 : i32 to index
        %get3A_429 = arith.index_cast %add3A_293 : i32 to index
        %get3A_430 = arith.constant 32 : index
        %get3A_431 = tpu.vector_load %arg6[%get3A_427, %get3A_428, %get3A_429, %get3A_430] {strides = array<i32>} : memref<2x5x64x128xf32, #tpu.memory_space<vmem>>, vector<1x1x1x16xf32>,
        %get3A_432 = vector.shape_cast %get3A_431 : vector<1x1x1x16xf32> to vector<16xf32>
        %add3A_433 = arith.addf %add3A_424, %get3A_432 : vector<16xf32>
        %swap3A_434 = arith.index_cast %add3A_293 : i32 to index
        %swap3A_435 = arith.constant 32 : index
        %swap3A_436 = tpu.vector_load %arg7[%swap3A_434, %swap3A_435] {strides = array<i32>} : memref<64x128xf32, #tpu.memory_space<vmem>>, vector<1x16xf32>,
        %swap3A_437 = vector.shape_cast %swap3A_436 : vector<1x16xf32> to vector<16xf32>
        %swap3A_438 = vector.shape_cast %add3A_433 : vector<16xf32> to vector<1x16xf32>
        tpu.vector_store %arg7[%swap3A_434, %swap3A_435], %swap3A_438 {add = true, strides = array<i32>} : memref<64x128xf32, #tpu.memory_space<vmem>>, vector<1x16xf32>,
        %get3A_439 = arith.constant 1 : i32
        %get3A_440 = arith.constant 0 : i32
        %get3A_441 = arith.index_cast %get3A_439 : i32 to index
        %get3A_442 = arith.index_cast %get3A_440 : i32 to index
        %get3A_443 = arith.index_cast %add3A_293 : i32 to index
        %get3A_444 = arith.constant 48 : index
        %get3A_445 = tpu.vector_load %arg6[%get3A_441, %get3A_442, %get3A_443, %get3A_444] {strides = array<i32>} : memref<2x5x64x128xf32, #tpu.memory_space<vmem>>, vector<1x1x1x16xf32>,
        %get3A_446 = vector.shape_cast %get3A_445 : vector<1x1x1x16xf32> to vector<16xf32>
        %get3A_447 = arith.constant 1 : i32
        %get3A_448 = arith.constant 1 : i32
        %get3A_449 = arith.index_cast %get3A_447 : i32 to index
        %get3A_450 = arith.index_cast %get3A_448 : i32 to index
        %get3A_451 = arith.index_cast %add3A_293 : i32 to index
        %get3A_452 = arith.constant 48 : index
        %get3A_453 = tpu.vector_load %arg6[%get3A_449, %get3A_450, %get3A_451, %get3A_452] {strides = array<i32>} : memref<2x5x64x128xf32, #tpu.memory_space<vmem>>, vector<1x1x1x16xf32>,
        %get3A_454 = vector.shape_cast %get3A_453 : vector<1x1x1x16xf32> to vector<16xf32>
        %add3A_455 = arith.addf %get3A_446, %get3A_454 : vector<16xf32>
        %get3A_456 = arith.constant 1 : i32
        %get3A_457 = arith.constant 2 : i32
        %get3A_458 = arith.index_cast %get3A_456 : i32 to index
        %get3A_459 = arith.index_cast %get3A_457 : i32 to index
        %get3A_460 = arith.index_cast %add3A_293 : i32 to index
        %get3A_461 = arith.constant 48 : index
        %get3A_462 = tpu.vector_load %arg6[%get3A_458, %get3A_459, %get3A_460, %get3A_461] {strides = array<i32>} : memref<2x5x64x128xf32, #tpu.memory_space<vmem>>, vector<1x1x1x16xf32>,
        %get3A_463 = vector.shape_cast %get3A_462 : vector<1x1x1x16xf32> to vector<16xf32>
        %add3A_464 = arith.addf %add3A_455, %get3A_463 : vector<16xf32>
        %get3A_465 = arith.constant 1 : i32
        %get3A_466 = arith.constant 3 : i32
        %get3A_467 = arith.index_cast %get3A_465 : i32 to index
        %get3A_468 = arith.index_cast %get3A_466 : i32 to index
        %get3A_469 = arith.index_cast %add3A_293 : i32 to index
        %get3A_470 = arith.constant 48 : index
        %get3A_471 = tpu.vector_load %arg6[%get3A_467, %get3A_468, %get3A_469, %get3A_470] {strides = array<i32>} : memref<2x5x64x128xf32, #tpu.memory_space<vmem>>, vector<1x1x1x16xf32>,
        %get3A_472 = vector.shape_cast %get3A_471 : vector<1x1x1x16xf32> to vector<16xf32>
        %add3A_473 = arith.addf %add3A_464, %get3A_472 : vector<16xf32>
        %get3A_474 = arith.constant 1 : i32
        %get3A_475 = arith.constant 4 : i32
        %get3A_476 = arith.index_cast %get3A_474 : i32 to index
        %get3A_477 = arith.index_cast %get3A_475 : i32 to index
        %get3A_478 = arith.index_cast %add3A_293 : i32 to index
        %get3A_479 = arith.constant 48 : index
        %get3A_480 = tpu.vector_load %arg6[%get3A_476, %get3A_477, %get3A_478, %get3A_479] {strides = array<i32>} : memref<2x5x64x128xf32, #tpu.memory_space<vmem>>, vector<1x1x1x16xf32>,
        %get3A_481 = vector.shape_cast %get3A_480 : vector<1x1x1x16xf32> to vector<16xf32>
        %add3A_482 = arith.addf %add3A_473, %get3A_481 : vector<16xf32>
        %swap3A_483 = arith.index_cast %add3A_293 : i32 to index
        %swap3A_484 = arith.constant 48 : index
        %swap3A_485 = tpu.vector_load %arg7[%swap3A_483, %swap3A_484] {strides = array<i32>} : memref<64x128xf32, #tpu.memory_space<vmem>>, vector<1x16xf32>,
        %swap3A_486 = vector.shape_cast %swap3A_485 : vector<1x16xf32> to vector<16xf32>
        %swap3A_487 = vector.shape_cast %add3A_482 : vector<16xf32> to vector<1x16xf32>
        tpu.vector_store %arg7[%swap3A_483, %swap3A_484], %swap3A_487 {add = true, strides = array<i32>} : memref<64x128xf32, #tpu.memory_space<vmem>>, vector<1x16xf32>,
        %get3A_488 = arith.constant 1 : i32
        %get3A_489 = arith.constant 0 : i32
        %get3A_490 = arith.index_cast %get3A_488 : i32 to index
        %get3A_491 = arith.index_cast %get3A_489 : i32 to index
        %get3A_492 = arith.index_cast %add3A_293 : i32 to index
        %get3A_493 = arith.constant 64 : index
        %get3A_494 = tpu.vector_load %arg6[%get3A_490, %get3A_491, %get3A_492, %get3A_493] {strides = array<i32>} : memref<2x5x64x128xf32, #tpu.memory_space<vmem>>, vector<1x1x1x16xf32>,
        %get3A_495 = vector.shape_cast %get3A_494 : vector<1x1x1x16xf32> to vector<16xf32>
        %get3A_496 = arith.constant 1 : i32
        %get3A_497 = arith.constant 1 : i32
        %get3A_498 = arith.index_cast %get3A_496 : i32 to index
        %get3A_499 = arith.index_cast %get3A_497 : i32 to index
        %get3A_500 = arith.index_cast %add3A_293 : i32 to index
        %get3A_501 = arith.constant 64 : index
        %get3A_502 = tpu.vector_load %arg6[%get3A_498, %get3A_499, %get3A_500, %get3A_501] {strides = array<i32>} : memref<2x5x64x128xf32, #tpu.memory_space<vmem>>, vector<1x1x1x16xf32>,
        %get3A_503 = vector.shape_cast %get3A_502 : vector<1x1x1x16xf32> to vector<16xf32>
        %add3A_504 = arith.addf %get3A_495, %get3A_503 : vector<16xf32>
        %get3A_505 = arith.constant 1 : i32
        %get3A_506 = arith.constant 2 : i32
        %get3A_507 = arith.index_cast %get3A_505 : i32 to index
        %get3A_508 = arith.index_cast %get3A_506 : i32 to index
        %get3A_509 = arith.index_cast %add3A_293 : i32 to index
        %get3A_510 = arith.constant 64 : index
        %get3A_511 = tpu.vector_load %arg6[%get3A_507, %get3A_508, %get3A_509, %get3A_510] {strides = array<i32>} : memref<2x5x64x128xf32, #tpu.memory_space<vmem>>, vector<1x1x1x16xf32>,
        %get3A_512 = vector.shape_cast %get3A_511 : vector<1x1x1x16xf32> to vector<16xf32>
        %add3A_513 = arith.addf %add3A_504, %get3A_512 : vector<16xf32>
        %get3A_514 = arith.constant 1 : i32
        %get3A_515 = arith.constant 3 : i32
        %get3A_516 = arith.index_cast %get3A_514 : i32 to index
        %get3A_517 = arith.index_cast %get3A_515 : i32 to index
        %get3A_518 = arith.index_cast %add3A_293 : i32 to index
        %get3A_519 = arith.constant 64 : index
        %get3A_520 = tpu.vector_load %arg6[%get3A_516, %get3A_517, %get3A_518, %get3A_519] {strides = array<i32>} : memref<2x5x64x128xf32, #tpu.memory_space<vmem>>, vector<1x1x1x16xf32>,
        %get3A_521 = vector.shape_cast %get3A_520 : vector<1x1x1x16xf32> to vector<16xf32>
        %add3A_522 = arith.addf %add3A_513, %get3A_521 : vector<16xf32>
        %get3A_523 = arith.constant 1 : i32
        %get3A_524 = arith.constant 4 : i32
        %get3A_525 = arith.index_cast %get3A_523 : i32 to index
        %get3A_526 = arith.index_cast %get3A_524 : i32 to index
        %get3A_527 = arith.index_cast %add3A_293 : i32 to index
        %get3A_528 = arith.constant 64 : index
        %get3A_529 = tpu.vector_load %arg6[%get3A_525, %get3A_526, %get3A_527, %get3A_528] {strides = array<i32>} : memref<2x5x64x128xf32, #tpu.memory_space<vmem>>, vector<1x1x1x16xf32>,
        %get3A_530 = vector.shape_cast %get3A_529 : vector<1x1x1x16xf32> to vector<16xf32>
        %add3A_531 = arith.addf %add3A_522, %get3A_530 : vector<16xf32>
        %swap3A_532 = arith.index_cast %add3A_293 : i32 to index
        %swap3A_533 = arith.constant 64 : index
        %swap3A_534 = tpu.vector_load %arg7[%swap3A_532, %swap3A_533] {strides = array<i32>} : memref<64x128xf32, #tpu.memory_space<vmem>>, vector<1x16xf32>,
        %swap3A_535 = vector.shape_cast %swap3A_534 : vector<1x16xf32> to vector<16xf32>
        %swap3A_536 = vector.shape_cast %add3A_531 : vector<16xf32> to vector<1x16xf32>
        tpu.vector_store %arg7[%swap3A_532, %swap3A_533], %swap3A_536 {add = true, strides = array<i32>} : memref<64x128xf32, #tpu.memory_space<vmem>>, vector<1x16xf32>,
        %get3A_537 = arith.constant 1 : i32
        %get3A_538 = arith.constant 0 : i32
        %get3A_539 = arith.index_cast %get3A_537 : i32 to index
        %get3A_540 = arith.index_cast %get3A_538 : i32 to index
        %get3A_541 = arith.index_cast %add3A_293 : i32 to index
        %get3A_542 = arith.constant 80 : index
        %get3A_543 = tpu.vector_load %arg6[%get3A_539, %get3A_540, %get3A_541, %get3A_542] {strides = array<i32>} : memref<2x5x64x128xf32, #tpu.memory_space<vmem>>, vector<1x1x1x16xf32>,
        %get3A_544 = vector.shape_cast %get3A_543 : vector<1x1x1x16xf32> to vector<16xf32>
        %get3A_545 = arith.constant 1 : i32
        %get3A_546 = arith.constant 1 : i32
        %get3A_547 = arith.index_cast %get3A_545 : i32 to index
        %get3A_548 = arith.index_cast %get3A_546 : i32 to index
        %get3A_549 = arith.index_cast %add3A_293 : i32 to index
        %get3A_550 = arith.constant 80 : index
        %get3A_551 = tpu.vector_load %arg6[%get3A_547, %get3A_548, %get3A_549, %get3A_550] {strides = array<i32>} : memref<2x5x64x128xf32, #tpu.memory_space<vmem>>, vector<1x1x1x16xf32>,
        %get3A_552 = vector.shape_cast %get3A_551 : vector<1x1x1x16xf32> to vector<16xf32>
        %add3A_553 = arith.addf %get3A_544, %get3A_552 : vector<16xf32>
        %get3A_554 = arith.constant 1 : i32
        %get3A_555 = arith.constant 2 : i32
        %get3A_556 = arith.index_cast %get3A_554 : i32 to index
        %get3A_557 = arith.index_cast %get3A_555 : i32 to index
        %get3A_558 = arith.index_cast %add3A_293 : i32 to index
        %get3A_559 = arith.constant 80 : index
        %get3A_560 = tpu.vector_load %arg6[%get3A_556, %get3A_557, %get3A_558, %get3A_559] {strides = array<i32>} : memref<2x5x64x128xf32, #tpu.memory_space<vmem>>, vector<1x1x1x16xf32>,
        %get3A_561 = vector.shape_cast %get3A_560 : vector<1x1x1x16xf32> to vector<16xf32>
        %add3A_562 = arith.addf %add3A_553, %get3A_561 : vector<16xf32>
        %get3A_563 = arith.constant 1 : i32
        %get3A_564 = arith.constant 3 : i32
        %get3A_565 = arith.index_cast %get3A_563 : i32 to index
        %get3A_566 = arith.index_cast %get3A_564 : i32 to index
        %get3A_567 = arith.index_cast %add3A_293 : i32 to index
        %get3A_568 = arith.constant 80 : index
        %get3A_569 = tpu.vector_load %arg6[%get3A_565, %get3A_566, %get3A_567, %get3A_568] {strides = array<i32>} : memref<2x5x64x128xf32, #tpu.memory_space<vmem>>, vector<1x1x1x16xf32>,
        %get3A_570 = vector.shape_cast %get3A_569 : vector<1x1x1x16xf32> to vector<16xf32>
        %add3A_571 = arith.addf %add3A_562, %get3A_570 : vector<16xf32>
        %get3A_572 = arith.constant 1 : i32
        %get3A_573 = arith.constant 4 : i32
        %get3A_574 = arith.index_cast %get3A_572 : i32 to index
        %get3A_575 = arith.index_cast %get3A_573 : i32 to index
        %get3A_576 = arith.index_cast %add3A_293 : i32 to index
        %get3A_577 = arith.constant 80 : index
        %get3A_578 = tpu.vector_load %arg6[%get3A_574, %get3A_575, %get3A_576, %get3A_577] {strides = array<i32>} : memref<2x5x64x128xf32, #tpu.memory_space<vmem>>, vector<1x1x1x16xf32>,
        %get3A_579 = vector.shape_cast %get3A_578 : vector<1x1x1x16xf32> to vector<16xf32>
        %add3A_580 = arith.addf %add3A_571, %get3A_579 : vector<16xf32>
        %swap3A_581 = arith.index_cast %add3A_293 : i32 to index
        %swap3A_582 = arith.constant 80 : index
        %swap3A_583 = tpu.vector_load %arg7[%swap3A_581, %swap3A_582] {strides = array<i32>} : memref<64x128xf32, #tpu.memory_space<vmem>>, vector<1x16xf32>,
        %swap3A_584 = vector.shape_cast %swap3A_583 : vector<1x16xf32> to vector<16xf32>
        %swap3A_585 = vector.shape_cast %add3A_580 : vector<16xf32> to vector<1x16xf32>
        tpu.vector_store %arg7[%swap3A_581, %swap3A_582], %swap3A_585 {add = true, strides = array<i32>} : memref<64x128xf32, #tpu.memory_space<vmem>>, vector<1x16xf32>,
        %get3A_586 = arith.constant 1 : i32
        %get3A_587 = arith.constant 0 : i32
        %get3A_588 = arith.index_cast %get3A_586 : i32 to index
        %get3A_589 = arith.index_cast %get3A_587 : i32 to index
        %get3A_590 = arith.index_cast %add3A_293 : i32 to index
        %get3A_591 = arith.constant 96 : index
        %get3A_592 = tpu.vector_load %arg6[%get3A_588, %get3A_589, %get3A_590, %get3A_591] {strides = array<i32>} : memref<2x5x64x128xf32, #tpu.memory_space<vmem>>, vector<1x1x1x16xf32>,
        %get3A_593 = vector.shape_cast %get3A_592 : vector<1x1x1x16xf32> to vector<16xf32>
        %get3A_594 = arith.constant 1 : i32
        %get3A_595 = arith.constant 1 : i32
        %get3A_596 = arith.index_cast %get3A_594 : i32 to index
        %get3A_597 = arith.index_cast %get3A_595 : i32 to index
        %get3A_598 = arith.index_cast %add3A_293 : i32 to index
        %get3A_599 = arith.constant 96 : index
        %get3A_600 = tpu.vector_load %arg6[%get3A_596, %get3A_597, %get3A_598, %get3A_599] {strides = array<i32>} : memref<2x5x64x128xf32, #tpu.memory_space<vmem>>, vector<1x1x1x16xf32>,
        %get3A_601 = vector.shape_cast %get3A_600 : vector<1x1x1x16xf32> to vector<16xf32>
        %add3A_602 = arith.addf %get3A_593, %get3A_601 : vector<16xf32>
        %get3A_603 = arith.constant 1 : i32
        %get3A_604 = arith.constant 2 : i32
        %get3A_605 = arith.index_cast %get3A_603 : i32 to index
        %get3A_606 = arith.index_cast %get3A_604 : i32 to index
        %get3A_607 = arith.index_cast %add3A_293 : i32 to index
        %get3A_608 = arith.constant 96 : index
        %get3A_609 = tpu.vector_load %arg6[%get3A_605, %get3A_606, %get3A_607, %get3A_608] {strides = array<i32>} : memref<2x5x64x128xf32, #tpu.memory_space<vmem>>, vector<1x1x1x16xf32>,
        %get3A_610 = vector.shape_cast %get3A_609 : vector<1x1x1x16xf32> to vector<16xf32>
        %add3A_611 = arith.addf %add3A_602, %get3A_610 : vector<16xf32>
        %get3A_612 = arith.constant 1 : i32
        %get3A_613 = arith.constant 3 : i32
        %get3A_614 = arith.index_cast %get3A_612 : i32 to index
        %get3A_615 = arith.index_cast %get3A_613 : i32 to index
        %get3A_616 = arith.index_cast %add3A_293 : i32 to index
        %get3A_617 = arith.constant 96 : index
        %get3A_618 = tpu.vector_load %arg6[%get3A_614, %get3A_615, %get3A_616, %get3A_617] {strides = array<i32>} : memref<2x5x64x128xf32, #tpu.memory_space<vmem>>, vector<1x1x1x16xf32>,
        %get3A_619 = vector.shape_cast %get3A_618 : vector<1x1x1x16xf32> to vector<16xf32>
        %add3A_620 = arith.addf %add3A_611, %get3A_619 : vector<16xf32>
        %get3A_621 = arith.constant 1 : i32
        %get3A_622 = arith.constant 4 : i32
        %get3A_623 = arith.index_cast %get3A_621 : i32 to index
        %get3A_624 = arith.index_cast %get3A_622 : i32 to index
        %get3A_625 = arith.index_cast %add3A_293 : i32 to index
        %get3A_626 = arith.constant 96 : index
        %get3A_627 = tpu.vector_load %arg6[%get3A_623, %get3A_624, %get3A_625, %get3A_626] {strides = array<i32>} : memref<2x5x64x128xf32, #tpu.memory_space<vmem>>, vector<1x1x1x16xf32>,
        %get3A_628 = vector.shape_cast %get3A_627 : vector<1x1x1x16xf32> to vector<16xf32>
        %add3A_629 = arith.addf %add3A_620, %get3A_628 : vector<16xf32>
        %swap3A_630 = arith.index_cast %add3A_293 : i32 to index
        %swap3A_631 = arith.constant 96 : index
        %swap3A_632 = tpu.vector_load %arg7[%swap3A_630, %swap3A_631] {strides = array<i32>} : memref<64x128xf32, #tpu.memory_space<vmem>>, vector<1x16xf32>,
        %swap3A_633 = vector.shape_cast %swap3A_632 : vector<1x16xf32> to vector<16xf32>
        %swap3A_634 = vector.shape_cast %add3A_629 : vector<16xf32> to vector<1x16xf32>
        tpu.vector_store %arg7[%swap3A_630, %swap3A_631], %swap3A_634 {add = true, strides = array<i32>} : memref<64x128xf32, #tpu.memory_space<vmem>>, vector<1x16xf32>,
        %get3A_635 = arith.constant 1 : i32
        %get3A_636 = arith.constant 0 : i32
        %get3A_637 = arith.index_cast %get3A_635 : i32 to index
        %get3A_638 = arith.index_cast %get3A_636 : i32 to index
        %get3A_639 = arith.index_cast %add3A_293 : i32 to index
        %get3A_640 = arith.constant 112 : index
        %get3A_641 = tpu.vector_load %arg6[%get3A_637, %get3A_638, %get3A_639, %get3A_640] {strides = array<i32>} : memref<2x5x64x128xf32, #tpu.memory_space<vmem>>, vector<1x1x1x16xf32>,
        %get3A_642 = vector.shape_cast %get3A_641 : vector<1x1x1x16xf32> to vector<16xf32>
        %get3A_643 = arith.constant 1 : i32
        %get3A_644 = arith.constant 1 : i32
        %get3A_645 = arith.index_cast %get3A_643 : i32 to index
        %get3A_646 = arith.index_cast %get3A_644 : i32 to index
        %get3A_647 = arith.index_cast %add3A_293 : i32 to index
        %get3A_648 = arith.constant 112 : index
        %get3A_649 = tpu.vector_load %arg6[%get3A_645, %get3A_646, %get3A_647, %get3A_648] {strides = array<i32>} : memref<2x5x64x128xf32, #tpu.memory_space<vmem>>, vector<1x1x1x16xf32>,
        %get3A_650 = vector.shape_cast %get3A_649 : vector<1x1x1x16xf32> to vector<16xf32>
        %add3A_651 = arith.addf %get3A_642, %get3A_650 : vector<16xf32>
        %get3A_652 = arith.constant 1 : i32
        %get3A_653 = arith.constant 2 : i32
        %get3A_654 = arith.index_cast %get3A_652 : i32 to index
        %get3A_655 = arith.index_cast %get3A_653 : i32 to index
        %get3A_656 = arith.index_cast %add3A_293 : i32 to index
        %get3A_657 = arith.constant 112 : index
        %get3A_658 = tpu.vector_load %arg6[%get3A_654, %get3A_655, %get3A_656, %get3A_657] {strides = array<i32>} : memref<2x5x64x128xf32, #tpu.memory_space<vmem>>, vector<1x1x1x16xf32>,
        %get3A_659 = vector.shape_cast %get3A_658 : vector<1x1x1x16xf32> to vector<16xf32>
        %add3A_660 = arith.addf %add3A_651, %get3A_659 : vector<16xf32>
        %get3A_661 = arith.constant 1 : i32
        %get3A_662 = arith.constant 3 : i32
        %get3A_663 = arith.index_cast %get3A_661 : i32 to index
        %get3A_664 = arith.index_cast %get3A_662 : i32 to index
        %get3A_665 = arith.index_cast %add3A_293 : i32 to index
        %get3A_666 = arith.constant 112 : index
        %get3A_667 = tpu.vector_load %arg6[%get3A_663, %get3A_664, %get3A_665, %get3A_666] {strides = array<i32>} : memref<2x5x64x128xf32, #tpu.memory_space<vmem>>, vector<1x1x1x16xf32>,
        %get3A_668 = vector.shape_cast %get3A_667 : vector<1x1x1x16xf32> to vector<16xf32>
        %add3A_669 = arith.addf %add3A_660, %get3A_668 : vector<16xf32>
        %get3A_670 = arith.constant 1 : i32
        %get3A_671 = arith.constant 4 : i32
        %get3A_672 = arith.index_cast %get3A_670 : i32 to index
        %get3A_673 = arith.index_cast %get3A_671 : i32 to index
        %get3A_674 = arith.index_cast %add3A_293 : i32 to index
        %get3A_675 = arith.constant 112 : index
        %get3A_676 = tpu.vector_load %arg6[%get3A_672, %get3A_673, %get3A_674, %get3A_675] {strides = array<i32>} : memref<2x5x64x128xf32, #tpu.memory_space<vmem>>, vector<1x1x1x16xf32>,
        %get3A_677 = vector.shape_cast %get3A_676 : vector<1x1x1x16xf32> to vector<16xf32>
        %add3A_678 = arith.addf %add3A_669, %get3A_677 : vector<16xf32>
        %swap3A_679 = arith.index_cast %add3A_293 : i32 to index
        %swap3A_680 = arith.constant 112 : index
        %swap3A_681 = tpu.vector_load %arg7[%swap3A_679, %swap3A_680] {strides = array<i32>} : memref<64x128xf32, #tpu.memory_space<vmem>>, vector<1x16xf32>,
        %swap3A_682 = vector.shape_cast %swap3A_681 : vector<1x16xf32> to vector<16xf32>
        %swap3A_683 = vector.shape_cast %add3A_678 : vector<16xf32> to vector<1x16xf32>
        tpu.vector_store %arg7[%swap3A_679, %swap3A_680], %swap3A_683 {add = true, strides = array<i32>} : memref<64x128xf32, #tpu.memory_space<vmem>>, vector<1x16xf32>,
        %mul3A_684 = arith.constant 2 : i32
        %mul3A_685 = arith.muli %scan3A_289, %mul3A_684 : i32
        %add3A_686 = arith.constant 1 : i32
        %add3A_687 = arith.addi %mul3A_685, %add3A_686 : i32
        %get3A_688 = arith.constant 1 : i32
        %get3A_689 = arith.constant 0 : i32
        %get3A_690 = arith.index_cast %get3A_688 : i32 to index
        %get3A_691 = arith.index_cast %get3A_689 : i32 to index
        %get3A_692 = arith.index_cast %add3A_687 : i32 to index
        %get3A_693 = arith.constant 0 : index
        %get3A_694 = tpu.vector_load %arg6[%get3A_690, %get3A_691, %get3A_692, %get3A_693] {strides = array<i32>} : memref<2x5x64x128xf32, #tpu.memory_space<vmem>>, vector<1x1x1x16xf32>,
        %get3A_695 = vector.shape_cast %get3A_694 : vector<1x1x1x16xf32> to vector<16xf32>
        %get3A_696 = arith.constant 1 : i32
        %get3A_697 = arith.constant 1 : i32
        %get3A_698 = arith.index_cast %get3A_696 : i32 to index
        %get3A_699 = arith.index_cast %get3A_697 : i32 to index
        %get3A_700 = arith.index_cast %add3A_687 : i32 to index
        %get3A_701 = arith.constant 0 : index
        %get3A_702 = tpu.vector_load %arg6[%get3A_698, %get3A_699, %get3A_700, %get3A_701] {strides = array<i32>} : memref<2x5x64x128xf32, #tpu.memory_space<vmem>>, vector<1x1x1x16xf32>,
        %get3A_703 = vector.shape_cast %get3A_702 : vector<1x1x1x16xf32> to vector<16xf32>
        %add3A_704 = arith.addf %get3A_695, %get3A_703 : vector<16xf32>
        %get3A_705 = arith.constant 1 : i32
        %get3A_706 = arith.constant 2 : i32
        %get3A_707 = arith.index_cast %get3A_705 : i32 to index
        %get3A_708 = arith.index_cast %get3A_706 : i32 to index
        %get3A_709 = arith.index_cast %add3A_687 : i32 to index
        %get3A_710 = arith.constant 0 : index
        %get3A_711 = tpu.vector_load %arg6[%get3A_707, %get3A_708, %get3A_709, %get3A_710] {strides = array<i32>} : memref<2x5x64x128xf32, #tpu.memory_space<vmem>>, vector<1x1x1x16xf32>,
        %get3A_712 = vector.shape_cast %get3A_711 : vector<1x1x1x16xf32> to vector<16xf32>
        %add3A_713 = arith.addf %add3A_704, %get3A_712 : vector<16xf32>
        %get3A_714 = arith.constant 1 : i32
        %get3A_715 = arith.constant 3 : i32
        %get3A_716 = arith.index_cast %get3A_714 : i32 to index
        %get3A_717 = arith.index_cast %get3A_715 : i32 to index
        %get3A_718 = arith.index_cast %add3A_687 : i32 to index
        %get3A_719 = arith.constant 0 : index
        %get3A_720 = tpu.vector_load %arg6[%get3A_716, %get3A_717, %get3A_718, %get3A_719] {strides = array<i32>} : memref<2x5x64x128xf32, #tpu.memory_space<vmem>>, vector<1x1x1x16xf32>,
        %get3A_721 = vector.shape_cast %get3A_720 : vector<1x1x1x16xf32> to vector<16xf32>
        %add3A_722 = arith.addf %add3A_713, %get3A_721 : vector<16xf32>
        %get3A_723 = arith.constant 1 : i32
        %get3A_724 = arith.constant 4 : i32
        %get3A_725 = arith.index_cast %get3A_723 : i32 to index
        %get3A_726 = arith.index_cast %get3A_724 : i32 to index
        %get3A_727 = arith.index_cast %add3A_687 : i32 to index
        %get3A_728 = arith.constant 0 : index
        %get3A_729 = tpu.vector_load %arg6[%get3A_725, %get3A_726, %get3A_727, %get3A_728] {strides = array<i32>} : memref<2x5x64x128xf32, #tpu.memory_space<vmem>>, vector<1x1x1x16xf32>,
        %get3A_730 = vector.shape_cast %get3A_729 : vector<1x1x1x16xf32> to vector<16xf32>
        %add3A_731 = arith.addf %add3A_722, %get3A_730 : vector<16xf32>
        %swap3A_732 = arith.index_cast %add3A_687 : i32 to index
        %swap3A_733 = arith.constant 0 : index
        %swap3A_734 = tpu.vector_load %arg7[%swap3A_732, %swap3A_733] {strides = array<i32>} : memref<64x128xf32, #tpu.memory_space<vmem>>, vector<1x16xf32>,
        %swap3A_735 = vector.shape_cast %swap3A_734 : vector<1x16xf32> to vector<16xf32>
        %swap3A_736 = vector.shape_cast %add3A_731 : vector<16xf32> to vector<1x16xf32>
        tpu.vector_store %arg7[%swap3A_732, %swap3A_733], %swap3A_736 {add = true, strides = array<i32>} : memref<64x128xf32, #tpu.memory_space<vmem>>, vector<1x16xf32>,
        %get3A_737 = arith.constant 1 : i32
        %get3A_738 = arith.constant 0 : i32
        %get3A_739 = arith.index_cast %get3A_737 : i32 to index
        %get3A_740 = arith.index_cast %get3A_738 : i32 to index
        %get3A_741 = arith.index_cast %add3A_687 : i32 to index
        %get3A_742 = arith.constant 16 : index
        %get3A_743 = tpu.vector_load %arg6[%get3A_739, %get3A_740, %get3A_741, %get3A_742] {strides = array<i32>} : memref<2x5x64x128xf32, #tpu.memory_space<vmem>>, vector<1x1x1x16xf32>,
        %get3A_744 = vector.shape_cast %get3A_743 : vector<1x1x1x16xf32> to vector<16xf32>
        %get3A_745 = arith.constant 1 : i32
        %get3A_746 = arith.constant 1 : i32
        %get3A_747 = arith.index_cast %get3A_745 : i32 to index
        %get3A_748 = arith.index_cast %get3A_746 : i32 to index
        %get3A_749 = arith.index_cast %add3A_687 : i32 to index
        %get3A_750 = arith.constant 16 : index
        %get3A_751 = tpu.vector_load %arg6[%get3A_747, %get3A_748, %get3A_749, %get3A_750] {strides = array<i32>} : memref<2x5x64x128xf32, #tpu.memory_space<vmem>>, vector<1x1x1x16xf32>,
        %get3A_752 = vector.shape_cast %get3A_751 : vector<1x1x1x16xf32> to vector<16xf32>
        %add3A_753 = arith.addf %get3A_744, %get3A_752 : vector<16xf32>
        %get3A_754 = arith.constant 1 : i32
        %get3A_755 = arith.constant 2 : i32
        %get3A_756 = arith.index_cast %get3A_754 : i32 to index
        %get3A_757 = arith.index_cast %get3A_755 : i32 to index
        %get3A_758 = arith.index_cast %add3A_687 : i32 to index
        %get3A_759 = arith.constant 16 : index
        %get3A_760 = tpu.vector_load %arg6[%get3A_756, %get3A_757, %get3A_758, %get3A_759] {strides = array<i32>} : memref<2x5x64x128xf32, #tpu.memory_space<vmem>>, vector<1x1x1x16xf32>,
        %get3A_761 = vector.shape_cast %get3A_760 : vector<1x1x1x16xf32> to vector<16xf32>
        %add3A_762 = arith.addf %add3A_753, %get3A_761 : vector<16xf32>
        %get3A_763 = arith.constant 1 : i32
        %get3A_764 = arith.constant 3 : i32
        %get3A_765 = arith.index_cast %get3A_763 : i32 to index
        %get3A_766 = arith.index_cast %get3A_764 : i32 to index
        %get3A_767 = arith.index_cast %add3A_687 : i32 to index
        %get3A_768 = arith.constant 16 : index
        %get3A_769 = tpu.vector_load %arg6[%get3A_765, %get3A_766, %get3A_767, %get3A_768] {strides = array<i32>} : memref<2x5x64x128xf32, #tpu.memory_space<vmem>>, vector<1x1x1x16xf32>,
        %get3A_770 = vector.shape_cast %get3A_769 : vector<1x1x1x16xf32> to vector<16xf32>
        %add3A_771 = arith.addf %add3A_762, %get3A_770 : vector<16xf32>
        %get3A_772 = arith.constant 1 : i32
        %get3A_773 = arith.constant 4 : i32
        %get3A_774 = arith.index_cast %get3A_772 : i32 to index
        %get3A_775 = arith.index_cast %get3A_773 : i32 to index
        %get3A_776 = arith.index_cast %add3A_687 : i32 to index
        %get3A_777 = arith.constant 16 : index
        %get3A_778 = tpu.vector_load %arg6[%get3A_774, %get3A_775, %get3A_776, %get3A_777] {strides = array<i32>} : memref<2x5x64x128xf32, #tpu.memory_space<vmem>>, vector<1x1x1x16xf32>,
        %get3A_779 = vector.shape_cast %get3A_778 : vector<1x1x1x16xf32> to vector<16xf32>
        %add3A_780 = arith.addf %add3A_771, %get3A_779 : vector<16xf32>
        %swap3A_781 = arith.index_cast %add3A_687 : i32 to index
        %swap3A_782 = arith.constant 16 : index
        %swap3A_783 = tpu.vector_load %arg7[%swap3A_781, %swap3A_782] {strides = array<i32>} : memref<64x128xf32, #tpu.memory_space<vmem>>, vector<1x16xf32>,
        %swap3A_784 = vector.shape_cast %swap3A_783 : vector<1x16xf32> to vector<16xf32>
        %swap3A_785 = vector.shape_cast %add3A_780 : vector<16xf32> to vector<1x16xf32>
        tpu.vector_store %arg7[%swap3A_781, %swap3A_782], %swap3A_785 {add = true, strides = array<i32>} : memref<64x128xf32, #tpu.memory_space<vmem>>, vector<1x16xf32>,
        %get3A_786 = arith.constant 1 : i32
        %get3A_787 = arith.constant 0 : i32
        %get3A_788 = arith.index_cast %get3A_786 : i32 to index
        %get3A_789 = arith.index_cast %get3A_787 : i32 to index
        %get3A_790 = arith.index_cast %add3A_687 : i32 to index
        %get3A_791 = arith.constant 32 : index
        %get3A_792 = tpu.vector_load %arg6[%get3A_788, %get3A_789, %get3A_790, %get3A_791] {strides = array<i32>} : memref<2x5x64x128xf32, #tpu.memory_space<vmem>>, vector<1x1x1x16xf32>,
        %get3A_793 = vector.shape_cast %get3A_792 : vector<1x1x1x16xf32> to vector<16xf32>
        %get3A_794 = arith.constant 1 : i32
        %get3A_795 = arith.constant 1 : i32
        %get3A_796 = arith.index_cast %get3A_794 : i32 to index
        %get3A_797 = arith.index_cast %get3A_795 : i32 to index
        %get3A_798 = arith.index_cast %add3A_687 : i32 to index
        %get3A_799 = arith.constant 32 : index
        %get3A_800 = tpu.vector_load %arg6[%get3A_796, %get3A_797, %get3A_798, %get3A_799] {strides = array<i32>} : memref<2x5x64x128xf32, #tpu.memory_space<vmem>>, vector<1x1x1x16xf32>,
        %get3A_801 = vector.shape_cast %get3A_800 : vector<1x1x1x16xf32> to vector<16xf32>
        %add3A_802 = arith.addf %get3A_793, %get3A_801 : vector<16xf32>
        %get3A_803 = arith.constant 1 : i32
        %get3A_804 = arith.constant 2 : i32
        %get3A_805 = arith.index_cast %get3A_803 : i32 to index
        %get3A_806 = arith.index_cast %get3A_804 : i32 to index
        %get3A_807 = arith.index_cast %add3A_687 : i32 to index
        %get3A_808 = arith.constant 32 : index
        %get3A_809 = tpu.vector_load %arg6[%get3A_805, %get3A_806, %get3A_807, %get3A_808] {strides = array<i32>} : memref<2x5x64x128xf32, #tpu.memory_space<vmem>>, vector<1x1x1x16xf32>,
        %get3A_810 = vector.shape_cast %get3A_809 : vector<1x1x1x16xf32> to vector<16xf32>
        %add3A_811 = arith.addf %add3A_802, %get3A_810 : vector<16xf32>
        %get3A_812 = arith.constant 1 : i32
        %get3A_813 = arith.constant 3 : i32
        %get3A_814 = arith.index_cast %get3A_812 : i32 to index
        %get3A_815 = arith.index_cast %get3A_813 : i32 to index
        %get3A_816 = arith.index_cast %add3A_687 : i32 to index
        %get3A_817 = arith.constant 32 : index
        %get3A_818 = tpu.vector_load %arg6[%get3A_814, %get3A_815, %get3A_816, %get3A_817] {strides = array<i32>} : memref<2x5x64x128xf32, #tpu.memory_space<vmem>>, vector<1x1x1x16xf32>,
        %get3A_819 = vector.shape_cast %get3A_818 : vector<1x1x1x16xf32> to vector<16xf32>
        %add3A_820 = arith.addf %add3A_811, %get3A_819 : vector<16xf32>
        %get3A_821 = arith.constant 1 : i32
        %get3A_822 = arith.constant 4 : i32
        %get3A_823 = arith.index_cast %get3A_821 : i32 to index
        %get3A_824 = arith.index_cast %get3A_822 : i32 to index
        %get3A_825 = arith.index_cast %add3A_687 : i32 to index
        %get3A_826 = arith.constant 32 : index
        %get3A_827 = tpu.vector_load %arg6[%get3A_823, %get3A_824, %get3A_825, %get3A_826] {strides = array<i32>} : memref<2x5x64x128xf32, #tpu.memory_space<vmem>>, vector<1x1x1x16xf32>,
        %get3A_828 = vector.shape_cast %get3A_827 : vector<1x1x1x16xf32> to vector<16xf32>
        %add3A_829 = arith.addf %add3A_820, %get3A_828 : vector<16xf32>
        %swap3A_830 = arith.index_cast %add3A_687 : i32 to index
        %swap3A_831 = arith.constant 32 : index
        %swap3A_832 = tpu.vector_load %arg7[%swap3A_830, %swap3A_831] {strides = array<i32>} : memref<64x128xf32, #tpu.memory_space<vmem>>, vector<1x16xf32>,
        %swap3A_833 = vector.shape_cast %swap3A_832 : vector<1x16xf32> to vector<16xf32>
        %swap3A_834 = vector.shape_cast %add3A_829 : vector<16xf32> to vector<1x16xf32>
        tpu.vector_store %arg7[%swap3A_830, %swap3A_831], %swap3A_834 {add = true, strides = array<i32>} : memref<64x128xf32, #tpu.memory_space<vmem>>, vector<1x16xf32>,
        %get3A_835 = arith.constant 1 : i32
        %get3A_836 = arith.constant 0 : i32
        %get3A_837 = arith.index_cast %get3A_835 : i32 to index
        %get3A_838 = arith.index_cast %get3A_836 : i32 to index
        %get3A_839 = arith.index_cast %add3A_687 : i32 to index
        %get3A_840 = arith.constant 48 : index
        %get3A_841 = tpu.vector_load %arg6[%get3A_837, %get3A_838, %get3A_839, %get3A_840] {strides = array<i32>} : memref<2x5x64x128xf32, #tpu.memory_space<vmem>>, vector<1x1x1x16xf32>,
        %get3A_842 = vector.shape_cast %get3A_841 : vector<1x1x1x16xf32> to vector<16xf32>
        %get3A_843 = arith.constant 1 : i32
        %get3A_844 = arith.constant 1 : i32
        %get3A_845 = arith.index_cast %get3A_843 : i32 to index
        %get3A_846 = arith.index_cast %get3A_844 : i32 to index
        %get3A_847 = arith.index_cast %add3A_687 : i32 to index
        %get3A_848 = arith.constant 48 : index
        %get3A_849 = tpu.vector_load %arg6[%get3A_845, %get3A_846, %get3A_847, %get3A_848] {strides = array<i32>} : memref<2x5x64x128xf32, #tpu.memory_space<vmem>>, vector<1x1x1x16xf32>,
        %get3A_850 = vector.shape_cast %get3A_849 : vector<1x1x1x16xf32> to vector<16xf32>
        %add3A_851 = arith.addf %get3A_842, %get3A_850 : vector<16xf32>
        %get3A_852 = arith.constant 1 : i32
        %get3A_853 = arith.constant 2 : i32
        %get3A_854 = arith.index_cast %get3A_852 : i32 to index
        %get3A_855 = arith.index_cast %get3A_853 : i32 to index
        %get3A_856 = arith.index_cast %add3A_687 : i32 to index
        %get3A_857 = arith.constant 48 : index
        %get3A_858 = tpu.vector_load %arg6[%get3A_854, %get3A_855, %get3A_856, %get3A_857] {strides = array<i32>} : memref<2x5x64x128xf32, #tpu.memory_space<vmem>>, vector<1x1x1x16xf32>,
        %get3A_859 = vector.shape_cast %get3A_858 : vector<1x1x1x16xf32> to vector<16xf32>
        %add3A_860 = arith.addf %add3A_851, %get3A_859 : vector<16xf32>
        %get3A_861 = arith.constant 1 : i32
        %get3A_862 = arith.constant 3 : i32
        %get3A_863 = arith.index_cast %get3A_861 : i32 to index
        %get3A_864 = arith.index_cast %get3A_862 : i32 to index
        %get3A_865 = arith.index_cast %add3A_687 : i32 to index
        %get3A_866 = arith.constant 48 : index
        %get3A_867 = tpu.vector_load %arg6[%get3A_863, %get3A_864, %get3A_865, %get3A_866] {strides = array<i32>} : memref<2x5x64x128xf32, #tpu.memory_space<vmem>>, vector<1x1x1x16xf32>,
        %get3A_868 = vector.shape_cast %get3A_867 : vector<1x1x1x16xf32> to vector<16xf32>
        %add3A_869 = arith.addf %add3A_860, %get3A_868 : vector<16xf32>
        %get3A_870 = arith.constant 1 : i32
        %get3A_871 = arith.constant 4 : i32
        %get3A_872 = arith.index_cast %get3A_870 : i32 to index
        %get3A_873 = arith.index_cast %get3A_871 : i32 to index
        %get3A_874 = arith.index_cast %add3A_687 : i32 to index
        %get3A_875 = arith.constant 48 : index
        %get3A_876 = tpu.vector_load %arg6[%get3A_872, %get3A_873, %get3A_874, %get3A_875] {strides = array<i32>} : memref<2x5x64x128xf32, #tpu.memory_space<vmem>>, vector<1x1x1x16xf32>,
        %get3A_877 = vector.shape_cast %get3A_876 : vector<1x1x1x16xf32> to vector<16xf32>
        %add3A_878 = arith.addf %add3A_869, %get3A_877 : vector<16xf32>
        %swap3A_879 = arith.index_cast %add3A_687 : i32 to index
        %swap3A_880 = arith.constant 48 : index
        %swap3A_881 = tpu.vector_load %arg7[%swap3A_879, %swap3A_880] {strides = array<i32>} : memref<64x128xf32, #tpu.memory_space<vmem>>, vector<1x16xf32>,
        %swap3A_882 = vector.shape_cast %swap3A_881 : vector<1x16xf32> to vector<16xf32>
        %swap3A_883 = vector.shape_cast %add3A_878 : vector<16xf32> to vector<1x16xf32>
        tpu.vector_store %arg7[%swap3A_879, %swap3A_880], %swap3A_883 {add = true, strides = array<i32>} : memref<64x128xf32, #tpu.memory_space<vmem>>, vector<1x16xf32>,
        %get3A_884 = arith.constant 1 : i32
        %get3A_885 = arith.constant 0 : i32
        %get3A_886 = arith.index_cast %get3A_884 : i32 to index
        %get3A_887 = arith.index_cast %get3A_885 : i32 to index
        %get3A_888 = arith.index_cast %add3A_687 : i32 to index
        %get3A_889 = arith.constant 64 : index
        %get3A_890 = tpu.vector_load %arg6[%get3A_886, %get3A_887, %get3A_888, %get3A_889] {strides = array<i32>} : memref<2x5x64x128xf32, #tpu.memory_space<vmem>>, vector<1x1x1x16xf32>,
        %get3A_891 = vector.shape_cast %get3A_890 : vector<1x1x1x16xf32> to vector<16xf32>
        %get3A_892 = arith.constant 1 : i32
        %get3A_893 = arith.constant 1 : i32
        %get3A_894 = arith.index_cast %get3A_892 : i32 to index
        %get3A_895 = arith.index_cast %get3A_893 : i32 to index
        %get3A_896 = arith.index_cast %add3A_687 : i32 to index
        %get3A_897 = arith.constant 64 : index
        %get3A_898 = tpu.vector_load %arg6[%get3A_894, %get3A_895, %get3A_896, %get3A_897] {strides = array<i32>} : memref<2x5x64x128xf32, #tpu.memory_space<vmem>>, vector<1x1x1x16xf32>,
        %get3A_899 = vector.shape_cast %get3A_898 : vector<1x1x1x16xf32> to vector<16xf32>
        %add3A_900 = arith.addf %get3A_891, %get3A_899 : vector<16xf32>
        %get3A_901 = arith.constant 1 : i32
        %get3A_902 = arith.constant 2 : i32
        %get3A_903 = arith.index_cast %get3A_901 : i32 to index
        %get3A_904 = arith.index_cast %get3A_902 : i32 to index
        %get3A_905 = arith.index_cast %add3A_687 : i32 to index
        %get3A_906 = arith.constant 64 : index
        %get3A_907 = tpu.vector_load %arg6[%get3A_903, %get3A_904, %get3A_905, %get3A_906] {strides = array<i32>} : memref<2x5x64x128xf32, #tpu.memory_space<vmem>>, vector<1x1x1x16xf32>,
        %get3A_908 = vector.shape_cast %get3A_907 : vector<1x1x1x16xf32> to vector<16xf32>
        %add3A_909 = arith.addf %add3A_900, %get3A_908 : vector<16xf32>
        %get3A_910 = arith.constant 1 : i32
        %get3A_911 = arith.constant 3 : i32
        %get3A_912 = arith.index_cast %get3A_910 : i32 to index
        %get3A_913 = arith.index_cast %get3A_911 : i32 to index
        %get3A_914 = arith.index_cast %add3A_687 : i32 to index
        %get3A_915 = arith.constant 64 : index
        %get3A_916 = tpu.vector_load %arg6[%get3A_912, %get3A_913, %get3A_914, %get3A_915] {strides = array<i32>} : memref<2x5x64x128xf32, #tpu.memory_space<vmem>>, vector<1x1x1x16xf32>,
        %get3A_917 = vector.shape_cast %get3A_916 : vector<1x1x1x16xf32> to vector<16xf32>
        %add3A_918 = arith.addf %add3A_909, %get3A_917 : vector<16xf32>
        %get3A_919 = arith.constant 1 : i32
        %get3A_920 = arith.constant 4 : i32
        %get3A_921 = arith.index_cast %get3A_919 : i32 to index
        %get3A_922 = arith.index_cast %get3A_920 : i32 to index
        %get3A_923 = arith.index_cast %add3A_687 : i32 to index
        %get3A_924 = arith.constant 64 : index
        %get3A_925 = tpu.vector_load %arg6[%get3A_921, %get3A_922, %get3A_923, %get3A_924] {strides = array<i32>} : memref<2x5x64x128xf32, #tpu.memory_space<vmem>>, vector<1x1x1x16xf32>,
        %get3A_926 = vector.shape_cast %get3A_925 : vector<1x1x1x16xf32> to vector<16xf32>
        %add3A_927 = arith.addf %add3A_918, %get3A_926 : vector<16xf32>
        %swap3A_928 = arith.index_cast %add3A_687 : i32 to index
        %swap3A_929 = arith.constant 64 : index
        %swap3A_930 = tpu.vector_load %arg7[%swap3A_928, %swap3A_929] {strides = array<i32>} : memref<64x128xf32, #tpu.memory_space<vmem>>, vector<1x16xf32>,
        %swap3A_931 = vector.shape_cast %swap3A_930 : vector<1x16xf32> to vector<16xf32>
        %swap3A_932 = vector.shape_cast %add3A_927 : vector<16xf32> to vector<1x16xf32>
        tpu.vector_store %arg7[%swap3A_928, %swap3A_929], %swap3A_932 {add = true, strides = array<i32>} : memref<64x128xf32, #tpu.memory_space<vmem>>, vector<1x16xf32>,
        %get3A_933 = arith.constant 1 : i32
        %get3A_934 = arith.constant 0 : i32
        %get3A_935 = arith.index_cast %get3A_933 : i32 to index
        %get3A_936 = arith.index_cast %get3A_934 : i32 to index
        %get3A_937 = arith.index_cast %add3A_687 : i32 to index
        %get3A_938 = arith.constant 80 : index
        %get3A_939 = tpu.vector_load %arg6[%get3A_935, %get3A_936, %get3A_937, %get3A_938] {strides = array<i32>} : memref<2x5x64x128xf32, #tpu.memory_space<vmem>>, vector<1x1x1x16xf32>,
        %get3A_940 = vector.shape_cast %get3A_939 : vector<1x1x1x16xf32> to vector<16xf32>
        %get3A_941 = arith.constant 1 : i32
        %get3A_942 = arith.constant 1 : i32
        %get3A_943 = arith.index_cast %get3A_941 : i32 to index
        %get3A_944 = arith.index_cast %get3A_942 : i32 to index
        %get3A_945 = arith.index_cast %add3A_687 : i32 to index
        %get3A_946 = arith.constant 80 : index
        %get3A_947 = tpu.vector_load %arg6[%get3A_943, %get3A_944, %get3A_945, %get3A_946] {strides = array<i32>} : memref<2x5x64x128xf32, #tpu.memory_space<vmem>>, vector<1x1x1x16xf32>,
        %get3A_948 = vector.shape_cast %get3A_947 : vector<1x1x1x16xf32> to vector<16xf32>
        %add3A_949 = arith.addf %get3A_940, %get3A_948 : vector<16xf32>
        %get3A_950 = arith.constant 1 : i32
        %get3A_951 = arith.constant 2 : i32
        %get3A_952 = arith.index_cast %get3A_950 : i32 to index
        %get3A_953 = arith.index_cast %get3A_951 : i32 to index
        %get3A_954 = arith.index_cast %add3A_687 : i32 to index
        %get3A_955 = arith.constant 80 : index
        %get3A_956 = tpu.vector_load %arg6[%get3A_952, %get3A_953, %get3A_954, %get3A_955] {strides = array<i32>} : memref<2x5x64x128xf32, #tpu.memory_space<vmem>>, vector<1x1x1x16xf32>,
        %get3A_957 = vector.shape_cast %get3A_956 : vector<1x1x1x16xf32> to vector<16xf32>
        %add3A_958 = arith.addf %add3A_949, %get3A_957 : vector<16xf32>
        %get3A_959 = arith.constant 1 : i32
        %get3A_960 = arith.constant 3 : i32
        %get3A_961 = arith.index_cast %get3A_959 : i32 to index
        %get3A_962 = arith.index_cast %get3A_960 : i32 to index
        %get3A_963 = arith.index_cast %add3A_687 : i32 to index
        %get3A_964 = arith.constant 80 : index
        %get3A_965 = tpu.vector_load %arg6[%get3A_961, %get3A_962, %get3A_963, %get3A_964] {strides = array<i32>} : memref<2x5x64x128xf32, #tpu.memory_space<vmem>>, vector<1x1x1x16xf32>,
        %get3A_966 = vector.shape_cast %get3A_965 : vector<1x1x1x16xf32> to vector<16xf32>
        %add3A_967 = arith.addf %add3A_958, %get3A_966 : vector<16xf32>
        %get3A_968 = arith.constant 1 : i32
        %get3A_969 = arith.constant 4 : i32
        %get3A_970 = arith.index_cast %get3A_968 : i32 to index
        %get3A_971 = arith.index_cast %get3A_969 : i32 to index
        %get3A_972 = arith.index_cast %add3A_687 : i32 to index
        %get3A_973 = arith.constant 80 : index
        %get3A_974 = tpu.vector_load %arg6[%get3A_970, %get3A_971, %get3A_972, %get3A_973] {strides = array<i32>} : memref<2x5x64x128xf32, #tpu.memory_space<vmem>>, vector<1x1x1x16xf32>,
        %get3A_975 = vector.shape_cast %get3A_974 : vector<1x1x1x16xf32> to vector<16xf32>
        %add3A_976 = arith.addf %add3A_967, %get3A_975 : vector<16xf32>
        %swap3A_977 = arith.index_cast %add3A_687 : i32 to index
        %swap3A_978 = arith.constant 80 : index
        %swap3A_979 = tpu.vector_load %arg7[%swap3A_977, %swap3A_978] {strides = array<i32>} : memref<64x128xf32, #tpu.memory_space<vmem>>, vector<1x16xf32>,
        %swap3A_980 = vector.shape_cast %swap3A_979 : vector<1x16xf32> to vector<16xf32>
        %swap3A_981 = vector.shape_cast %add3A_976 : vector<16xf32> to vector<1x16xf32>
        tpu.vector_store %arg7[%swap3A_977, %swap3A_978], %swap3A_981 {add = true, strides = array<i32>} : memref<64x128xf32, #tpu.memory_space<vmem>>, vector<1x16xf32>,
        %get3A_982 = arith.constant 1 : i32
        %get3A_983 = arith.constant 0 : i32
        %get3A_984 = arith.index_cast %get3A_982 : i32 to index
        %get3A_985 = arith.index_cast %get3A_983 : i32 to index
        %get3A_986 = arith.index_cast %add3A_687 : i32 to index
        %get3A_987 = arith.constant 96 : index
        %get3A_988 = tpu.vector_load %arg6[%get3A_984, %get3A_985, %get3A_986, %get3A_987] {strides = array<i32>} : memref<2x5x64x128xf32, #tpu.memory_space<vmem>>, vector<1x1x1x16xf32>,
        %get3A_989 = vector.shape_cast %get3A_988 : vector<1x1x1x16xf32> to vector<16xf32>
        %get3A_990 = arith.constant 1 : i32
        %get3A_991 = arith.constant 1 : i32
        %get3A_992 = arith.index_cast %get3A_990 : i32 to index
        %get3A_993 = arith.index_cast %get3A_991 : i32 to index
        %get3A_994 = arith.index_cast %add3A_687 : i32 to index
        %get3A_995 = arith.constant 96 : index
        %get3A_996 = tpu.vector_load %arg6[%get3A_992, %get3A_993, %get3A_994, %get3A_995] {strides = array<i32>} : memref<2x5x64x128xf32, #tpu.memory_space<vmem>>, vector<1x1x1x16xf32>,
        %get3A_997 = vector.shape_cast %get3A_996 : vector<1x1x1x16xf32> to vector<16xf32>
        %add3A_998 = arith.addf %get3A_989, %get3A_997 : vector<16xf32>
        %get3A_999 = arith.constant 1 : i32
        %get3A_1000 = arith.constant 2 : i32
        %get3A_1001 = arith.index_cast %get3A_999 : i32 to index
        %get3A_1002 = arith.index_cast %get3A_1000 : i32 to index
        %get3A_1003 = arith.index_cast %add3A_687 : i32 to index
        %get3A_1004 = arith.constant 96 : index
        %get3A_1005 = tpu.vector_load %arg6[%get3A_1001, %get3A_1002, %get3A_1003, %get3A_1004] {strides = array<i32>} : memref<2x5x64x128xf32, #tpu.memory_space<vmem>>, vector<1x1x1x16xf32>,
        %get3A_1006 = vector.shape_cast %get3A_1005 : vector<1x1x1x16xf32> to vector<16xf32>
        %add3A_1007 = arith.addf %add3A_998, %get3A_1006 : vector<16xf32>
        %get3A_1008 = arith.constant 1 : i32
        %get3A_1009 = arith.constant 3 : i32
        %get3A_1010 = arith.index_cast %get3A_1008 : i32 to index
        %get3A_1011 = arith.index_cast %get3A_1009 : i32 to index
        %get3A_1012 = arith.index_cast %add3A_687 : i32 to index
        %get3A_1013 = arith.constant 96 : index
        %get3A_1014 = tpu.vector_load %arg6[%get3A_1010, %get3A_1011, %get3A_1012, %get3A_1013] {strides = array<i32>} : memref<2x5x64x128xf32, #tpu.memory_space<vmem>>, vector<1x1x1x16xf32>,
        %get3A_1015 = vector.shape_cast %get3A_1014 : vector<1x1x1x16xf32> to vector<16xf32>
        %add3A_1016 = arith.addf %add3A_1007, %get3A_1015 : vector<16xf32>
        %get3A_1017 = arith.constant 1 : i32
        %get3A_1018 = arith.constant 4 : i32
        %get3A_1019 = arith.index_cast %get3A_1017 : i32 to index
        %get3A_1020 = arith.index_cast %get3A_1018 : i32 to index
        %get3A_1021 = arith.index_cast %add3A_687 : i32 to index
        %get3A_1022 = arith.constant 96 : index
        %get3A_1023 = tpu.vector_load %arg6[%get3A_1019, %get3A_1020, %get3A_1021, %get3A_1022] {strides = array<i32>} : memref<2x5x64x128xf32, #tpu.memory_space<vmem>>, vector<1x1x1x16xf32>,
        %get3A_1024 = vector.shape_cast %get3A_1023 : vector<1x1x1x16xf32> to vector<16xf32>
        %add3A_1025 = arith.addf %add3A_1016, %get3A_1024 : vector<16xf32>
        %swap3A_1026 = arith.index_cast %add3A_687 : i32 to index
        %swap3A_1027 = arith.constant 96 : index
        %swap3A_1028 = tpu.vector_load %arg7[%swap3A_1026, %swap3A_1027] {strides = array<i32>} : memref<64x128xf32, #tpu.memory_space<vmem>>, vector<1x16xf32>,
        %swap3A_1029 = vector.shape_cast %swap3A_1028 : vector<1x16xf32> to vector<16xf32>
        %swap3A_1030 = vector.shape_cast %add3A_1025 : vector<16xf32> to vector<1x16xf32>
        tpu.vector_store %arg7[%swap3A_1026, %swap3A_1027], %swap3A_1030 {add = true, strides = array<i32>} : memref<64x128xf32, #tpu.memory_space<vmem>>, vector<1x16xf32>,
        %get3A_1031 = arith.constant 1 : i32
        %get3A_1032 = arith.constant 0 : i32
        %get3A_1033 = arith.index_cast %get3A_1031 : i32 to index
        %get3A_1034 = arith.index_cast %get3A_1032 : i32 to index
        %get3A_1035 = arith.index_cast %add3A_687 : i32 to index
        %get3A_1036 = arith.constant 112 : index
        %get3A_1037 = tpu.vector_load %arg6[%get3A_1033, %get3A_1034, %get3A_1035, %get3A_1036] {strides = array<i32>} : memref<2x5x64x128xf32, #tpu.memory_space<vmem>>, vector<1x1x1x16xf32>,
        %get3A_1038 = vector.shape_cast %get3A_1037 : vector<1x1x1x16xf32> to vector<16xf32>
        %get3A_1039 = arith.constant 1 : i32
        %get3A_1040 = arith.constant 1 : i32
        %get3A_1041 = arith.index_cast %get3A_1039 : i32 to index
        %get3A_1042 = arith.index_cast %get3A_1040 : i32 to index
        %get3A_1043 = arith.index_cast %add3A_687 : i32 to index
        %get3A_1044 = arith.constant 112 : index
        %get3A_1045 = tpu.vector_load %arg6[%get3A_1041, %get3A_1042, %get3A_1043, %get3A_1044] {strides = array<i32>} : memref<2x5x64x128xf32, #tpu.memory_space<vmem>>, vector<1x1x1x16xf32>,
        %get3A_1046 = vector.shape_cast %get3A_1045 : vector<1x1x1x16xf32> to vector<16xf32>
        %add3A_1047 = arith.addf %get3A_1038, %get3A_1046 : vector<16xf32>
        %get3A_1048 = arith.constant 1 : i32
        %get3A_1049 = arith.constant 2 : i32
        %get3A_1050 = arith.index_cast %get3A_1048 : i32 to index
        %get3A_1051 = arith.index_cast %get3A_1049 : i32 to index
        %get3A_1052 = arith.index_cast %add3A_687 : i32 to index
        %get3A_1053 = arith.constant 112 : index
        %get3A_1054 = tpu.vector_load %arg6[%get3A_1050, %get3A_1051, %get3A_1052, %get3A_1053] {strides = array<i32>} : memref<2x5x64x128xf32, #tpu.memory_space<vmem>>, vector<1x1x1x16xf32>,
        %get3A_1055 = vector.shape_cast %get3A_1054 : vector<1x1x1x16xf32> to vector<16xf32>
        %add3A_1056 = arith.addf %add3A_1047, %get3A_1055 : vector<16xf32>
        %get3A_1057 = arith.constant 1 : i32
        %get3A_1058 = arith.constant 3 : i32
        %get3A_1059 = arith.index_cast %get3A_1057 : i32 to index
        %get3A_1060 = arith.index_cast %get3A_1058 : i32 to index
        %get3A_1061 = arith.index_cast %add3A_687 : i32 to index
        %get3A_1062 = arith.constant 112 : index
        %get3A_1063 = tpu.vector_load %arg6[%get3A_1059, %get3A_1060, %get3A_1061, %get3A_1062] {strides = array<i32>} : memref<2x5x64x128xf32, #tpu.memory_space<vmem>>, vector<1x1x1x16xf32>,
        %get3A_1064 = vector.shape_cast %get3A_1063 : vector<1x1x1x16xf32> to vector<16xf32>
        %add3A_1065 = arith.addf %add3A_1056, %get3A_1064 : vector<16xf32>
        %get3A_1066 = arith.constant 1 : i32
        %get3A_1067 = arith.constant 4 : i32
        %get3A_1068 = arith.index_cast %get3A_1066 : i32 to index
        %get3A_1069 = arith.index_cast %get3A_1067 : i32 to index
        %get3A_1070 = arith.index_cast %add3A_687 : i32 to index
        %get3A_1071 = arith.constant 112 : index
        %get3A_1072 = tpu.vector_load %arg6[%get3A_1068, %get3A_1069, %get3A_1070, %get3A_1071] {strides = array<i32>} : memref<2x5x64x128xf32, #tpu.memory_space<vmem>>, vector<1x1x1x16xf32>,
        %get3A_1073 = vector.shape_cast %get3A_1072 : vector<1x1x1x16xf32> to vector<16xf32>
        %add3A_1074 = arith.addf %add3A_1065, %get3A_1073 : vector<16xf32>
        %swap3A_1075 = arith.index_cast %add3A_687 : i32 to index
        %swap3A_1076 = arith.constant 112 : index
        %swap3A_1077 = tpu.vector_load %arg7[%swap3A_1075, %swap3A_1076] {strides = array<i32>} : memref<64x128xf32, #tpu.memory_space<vmem>>, vector<1x16xf32>,
        %swap3A_1078 = vector.shape_cast %swap3A_1077 : vector<1x16xf32> to vector<16xf32>
        %swap3A_1079 = vector.shape_cast %add3A_1074 : vector<16xf32> to vector<1x16xf32>
        tpu.vector_store %arg7[%swap3A_1075, %swap3A_1076], %swap3A_1079 {add = true, strides = array<i32>} : memref<64x128xf32, #tpu.memory_space<vmem>>, vector<1x16xf32>,
      }
      %scan3A_267 = arith.constant 32 : i32
      %jit3A_268 = arith.constant 4 : i32
      %eq3A_269 = arith.constant 0 : i32
      %eq3A_270 = arith.cmpi eq, %jit3A_268, %eq3A_269 : i32
      %jit3A_271 = arith.constant 1 : i32
      %select_n3A_272 = arith.select %eq3A_270, %jit3A_271, %jit3A_268 : i32
      %rem3A_273 = arith.remsi %add3A_184, %select_n3A_272 : i32
      %ne3A_274 = arith.constant 0 : i32
      %ne3A_275 = arith.cmpi ne, %rem3A_273, %ne3A_274 : i32
      %lt3A_276 = arith.constant 0 : i32
      %lt3A_277 = arith.cmpi slt, %rem3A_273, %lt3A_276 : i32
      %lt3A_278 = arith.constant 0 : i32
      %lt3A_279 = arith.cmpi slt, %select_n3A_272, %lt3A_278 : i32
      %ne3A_280 = arith.xori %lt3A_277, %lt3A_279 : i1
      %and3A_281 = arith.andi %ne3A_280, %ne3A_275 : i1
      %add3A_282 = arith.addi %rem3A_273, %select_n3A_272 : i32
      %select_n3A_283 = arith.select %and3A_281, %add3A_282, %rem3A_273 : i32
      %eq3A_284 = arith.constant 3 : i32
      %eq3A_285 = arith.cmpi eq, %select_n3A_283, %eq3A_284 : i32
      %convert_element_type3A_286 = arith.extui %eq3A_285 : i1 to i32
      %cond3A_287 = arith.constant 0 : i32
      %cond3A_288 = arith.cmpi ne, %convert_element_type3A_286, %cond3A_287 : i32
      scf.if %cond3A_288 {
        %jit3A_289 = arith.constant 4 : i32
        %div3A = arith.divsi %add3A_184, %jit3A_289 : i32
        %sign3A = arith.constant 0 : i32
        %sign3A_290 = arith.cmpi sgt, %add3A_184, %sign3A : i32
        %sign3A_291 = arith.extui %sign3A_290 : i1 to i32
        %sign3A_292 = arith.constant 0 : i32
        %sign3A_293 = arith.cmpi slt, %add3A_184, %sign3A_292 : i32
        %sign3A_294 = arith.extui %sign3A_293 : i1 to i32
        %sign3A_295 = arith.subi %sign3A_291, %sign3A_294 : i32
        %sign3A_296 = arith.constant 0 : i32
        %sign3A_297 = arith.cmpi sgt, %jit3A_289, %sign3A_296 : i32
        %sign3A_298 = arith.extui %sign3A_297 : i1 to i32
        %sign3A_299 = arith.constant 0 : i32
        %sign3A_300 = arith.cmpi slt, %jit3A_289, %sign3A_299 : i32
        %sign3A_301 = arith.extui %sign3A_300 : i1 to i32
        %sign3A_302 = arith.subi %sign3A_298, %sign3A_301 : i32
        %ne3A_303 = arith.cmpi ne, %sign3A_295, %sign3A_302 : i32
        %rem3A_304 = arith.remsi %add3A_184, %jit3A_289 : i32
        %ne3A_305 = arith.constant 0 : i32
        %ne3A_306 = arith.cmpi ne, %rem3A_304, %ne3A_305 : i32
        %and3A_307 = arith.andi %ne3A_303, %ne3A_306 : i1
        %sub3A = arith.constant 1 : i32
        %sub3A_308 = arith.subi %div3A, %sub3A : i32
        %select_n3A_309 = arith.select %and3A_307, %sub3A_308, %div3A : i32
        %mul3A_310 = arith.constant 256 : i32
        %mul3A_311 = arith.muli %add3A, %mul3A_310 : i32
        %mul3A_312 = arith.constant 64 : i32
        %mul3A_313 = arith.muli %select_n3A_309, %mul3A_312 : i32
        %add3A_314 = arith.addi %mul3A_311, %mul3A_313 : i32
        "tpu.region"() ({
          %run_scoped3A = tpu.sem_alloc : memref<!tpu.dma_semaphore, #tpu.memory_space<semaphore_mem>>
          %dma_start3A_321 = arith.constant 0 : i32
          %dma_start3A_322 = tpu.memref_slice %arg4[%add3A_314, %dma_start3A_321] : memref<8192x128xf32, #tpu.memory_space<hbm>> -> memref<64x128xf32, #tpu.memory_space<hbm>>
          %dma_start3A_323 = arith.constant 0 : i32
          %dma_start3A_324 = tpu.memref_slice %arg4[%add3A_314, %dma_start3A_323] : memref<8192x128xf32, #tpu.memory_space<hbm>> -> memref<64x128xf32, #tpu.memory_space<hbm>>
          tpu.enqueue_dma source(%arg7 : memref<64x128xf32, #tpu.memory_space<vmem>>) target(%dma_start3A_324 : memref<64x128xf32, #tpu.memory_space<hbm>>) target_semaphore(%run_scoped3A : memref<!tpu.dma_semaphore, #tpu.memory_space<semaphore_mem>>)
          %dma_wait3A_325 = arith.constant 0 : i32
          %dma_wait3A_326 = tpu.memref_slice %arg4[%add3A_314, %dma_wait3A_325] : memref<8192x128xf32, #tpu.memory_space<hbm>> -> memref<64x128xf32, #tpu.memory_space<hbm>>
          %dma_wait3A_327 = arith.constant 0 : i32
          %dma_wait3A_328 = tpu.memref_slice %arg4[%add3A_314, %dma_wait3A_327] : memref<8192x128xf32, #tpu.memory_space<hbm>> -> memref<64x128xf32, #tpu.memory_space<hbm>>
          tpu.wait_dma2 semaphore(%run_scoped3A : memref<!tpu.dma_semaphore, #tpu.memory_space<semaphore_mem>>) src(%arg7 : memref<64x128xf32, #tpu.memory_space<vmem>>) dst(%dma_wait3A_328 : memref<64x128xf32, #tpu.memory_space<hbm>>)
          tpu.yield
        }) : () -> ()
        %scan3A_315 = arith.constant 0 : i32
        %scan3A_316 = arith.constant 0 : i32
        %scan3A_317 = arith.constant 32 : i32
        %scan3A_318 = arith.addi %scan3A_316, %scan3A_317 : i32
        %scan3A_319 = arith.constant 1 : i32
        scf.for %scan3A_321 = %scan3A_316 to %scan3A_318 step %scan3A_319  : i32 {
          %mul3A_322 = arith.constant 2 : i32
          %mul3A_323 = arith.muli %scan3A_321, %mul3A_322 : i32
          %add3A_324 = arith.constant 0 : i32
          %add3A_325 = arith.addi %mul3A_323, %add3A_324 : i32
          %swap3A = arith.index_cast %add3A_325 : i32 to index
          %swap3A_326 = arith.constant 0 : index
          %swap3A_327 = tpu.vector_load %arg7[%swap3A, %swap3A_326] {strides = array<i32>} : memref<64x128xf32, #tpu.memory_space<vmem>>, vector<1x16xf32>,
          %swap3A_328 = vector.shape_cast %swap3A_327 : vector<1x16xf32> to vector<16xf32>
          %swap3A_329 = vector.shape_cast %broadcast_in_dim3A_1 : vector<16xf32> to vector<1x16xf32>
          tpu.vector_store %arg7[%swap3A, %swap3A_326], %swap3A_329 {strides = array<i32>} : memref<64x128xf32, #tpu.memory_space<vmem>>, vector<1x16xf32>,
          %swap3A_330 = arith.index_cast %add3A_325 : i32 to index
          %swap3A_331 = arith.constant 16 : index
          %swap3A_332 = tpu.vector_load %arg7[%swap3A_330, %swap3A_331] {strides = array<i32>} : memref<64x128xf32, #tpu.memory_space<vmem>>, vector<1x16xf32>,
          %swap3A_333 = vector.shape_cast %swap3A_332 : vector<1x16xf32> to vector<16xf32>
          %swap3A_334 = vector.shape_cast %broadcast_in_dim3A_1 : vector<16xf32> to vector<1x16xf32>
          tpu.vector_store %arg7[%swap3A_330, %swap3A_331], %swap3A_334 {strides = array<i32>} : memref<64x128xf32, #tpu.memory_space<vmem>>, vector<1x16xf32>,
          %swap3A_335 = arith.index_cast %add3A_325 : i32 to index
          %swap3A_336 = arith.constant 32 : index
          %swap3A_337 = tpu.vector_load %arg7[%swap3A_335, %swap3A_336] {strides = array<i32>} : memref<64x128xf32, #tpu.memory_space<vmem>>, vector<1x16xf32>,
          %swap3A_338 = vector.shape_cast %swap3A_337 : vector<1x16xf32> to vector<16xf32>
          %swap3A_339 = vector.shape_cast %broadcast_in_dim3A_1 : vector<16xf32> to vector<1x16xf32>
          tpu.vector_store %arg7[%swap3A_335, %swap3A_336], %swap3A_339 {strides = array<i32>} : memref<64x128xf32, #tpu.memory_space<vmem>>, vector<1x16xf32>,
          %swap3A_340 = arith.index_cast %add3A_325 : i32 to index
          %swap3A_341 = arith.constant 48 : index
          %swap3A_342 = tpu.vector_load %arg7[%swap3A_340, %swap3A_341] {strides = array<i32>} : memref<64x128xf32, #tpu.memory_space<vmem>>, vector<1x16xf32>,
          %swap3A_343 = vector.shape_cast %swap3A_342 : vector<1x16xf32> to vector<16xf32>
          %swap3A_344 = vector.shape_cast %broadcast_in_dim3A_1 : vector<16xf32> to vector<1x16xf32>
          tpu.vector_store %arg7[%swap3A_340, %swap3A_341], %swap3A_344 {strides = array<i32>} : memref<64x128xf32, #tpu.memory_space<vmem>>, vector<1x16xf32>,
          %swap3A_345 = arith.index_cast %add3A_325 : i32 to index
          %swap3A_346 = arith.constant 64 : index
          %swap3A_347 = tpu.vector_load %arg7[%swap3A_345, %swap3A_346] {strides = array<i32>} : memref<64x128xf32, #tpu.memory_space<vmem>>, vector<1x16xf32>,
          %swap3A_348 = vector.shape_cast %swap3A_347 : vector<1x16xf32> to vector<16xf32>
          %swap3A_349 = vector.shape_cast %broadcast_in_dim3A_1 : vector<16xf32> to vector<1x16xf32>
          tpu.vector_store %arg7[%swap3A_345, %swap3A_346], %swap3A_349 {strides = array<i32>} : memref<64x128xf32, #tpu.memory_space<vmem>>, vector<1x16xf32>,
          %swap3A_350 = arith.index_cast %add3A_325 : i32 to index
          %swap3A_351 = arith.constant 80 : index
          %swap3A_352 = tpu.vector_load %arg7[%swap3A_350, %swap3A_351] {strides = array<i32>} : memref<64x128xf32, #tpu.memory_space<vmem>>, vector<1x16xf32>,
          %swap3A_353 = vector.shape_cast %swap3A_352 : vector<1x16xf32> to vector<16xf32>
          %swap3A_354 = vector.shape_cast %broadcast_in_dim3A_1 : vector<16xf32> to vector<1x16xf32>
          tpu.vector_store %arg7[%swap3A_350, %swap3A_351], %swap3A_354 {strides = array<i32>} : memref<64x128xf32, #tpu.memory_space<vmem>>, vector<1x16xf32>,
          %swap3A_355 = arith.index_cast %add3A_325 : i32 to index
          %swap3A_356 = arith.constant 96 : index
          %swap3A_357 = tpu.vector_load %arg7[%swap3A_355, %swap3A_356] {strides = array<i32>} : memref<64x128xf32, #tpu.memory_space<vmem>>, vector<1x16xf32>,
          %swap3A_358 = vector.shape_cast %swap3A_357 : vector<1x16xf32> to vector<16xf32>
          %swap3A_359 = vector.shape_cast %broadcast_in_dim3A_1 : vector<16xf32> to vector<1x16xf32>
          tpu.vector_store %arg7[%swap3A_355, %swap3A_356], %swap3A_359 {strides = array<i32>} : memref<64x128xf32, #tpu.memory_space<vmem>>, vector<1x16xf32>,
          %swap3A_360 = arith.index_cast %add3A_325 : i32 to index
          %swap3A_361 = arith.constant 112 : index
          %swap3A_362 = tpu.vector_load %arg7[%swap3A_360, %swap3A_361] {strides = array<i32>} : memref<64x128xf32, #tpu.memory_space<vmem>>, vector<1x16xf32>,
          %swap3A_363 = vector.shape_cast %swap3A_362 : vector<1x16xf32> to vector<16xf32>
          %swap3A_364 = vector.shape_cast %broadcast_in_dim3A_1 : vector<16xf32> to vector<1x16xf32>
          tpu.vector_store %arg7[%swap3A_360, %swap3A_361], %swap3A_364 {strides = array<i32>} : memref<64x128xf32, #tpu.memory_space<vmem>>, vector<1x16xf32>,
          %mul3A_365 = arith.constant 2 : i32
          %mul3A_366 = arith.muli %scan3A_321, %mul3A_365 : i32
          %add3A_367 = arith.constant 1 : i32
          %add3A_368 = arith.addi %mul3A_366, %add3A_367 : i32
          %swap3A_369 = arith.index_cast %add3A_368 : i32 to index
          %swap3A_370 = arith.constant 0 : index
          %swap3A_371 = tpu.vector_load %arg7[%swap3A_369, %swap3A_370] {strides = array<i32>} : memref<64x128xf32, #tpu.memory_space<vmem>>, vector<1x16xf32>,
          %swap3A_372 = vector.shape_cast %swap3A_371 : vector<1x16xf32> to vector<16xf32>
          %swap3A_373 = vector.shape_cast %broadcast_in_dim3A_1 : vector<16xf32> to vector<1x16xf32>
          tpu.vector_store %arg7[%swap3A_369, %swap3A_370], %swap3A_373 {strides = array<i32>} : memref<64x128xf32, #tpu.memory_space<vmem>>, vector<1x16xf32>,
          %swap3A_374 = arith.index_cast %add3A_368 : i32 to index
          %swap3A_375 = arith.constant 16 : index
          %swap3A_376 = tpu.vector_load %arg7[%swap3A_374, %swap3A_375] {strides = array<i32>} : memref<64x128xf32, #tpu.memory_space<vmem>>, vector<1x16xf32>,
          %swap3A_377 = vector.shape_cast %swap3A_376 : vector<1x16xf32> to vector<16xf32>
          %swap3A_378 = vector.shape_cast %broadcast_in_dim3A_1 : vector<16xf32> to vector<1x16xf32>
          tpu.vector_store %arg7[%swap3A_374, %swap3A_375], %swap3A_378 {strides = array<i32>} : memref<64x128xf32, #tpu.memory_space<vmem>>, vector<1x16xf32>,
          %swap3A_379 = arith.index_cast %add3A_368 : i32 to index
          %swap3A_380 = arith.constant 32 : index
          %swap3A_381 = tpu.vector_load %arg7[%swap3A_379, %swap3A_380] {strides = array<i32>} : memref<64x128xf32, #tpu.memory_space<vmem>>, vector<1x16xf32>,
          %swap3A_382 = vector.shape_cast %swap3A_381 : vector<1x16xf32> to vector<16xf32>
          %swap3A_383 = vector.shape_cast %broadcast_in_dim3A_1 : vector<16xf32> to vector<1x16xf32>
          tpu.vector_store %arg7[%swap3A_379, %swap3A_380], %swap3A_383 {strides = array<i32>} : memref<64x128xf32, #tpu.memory_space<vmem>>, vector<1x16xf32>,
          %swap3A_384 = arith.index_cast %add3A_368 : i32 to index
          %swap3A_385 = arith.constant 48 : index
          %swap3A_386 = tpu.vector_load %arg7[%swap3A_384, %swap3A_385] {strides = array<i32>} : memref<64x128xf32, #tpu.memory_space<vmem>>, vector<1x16xf32>,
          %swap3A_387 = vector.shape_cast %swap3A_386 : vector<1x16xf32> to vector<16xf32>
          %swap3A_388 = vector.shape_cast %broadcast_in_dim3A_1 : vector<16xf32> to vector<1x16xf32>
          tpu.vector_store %arg7[%swap3A_384, %swap3A_385], %swap3A_388 {strides = array<i32>} : memref<64x128xf32, #tpu.memory_space<vmem>>, vector<1x16xf32>,
          %swap3A_389 = arith.index_cast %add3A_368 : i32 to index
          %swap3A_390 = arith.constant 64 : index
          %swap3A_391 = tpu.vector_load %arg7[%swap3A_389, %swap3A_390] {strides = array<i32>} : memref<64x128xf32, #tpu.memory_space<vmem>>, vector<1x16xf32>,
          %swap3A_392 = vector.shape_cast %swap3A_391 : vector<1x16xf32> to vector<16xf32>
          %swap3A_393 = vector.shape_cast %broadcast_in_dim3A_1 : vector<16xf32> to vector<1x16xf32>
          tpu.vector_store %arg7[%swap3A_389, %swap3A_390], %swap3A_393 {strides = array<i32>} : memref<64x128xf32, #tpu.memory_space<vmem>>, vector<1x16xf32>,
          %swap3A_394 = arith.index_cast %add3A_368 : i32 to index
          %swap3A_395 = arith.constant 80 : index
          %swap3A_396 = tpu.vector_load %arg7[%swap3A_394, %swap3A_395] {strides = array<i32>} : memref<64x128xf32, #tpu.memory_space<vmem>>, vector<1x16xf32>,
          %swap3A_397 = vector.shape_cast %swap3A_396 : vector<1x16xf32> to vector<16xf32>
          %swap3A_398 = vector.shape_cast %broadcast_in_dim3A_1 : vector<16xf32> to vector<1x16xf32>
          tpu.vector_store %arg7[%swap3A_394, %swap3A_395], %swap3A_398 {strides = array<i32>} : memref<64x128xf32, #tpu.memory_space<vmem>>, vector<1x16xf32>,
          %swap3A_399 = arith.index_cast %add3A_368 : i32 to index
          %swap3A_400 = arith.constant 96 : index
          %swap3A_401 = tpu.vector_load %arg7[%swap3A_399, %swap3A_400] {strides = array<i32>} : memref<64x128xf32, #tpu.memory_space<vmem>>, vector<1x16xf32>,
          %swap3A_402 = vector.shape_cast %swap3A_401 : vector<1x16xf32> to vector<16xf32>
          %swap3A_403 = vector.shape_cast %broadcast_in_dim3A_1 : vector<16xf32> to vector<1x16xf32>
          tpu.vector_store %arg7[%swap3A_399, %swap3A_400], %swap3A_403 {strides = array<i32>} : memref<64x128xf32, #tpu.memory_space<vmem>>, vector<1x16xf32>,
          %swap3A_404 = arith.index_cast %add3A_368 : i32 to index
          %swap3A_405 = arith.constant 112 : index
          %swap3A_406 = tpu.vector_load %arg7[%swap3A_404, %swap3A_405] {strides = array<i32>} : memref<64x128xf32, #tpu.memory_space<vmem>>, vector<1x16xf32>,
          %swap3A_407 = vector.shape_cast %swap3A_406 : vector<1x16xf32> to vector<16xf32>
          %swap3A_408 = vector.shape_cast %broadcast_in_dim3A_1 : vector<16xf32> to vector<1x16xf32>
          tpu.vector_store %arg7[%swap3A_404, %swap3A_405], %swap3A_408 {strides = array<i32>} : memref<64x128xf32, #tpu.memory_space<vmem>>, vector<1x16xf32>,
        }
        %scan3A_320 = arith.constant 32 : i32
      } else {
      }
    }
    %scan3A_81 = arith.constant 8 : i32
    return
  }
}

</mosaic_0001>

<sc_bundles>
// kernel: _sc_pool.3.cloned.1.call-start
scs
__scs_entry_jumppad:
0x0: {  	(pc) =	sbr.rel $0x88, $3  }
0x1: {  	(tag) =	ssettag $0x0;
	lr =	simm.s32 $0x1  }
0x2: {  	[smem:$0x3F9F] =	sst lr;
	_ =	strace $0xD0000000  }
0x3: {  	_ = 	snop  }
0x4: {  	_ = 	snop  }
0x5: {  	_ = 	snop  }
0x6: {  	_ = 	snop  }
0x7: {  	_ = 	snop  }
__scs_overlays_trampoline_lowered:
0x8: {  	[smem:$0x3FAE] =	sst s0  }
0x9: {  	[smem:$0x3FAF] =	sst s1  }
0xa: {  	[smem:$0x3FB0] =	sst s2  }
0xb: {  	[smem:$0x3FB1] =	sst s3  }
0xc: {  	[smem:$0x3FB2] =	sst s4  }
0xd: {  	[smem:$0x3FB3] =	sst s5  }
0xe: {  	[smem:$0x3FB4] =	sst s6  }
0xf: {  	[smem:$0x3FB5] =	sst s7  }
0x10: {  	[smem:$0x3FB6] =	sst s8  }
0x11: {  	[smem:$0x3FB7] =	sst s9;
	s0 =	simm.s32 @!p0 $0x0  }
0x12: {  	s1 =	sld [smem:$0x3F9D];
	s0 =	simm.s32 @p0 $0x1  }
0x13: {  	[smem:$0x3FB8] =	sst s0;
	s0 =	simm.s32 @!p1 $0x0  }
0x14: {  	s2 =	sld [smem:$0x3F9C];
	s0 =	simm.s32 @p1 $0x1  }
0x15: {  	[smem:$0x3FB9] =	sst s0;
	s0 =	simm.s32 @!p2 $0x0  }
0x16: {  	s3 =	sld [smem:$0x3FDB];
	s0 =	simm.s32 @p2 $0x1  }
0x17: {  	s4 =	simm.s32 $0x1BF5;
	[smem:$0x3FBB] =	sst s0  }
0x18: {  	s0 =	sld [smem:$0x3F9E];
	_ =	swait.ge [sflag:s4], $0x0  }
0x19: {  	s7 =	sld [smem:$0x3F9F]  }
0x1a: {  	s8 =	sadd.s32 $0xFFFFE003, lr  }
0x1b: {  	s9 =	sadd.s32 $0xFFFFFEF7, lr;
	s5 =	simm.s32 $0xFFFFFFFF;
	p2 =	slt.u32 s8, $0xFFFFF086  }
0x1c: {  	p1 =	slt.u32 s9, $0xF7A;
	s5 =	simm.s32 @!p2 $0x0  }
0x1d: {  	s5 =	simm.s32 @p1 $0x1;
	p0 =	seq.s32 s7, s2  }
0x1e: {  	s7 =	smul.u32 @!p0 $0xF7A, s2;
	p2 =	seq.s32 @!p0 s5, $0x0  }
0x1f: {  	s9 =	smul.u32 $0xF7A, s1;
	s8 =	simm.s32 @!p0 $0x1BF5;
	p2 =	por !p2, p0  }
0x20: {  	[sflag:s8] =	ssyncset.s32 @!p0 $0xFFFFF086;
	s6 =	sadd.s32 @!p0 s3, s7;
	s7 =	simm.s32 @!p0 $0x108  }
0x21: {  	s3 =	sadd.s32 s3, s9;
	s6 =	sadd.s32 @!p0 $0x88, s6;
	s7 =	simm.s32 @p2 $0x1082  }
0x22: {  	[simem:s7], [sflag:s8] =	dma.local @!p0 [hbm:s6], $0xF7A  }
0x23: {  	s9 =	sor.u32 $0xD0000000, s2;
	s6 =	simm.s32 $0x108;
	_ =	swait.ge @!p0 [sflag:s8], $0x0  }
0x24: {  	s3 =	sadd.s32 $0x88, s3;
	s6 =	simm.s32 @!p1 $0x1082;
	[sflag:s4] =	ssyncset.s32 $0xFFFFF086  }
0x25: {  	[simem:s6], [sflag:s4] =	dma.local [hbm:s3], $0xF7A  }
0x26: {  	[smem:$0x3F9F] =	sst s1;
	(tag) =	ssettag s2;
	_ =	strace s9  }
0x27: {  	s1 =	sld [smem:$0x3FAF]  }
0x28: {  	s2 =	sld [smem:$0x3FB0]  }
0x29: {  	s4 =	sld [smem:$0x3FB2]  }
0x2a: {  	p0 =	seq.s32 s5, $0x0;
	s5 =	sld [smem:$0x3FB3]  }
0x2b: {  	s6 =	sld [smem:$0x3FB4]  }
0x2c: {  	s7 =	sld [smem:$0x3FB5]  }
0x2d: {  	s3 =	simm.s32 $0x108;
	s8 =	sld [smem:$0x3FB6]  }
0x2e: {  	s3 =	simm.s32 @!p0 $0x1082;
	s9 =	sld [smem:$0x3FB7]  }
0x2f: {  	lr =	sadd.s32 s0, s3;
	s0 =	sld [smem:$0x3FAE]  }
0x30: {  	s3 =	sld [smem:$0x3FB1]  }
0x31: {  	[smem:$0x3FBA] =	sst s10  }
0x32: {  	s10 =	sld [smem:$0x3FB8];
	_ =	sdelay $0x3  }
0x33: {  	p0 =	seq.s32 s10, $0x1;
	s10 =	sld [smem:$0x3FBA];
	_ =	sdelay $0x3  }
0x34: {  	[smem:$0x3FBA] =	sst s10  }
0x35: {  	s10 =	sld [smem:$0x3FB9];
	_ =	sdelay $0x3  }
0x36: {  	p1 =	seq.s32 s10, $0x1;
	s10 =	sld [smem:$0x3FBA];
	_ =	sdelay $0x3  }
0x37: {  	[smem:$0x3FBA] =	sst s10  }
0x38: {  	s10 =	sld [smem:$0x3FBB]  }
0x39: {  	_ = 	snop;
	(pc) =	sbr.ind lr, $3  }
0x3a: {  	_ = 	snop  }
0x3b: {  	_ = 	snop  }
0x3c: {  	p2 =	seq.s32 s10, $0x1;
	s10 =	sld [smem:$0x3FBA]  }
0x3d: {  	_ =	shalt  }
0x3e: {  	_ =	shalt  }
0x3f: {  	_ =	shalt  }
0x40: {  	_ =	shalt  }
0x41: {  	_ =	shalt  }
0x42: {  	_ =	shalt  }
0x43: {  	_ =	shalt  }
0x44: {  	_ =	shalt  }
0x45: {  	_ =	shalt  }
0x46: {  	_ =	shalt  }
0x47: {  	_ =	shalt  }
0x48: {  	_ =	shalt  }
0x49: {  	_ =	shalt  }
0x4a: {  	_ =	shalt  }
0x4b: {  	_ =	shalt  }
0x4c: {  	_ =	shalt  }
0x4d: {  	_ =	shalt  }
0x4e: {  	_ =	shalt  }
0x4f: {  	_ =	shalt  }
0x50: {  	_ =	shalt  }
0x51: {  	_ =	shalt  }
0x52: {  	_ =	shalt  }
0x53: {  	_ =	shalt  }
0x54: {  	_ =	shalt  }
0x55: {  	_ =	shalt  }
0x56: {  	_ =	shalt  }
0x57: {  	_ =	shalt  }
0x58: {  	_ =	shalt  }
0x59: {  	_ =	shalt  }
0x5a: {  	_ =	shalt  }
0x5b: {  	_ =	shalt  }
0x5c: {  	_ =	shalt  }
0x5d: {  	_ =	shalt  }
0x5e: {  	_ =	shalt  }
0x5f: {  	_ =	shalt  }
0x60: {  	_ =	shalt  }
0x61: {  	_ =	shalt  }
0x62: {  	_ =	shalt  }
0x63: {  	_ =	shalt  }
0x64: {  	_ =	shalt  }
0x65: {  	_ =	shalt  }
0x66: {  	_ =	shalt  }
0x67: {  	_ =	shalt  }
0x68: {  	_ =	shalt  }
0x69: {  	_ =	shalt  }
0x6a: {  	_ =	shalt  }
0x6b: {  	_ =	shalt  }
0x6c: {  	_ =	shalt  }
0x6d: {  	_ =	shalt  }
0x6e: {  	_ =	shalt  }
0x6f: {  	_ =	shalt  }
0x70: {  	_ =	shalt  }
0x71: {  	_ =	shalt  }
0x72: {  	_ =	shalt  }
0x73: {  	_ =	shalt  }
0x74: {  	_ =	shalt  }
0x75: {  	_ =	shalt  }
0x76: {  	_ =	shalt  }
0x77: {  	_ =	shalt  }
0x78: {  	_ =	shalt  }
0x79: {  	_ =	shalt  }
0x7a: {  	_ =	shalt  }
0x7b: {  	_ =	shalt  }
0x7c: {  	_ =	shalt  }
0x7d: {  	_ =	shalt  }
0x7e: {  	_ =	shalt  }
0x7f: {  	_ =	shalt  }
0x80: {  	_ =	shalt  }
0x81: {  	_ =	shalt  }
0x82: {  	_ =	shalt  }
0x83: {  	_ =	shalt  }
0x84: {  	_ =	shalt  }
0x85: {  	_ =	shalt  }
0x86: {  	_ =	shalt  }
0x87: {  	_ =	shalt  }
.Lfunc_end0:
.L_simem_size_0:
called_computation_lowered:
.L_overlay_start_0:
0x88: {  	s2 =	sld [smem:$0x3FD9]  }
0x89: {  	s3 =	sld [smem:$0x3FFE];
	_ =	sdelay $0x1  }
0x8a: {  	s1 =	srdreg.scid  }
0x8b: {  	s0 =	sand.u32 $0x1, s1  }
0x8c: {  	s18 =	sshll.u32 s0, $0xA;
	s2 =	sadd.s32 s3, s2  }
0x8d: {  	s2 =	sadd.s32 s2, s18  }
0x8e: {  	[smem:$0x3FC6] =	sst s2  }
0x8f: {  	_ = 	snop  }
0x90: {  	s2 =	sld [smem:$0x3FC9]  }
0x91: {  	s19 =	sld [smem:$0x3FC8]  }
0x92: {  	s4 =	sld [smem:$0x3FD0];
	(tm) =	ssettm $0x1  }
0x93: {  	s5 =	sld [smem:$0x3FFB];
	_ =	sdelay $0x3  }
0x94: {  	_ =	strace s5  }
0x95: {  	s5 =	sld [smem:$0x3FFC];
	_ =	sdelay $0x3  }
0x96: {  	_ =	strace s5  }
0x97: {  	s5 =	sld [smem:$0x3FFD];
	_ =	sdelay $0x3  }
0x98: {  	_ =	strace s5  }
0x99: {  	_ =	strace $0x8FFFFFFF  }
0x9a: {  	s20 =	sld [smem:$0x3FDB];
	_ =	sdelay $0x1  }
0x9b: {  	s6 =	simm.s32 $_scs_section_size  }
0x9c: {  	s7 =	simm.s32 $_size__tile_overlayer_lowered;
	s8 =	simm.s32 $_tile_overlayer_lowered  }
0x9d: {  	s23 =	simm.s32 $0x1BFF;
	s22 =	sshll.u32 s8, $0x1;
	s5 =	sadd.s32 s6, s20  }
0x9e: {  	s9 =	simm.s32 $0x0;
	s21 =	sshll.u32 s7, $0x1;
	s7 =	sadd.s32 s22, s5  }
0x9f: {  	[timem:s9], [sflag:s23] =	dma.local [hbm:s7], s21  }
0xa0: {  	_ =	swait.ge [sflag:s23], s21  }
0xa1: {  	s6 =	ssub.s32 $0x0, s21;
	[sflag:s23] =	ssyncset.done $0x0  }
0xa2: {  	[sflag:s23] =	ssyncadd.s32 s6;
	_ =	sdelay $0x1  }
0xa3: {  	s24 =	simm.s32 $0x1B8B  }
0xa4: {  	_ =	swait.ge [sflag:s24], $0x1  }
0xa5: {  	[sflag:s24] =	ssyncset.done $0x0  }
0xa6: {  	s25 =	simm.s32 $0x1B8E;
	[sflag:s24] =	ssyncadd.s32 $0xFFFFFFFF  }
0xa7: {  	s26 =	simm.s32 $execute0_lowered;
	[smem:$0x3FD2] =	sst s25  }
0xa8: {  	s6 =	sshll.u32 s26, $0x1;
	_ =	strace $0x80000046;
	[dreg:$0x1] =	wrdreg $0xFFFFFFFF  }
0xa9: {  	s28 =	simm.s32 $_size_execute0_lowered;
	s5 =	sadd.s32 s5, s6;
	[dreg:$0x0] =	wrdreg $0x0  }
0xaa: {  	s6 =	sshll.u32 s28, $0x1;
	[dreg:$0x2] =	wrdreg s5  }
0xab: {  	[dreg:$0x3] =	wrdreg s6  }
0xac: {  	[dreg:$0x4] =	wrdreg $0xC0  }
0xad: {  	_ =	task [dreg:s9], $0x5FFFF  }
0xae: {  	[dreg:$0x1] =	wrdreg $0xFFFFFFFF  }
0xaf: {  	[dreg:$0x0] =	wrdreg $0x60  }
0xb0: {  	[dreg:$0x2] =	wrdreg s2  }
0xb1: {  	[dreg:$0x3] =	wrdreg s19  }
0xb2: {  	[dreg:$0x4] =	wrdreg s4  }
0xb3: {  	[dreg:$0x5] =	wrdreg $0x9  }
0xb4: {  	_ =	task.clear_ibuf [dreg:s9], $0x6FFFF;
	_ =	strace $0x90000046  }
0xb5: {  	s29 =	simm.s32 $0x9;
	_ =	strace $0x80000048  }
0xb6: {  	_ =	swait.ge [sflag:s29], $0x1  }
0xb7: {  	[sflag:s29] =	ssyncadd.s32 $0xFFFFFFFF  }
0xb8: {  	_ =	strace $0x90000048  }
0xb9: {  	_ =	sfence  }
0xba: {  	s30 =	sld [smem:$0x0];
	_ =	sdelay $0x2  }
0xbb: {  	s31 =	sshll.u32 s1, $0xD;
	s1 =	sshrl.u32 s1, $0x2  }
0xbc: {  	s3 =	sand.u32 $0x4000, s31;
	s1 =	sadd.s32 s1, s30  }
0xbd: {  	s0 =	sor.u32 s3, s0;
	s1 =	sshll.u32 s1, $0x11  }
0xbe: {  	s0 =	sor.u32 s1, s0  }
0xbf: {  	s0 =	sadd.s32 $0x8F2B, s0  }
0xc0: {  	[sflag:s0] =	ssyncadd.remote.s32 $0x1  }
0xc1: {  	_ =	sfence.sel $0xFFFF  }
0xc2: {  	[dreg:$0x0] =	wrdreg $0xFFFFFFFF;
	(pc) =	sbr.abs _section_cstart, $3  }
0xc3: {  	[dreg:$0x1] =	wrdreg $0xFFFFFFFF  }
0xc4: {  	_ =	task.clear_ibuf [dreg:s9], $0x2FFFF;
	_ =	strace $0x9FFFFFFF  }
0xc5: {  	(tm) =	ssettm $0x7FFFFFFF  }
tec
execute0_lowered:
.L_overlay_start_1:
0x0: {  	(tag) =	ssettag $0x1  }
0x1: {  	s0 =	rddreg [dreg:$0x0]  }
0x2: {  	s1 =	srdreg.scid;
	s2 =	rddreg [dreg:$0x1]  }
0x3: {  	s3 =	stileid.u32;
	s6 =	rddreg [dreg:$0x2]  }
0x4: {  	s8 =	simm.s32 $0x3;
	s9 =	simm.s32 $0x40;
	s12 =	simm.s32 $0x4800  }
0x5: {  	s13 =	simm.s32 $0x400;
	s14 =	simm.s32 $0x6800;
	s15 =	simm.s32 $0x600  }
0x6: {  	s16 =	simm.s32 $0x8800;
	s17 =	simm.s32 $0x800;
	s18 =	simm.s32 $0xA800  }
0x7: {  	s19 =	simm.s32 $0xA00;
	s20 =	simm.s32 $0xC800;
	s21 =	simm.s32 $0xE800  }
0x8: {  	s22 =	simm.s32 $0x10800;
	s1 =	sand.u32 $0x1, s1;
	s3 =	sshll.u32 s3, $0x1  }
0x9: {  	s23 =	simm.s32 $0x12800;
	s24 =	simm.s32 $0x14800;
	s5 =	sor.u32 s1, s3  }
0xa: {  	s25 =	simm.s32 $0x1;
	s26 =	simm.s32 $0x2;
	s4 =	smul.u32 $0x2800, s5  }
.Ltmp0:
0xb: {  	s28 =	simm.s32 $0x16800;
	s3 =	simm.s32 $0x0;
	(pc) =	sbr.rel .LBB2_1-.Ltmp0, $4  }
0xc: {  	s29 =	simm.s32 $0x0;
	s1 =	ssub.s32 $0x2, s1;
	[smem:$0x7FF] =	sst s3  }
0xd: {  	s7 =	sshrl.u32 s1, $0x1;
	s31 =	sshll.u32 s5, $0xC;
	s4 =	sshrl.u32 s4, $0x3  }
0xe: {  	_ =	strace $0x80000047;
	s1 =	ssub.s32 s1, s7;
	s4 =	sadd.s32 s0, s4  }
0xf: {  	v0 =	vimm.f32 $0.0e+00;
	s6 =	sadd.s32 s6, s31;
	s7 =	smax.u32 s1, $0x1;
	s5 =	sadd.s32 $0x140, s4  }
.LBB2_13:
0x10: {  	s29 =	sadd.s32 $0x1, s29  }
0x11: {  	p0 =	sne.s32 s29, s7  }
.Ltmp1:
0x12: {  	_ = 	snop;
	(pc) =	sbr.rel @!p0 .LBB2_14-.Ltmp1, $1  }
0x13: {  	_ =	sdelay $0x3  }
.LBB2_1:
0x14: {  	[tilespmem:s3], [sflag:$0x3] =	stream.linear.gather [hbm4b:s4+s3], $0xA00, $0x38;
	[tilespmem:$0x18800] =	vst v63  }
0x15: {  	_ =	swait.ge [sflag:s8], $0xA00  }
0x16: {  	[sflag:s8] =	ssyncset.done $0x0  }
0x17: {  	s0 =	simm.s32 $0x0;
	s1 =	simm.s32 $0x400;
	[sflag:s8] =	ssyncadd.s32 $0xFFFFF600  }
.LBB2_2:
0x18: {  	p0 =	sne.s32 s1, $0x7C00;
	[tilespmem:s0+$0x168F0] =	vst v0  }
0x19: {  	[tilespmem:s0+$0x16800] =	vst v0  }
0x1a: {  	[tilespmem:s0+$0x16810] =	vst v0  }
0x1b: {  	[tilespmem:s0+$0x16820] =	vst v0  }
0x1c: {  	[tilespmem:s0+$0x16830] =	vst v0  }
0x1d: {  	[tilespmem:s0+$0x16840] =	vst v0  }
0x1e: {  	[tilespmem:s0+$0x16850] =	vst v0  }
0x1f: {  	[tilespmem:s0+$0x16860] =	vst v0  }
0x20: {  	[tilespmem:s0+$0x16870] =	vst v0  }
0x21: {  	[tilespmem:s0+$0x16880] =	vst v0  }
0x22: {  	[tilespmem:s0+$0x16890] =	vst v0  }
.Ltmp2:
0x23: {  	[tilespmem:s0+$0x168A0] =	vst v0;
	(pc) =	sbr.rel @p0 .LBB2_2-.Ltmp2, $4  }
0x24: {  	[tilespmem:s0+$0x168B0] =	vst v0  }
0x25: {  	[tilespmem:s0+$0x168C0] =	vst v0  }
0x26: {  	[tilespmem:s0+$0x168D0] =	vst v0  }
0x27: {  	[tilespmem:s0+$0x168E0] =	vst v0;
	s0 =	sshra.s32 s1, $0x2;
	s1 =	sadd.s32 $0x400, s1  }
0x28: {  	[tilespmem:s0+$0x168F0] =	vst v0  }
0x29: {  	[tilespmem:s0+$0x16800] =	vst v0  }
0x2a: {  	[tilespmem:s0+$0x16810] =	vst v0  }
0x2b: {  	[tilespmem:s0+$0x16820] =	vst v0  }
0x2c: {  	[tilespmem:s0+$0x16830] =	vst v0  }
0x2d: {  	[tilespmem:s0+$0x16840] =	vst v0  }
0x2e: {  	[tilespmem:s0+$0x16850] =	vst v0  }
0x2f: {  	[tilespmem:s0+$0x16860] =	vst v0  }
0x30: {  	[tilespmem:s0+$0x16870] =	vst v0  }
0x31: {  	[tilespmem:s0+$0x16880] =	vst v0  }
0x32: {  	[tilespmem:s0+$0x16890] =	vst v0  }
0x33: {  	[tilespmem:s0+$0x168A0] =	vst v0  }
0x34: {  	[tilespmem:s0+$0x168B0] =	vst v0  }
0x35: {  	[tilespmem:s0+$0x168C0] =	vst v0  }
0x36: {  	[tilespmem:s0+$0x168D0] =	vst v0  }
0x37: {  	[tilespmem:s0+$0x168E0] =	vst v0;
	s30 =	simm.s32 $0x0;
	s11 =	simm.s32 $0x2800  }
0x38: {  	[tilespmem:s11], [sflag:$0x1] =	stream.indirect.gather [hbm4b:s2+s9], $0x80, s30, s9, $0xb8;
	[tilespmem:$0x18800] =	vst v63  }
0x39: {  	s31 =	simm.s32 $0x200  }
0x3a: {  	[tilespmem:s12], [sflag:$0x1] =	stream.indirect.gather [hbm4b:s2+s9], $0x80, s31, s9, $0xb8;
	[tilespmem:$0x18800] =	vst v63  }
0x3b: {  	_ = 	snop  }
0x3c: {  	[tilespmem:s14], [sflag:$0x1] =	stream.indirect.gather [hbm4b:s2+s9], $0x80, s13, s9, $0xb8;
	[tilespmem:$0x18800] =	vst v63  }
0x3d: {  	_ = 	snop  }
0x3e: {  	[tilespmem:s16], [sflag:$0x1] =	stream.indirect.gather [hbm4b:s2+s9], $0x80, s15, s9, $0xb8;
	[tilespmem:$0x18800] =	vst v63  }
0x3f: {  	_ = 	snop  }
0x40: {  	[tilespmem:s18], [sflag:$0x1] =	stream.indirect.gather [hbm4b:s2+s9], $0x80, s17, s9, $0xb8;
	[tilespmem:$0x18800] =	vst v63  }
.Ltmp3:
0x41: {  	_ = 	snop;
	(pc) =	sbr.rel .LBB2_4-.Ltmp3, $4  }
0x42: {  	[tilespmem:s19], [sflag:$0x3] =	stream.linear.gather [hbm4b:s5+s30], $0x1E00, $0x38;
	[tilespmem:$0x18800] =	vst v63  }
0x43: {  	_ =	swait.ge [sflag:s8], $0x1E00  }
0x44: {  	[sflag:s8] =	ssyncset.done $0x0  }
0x45: {  	[sflag:s8] =	ssyncadd.s32 $0xFFFFE200  }
.LBB2_12:
0x46: {  	s30 =	sadd.s32 $0x1, s30  }
0x47: {  	p0 =	sne.s32 s30, $0x8  }
.Ltmp4:
0x48: {  	_ = 	snop;
	(pc) =	sbr.rel @!p0 .LBB2_13-.Ltmp4, $1  }
0x49: {  	_ =	sdelay $0x3  }
.LBB2_4:
0x4a: {  	s1 =	sshll.u32 s30, $0x1  }
0x4b: {  	s31 =	sand.u32 $0x2, s1  }
0x4c: {  	s0 =	smul.u32 $0x2800, s31  }
0x4d: {  	s10 =	sshll.u32 s30, $0x6  }
0x4e: {  	s10 =	sand.u32 $0x180, s10;
	s0 =	sshrl.u32 s0, $0x2  }
0x4f: {  	s0 =	sor.u32 s10, s0  }
0x50: {  	s10 =	sadd.s32 $0xA00, s0  }
0x51: {  	[tilespmem:s20], [sflag:$0x2] =	stream.indirect.gather [hbm4b:s2+s9], $0x80, s10, s9, $0xb8;
	[tilespmem:$0x18800] =	vst v63  }
0x52: {  	s11 =	sadd.s32 $0xC00, s0  }
0x53: {  	[tilespmem:s21], [sflag:$0x2] =	stream.indirect.gather [hbm4b:s2+s9], $0x80, s11, s9, $0xb8;
	[tilespmem:$0x18800] =	vst v63  }
0x54: {  	s11 =	sadd.s32 $0xE00, s0  }
0x55: {  	[tilespmem:s22], [sflag:$0x2] =	stream.indirect.gather [hbm4b:s2+s9], $0x80, s11, s9, $0xb8;
	[tilespmem:$0x18800] =	vst v63  }
0x56: {  	s11 =	sadd.s32 $0x1000, s0  }
0x57: {  	[tilespmem:s23], [sflag:$0x2] =	stream.indirect.gather [hbm4b:s2+s9], $0x80, s11, s9, $0xb8;
	[tilespmem:$0x18800] =	vst v63  }
0x58: {  	s0 =	sadd.s32 $0x1200, s0  }
0x59: {  	[tilespmem:s24], [sflag:$0x2] =	stream.indirect.gather [hbm4b:s2+s9], $0x80, s0, s9, $0xb8;
	[tilespmem:$0x18800] =	vst v63  }
0x5a: {  	_ =	swait.ge [sflag:s25], $0x2000  }
0x5b: {  	[sflag:s25] =	ssyncset.done $0x0  }
0x5c: {  	[sflag:s25] =	ssyncadd.s32 $0xFFFFE000  }
0x5d: {  	_ =	swait.ge [sflag:s25], $0x2000  }
0x5e: {  	[sflag:s25] =	ssyncset.done $0x0  }
0x5f: {  	[sflag:s25] =	ssyncadd.s32 $0xFFFFE000  }
0x60: {  	_ =	swait.ge [sflag:s25], $0x2000  }
0x61: {  	[sflag:s25] =	ssyncset.done $0x0  }
0x62: {  	[sflag:s25] =	ssyncadd.s32 $0xFFFFE000  }
0x63: {  	_ =	swait.ge [sflag:s25], $0x2000  }
0x64: {  	[sflag:s25] =	ssyncset.done $0x0  }
0x65: {  	[sflag:s25] =	ssyncadd.s32 $0xFFFFE000  }
0x66: {  	_ =	swait.ge [sflag:s25], $0x2000  }
0x67: {  	[sflag:s25] =	ssyncset.done $0x0  }
0x68: {  	s0 =	simm.s32 $0x0;
	[sflag:s25] =	ssyncadd.s32 $0xFFFFE000  }
0x69: {  	s10 =	simm.s32 $0x400;
	v1 =	vld [tilespmem:s0+$0x28F0]  }
.LBB2_5:
0x6a: {  	p0 =	sne.s32 s10, $0x7C00;
	v2 =	vld [tilespmem:s0+$0x48F0]  }
0x6b: {  	v3 =	vld [tilespmem:s0+$0x2800]  }
0x6c: {  	v4 =	vld [tilespmem:s0+$0x68F0]  }
0x6d: {  	v5 =	vld [tilespmem:s0+$0x4800]  }
0x6e: {  	v6 =	vld [tilespmem:s0+$0x88F0]  }
0x6f: {  	v7 =	vld [tilespmem:s0+$0x2810];
	v1 =	vadd.f32 v2, v1  }
0x70: {  	v2 =	vld [tilespmem:s0+$0xA8F0]  }
0x71: {  	v8 =	vld [tilespmem:s0+$0x4810];
	v1 =	vadd.f32 v4, v1  }
0x72: {  	v3 =	vadd.f32 v5, v3;
	v4 =	vld [tilespmem:s0+$0x2820]  }
0x73: {  	v5 =	vld [tilespmem:s0+$0x4820];
	v1 =	vadd.f32 v6, v1  }
0x74: {  	v6 =	vld [tilespmem:s0+$0x2830]  }
0x75: {  	v9 =	vld [tilespmem:s0+$0x4830];
	v1 =	vadd.f32 v2, v1  }
0x76: {  	v2 =	vadd.f32 v8, v7;
	v7 =	vld [tilespmem:s0+$0x2840]  }
0x77: {  	[tilespmem:s0+$0x168F0] =	vst.add.f32.msk $0xffff, v1  }
0x78: {  	v1 =	vadd.f32 v5, v4;
	v4 =	vld [tilespmem:s0+$0x4840]  }
0x79: {  	v5 =	vld [tilespmem:s0+$0x2850]  }
0x7a: {  	v6 =	vadd.f32 v9, v6;
	v8 =	vld [tilespmem:s0+$0x4850]  }
0x7b: {  	v9 =	vld [tilespmem:s0+$0x2860]  }
0x7c: {  	v10 =	vld [tilespmem:s0+$0x4860]  }
0x7d: {  	v4 =	vadd.f32 v4, v7;
	v7 =	vld [tilespmem:s0+$0x2870]  }
0x7e: {  	v11 =	vld [tilespmem:s0+$0x4870]  }
0x7f: {  	v5 =	vadd.f32 v8, v5;
	v8 =	vld [tilespmem:s0+$0x2880]  }
0x80: {  	v12 =	vld [tilespmem:s0+$0x4880]  }
0x81: {  	v9 =	vadd.f32 v10, v9;
	v10 =	vld [tilespmem:s0+$0x2890]  }
0x82: {  	v13 =	vld [tilespmem:s0+$0x4890]  }
0x83: {  	v7 =	vadd.f32 v11, v7;
	v11 =	vld [tilespmem:s0+$0x28A0]  }
0x84: {  	v14 =	vld [tilespmem:s0+$0x48A0]  }
0x85: {  	v8 =	vadd.f32 v12, v8;
	v12 =	vld [tilespmem:s0+$0x28B0]  }
0x86: {  	v15 =	vld [tilespmem:s0+$0x48B0]  }
0x87: {  	v10 =	vadd.f32 v13, v10;
	v13 =	vld [tilespmem:s0+$0x28C0]  }
0x88: {  	v16 =	vld [tilespmem:s0+$0x48C0]  }
0x89: {  	v11 =	vadd.f32 v14, v11;
	v14 =	vld [tilespmem:s0+$0x28D0]  }
0x8a: {  	v17 =	vld [tilespmem:s0+$0x48D0]  }
0x8b: {  	v12 =	vadd.f32 v15, v12;
	v15 =	vld [tilespmem:s0+$0x28E0]  }
0x8c: {  	v18 =	vld [tilespmem:s0+$0x48E0]  }
0x8d: {  	v19 =	vld [tilespmem:s0+$0x6800];
	v13 =	vadd.f32 v16, v13  }
0x8e: {  	v16 =	vld [tilespmem:s0+$0x6810]  }
0x8f: {  	v20 =	vld [tilespmem:s0+$0x6820];
	v14 =	vadd.f32 v17, v14  }
0x90: {  	v17 =	vld [tilespmem:s0+$0x6830]  }
0x91: {  	v21 =	vld [tilespmem:s0+$0x6840];
	v15 =	vadd.f32 v18, v15  }
0x92: {  	v3 =	vadd.f32 v19, v3;
	v18 =	vld [tilespmem:s0+$0x6850]  }
0x93: {  	v2 =	vadd.f32 v16, v2;
	v16 =	vld [tilespmem:s0+$0x6860]  }
0x94: {  	v1 =	vadd.f32 v20, v1;
	v19 =	vld [tilespmem:s0+$0x6870]  }
0x95: {  	v6 =	vadd.f32 v17, v6;
	v17 =	vld [tilespmem:s0+$0x6880]  }
0x96: {  	v4 =	vadd.f32 v21, v4;
	v20 =	vld [tilespmem:s0+$0x6890]  }
0x97: {  	v5 =	vadd.f32 v18, v5;
	v18 =	vld [tilespmem:s0+$0x68A0]  }
0x98: {  	v9 =	vadd.f32 v16, v9;
	v16 =	vld [tilespmem:s0+$0x68B0]  }
0x99: {  	v7 =	vadd.f32 v19, v7;
	v19 =	vld [tilespmem:s0+$0x68C0]  }
0x9a: {  	v8 =	vadd.f32 v17, v8;
	v17 =	vld [tilespmem:s0+$0x68D0]  }
0x9b: {  	v10 =	vadd.f32 v20, v10;
	v20 =	vld [tilespmem:s0+$0x68E0]  }
0x9c: {  	v21 =	vld [tilespmem:s0+$0x8800];
	v11 =	vadd.f32 v18, v11  }
0x9d: {  	v18 =	vld [tilespmem:s0+$0x8810];
	v12 =	vadd.f32 v16, v12  }
0x9e: {  	v16 =	vld [tilespmem:s0+$0x8820];
	v13 =	vadd.f32 v19, v13  }
0x9f: {  	v19 =	vld [tilespmem:s0+$0x8830];
	v14 =	vadd.f32 v17, v14  }
0xa0: {  	v17 =	vld [tilespmem:s0+$0x8840];
	v15 =	vadd.f32 v20, v15  }
0xa1: {  	v3 =	vadd.f32 v21, v3;
	v20 =	vld [tilespmem:s0+$0x8850]  }
0xa2: {  	v2 =	vadd.f32 v18, v2;
	v18 =	vld [tilespmem:s0+$0x8860]  }
0xa3: {  	v1 =	vadd.f32 v16, v1;
	v16 =	vld [tilespmem:s0+$0x8870]  }
0xa4: {  	v6 =	vadd.f32 v19, v6;
	v19 =	vld [tilespmem:s0+$0x8880]  }
0xa5: {  	v4 =	vadd.f32 v17, v4;
	v17 =	vld [tilespmem:s0+$0x8890]  }
0xa6: {  	v5 =	vadd.f32 v20, v5;
	v20 =	vld [tilespmem:s0+$0x88A0]  }
0xa7: {  	v9 =	vadd.f32 v18, v9;
	v18 =	vld [tilespmem:s0+$0x88B0]  }
0xa8: {  	v7 =	vadd.f32 v16, v7;
	v16 =	vld [tilespmem:s0+$0x88C0]  }
0xa9: {  	v8 =	vadd.f32 v19, v8;
	v19 =	vld [tilespmem:s0+$0x88D0]  }
0xaa: {  	v10 =	vadd.f32 v17, v10;
	v17 =	vld [tilespmem:s0+$0x88E0]  }
0xab: {  	v21 =	vld [tilespmem:s0+$0xA800];
	v11 =	vadd.f32 v20, v11  }
0xac: {  	v20 =	vld [tilespmem:s0+$0xA810];
	v12 =	vadd.f32 v18, v12  }
0xad: {  	v18 =	vld [tilespmem:s0+$0xA820];
	v13 =	vadd.f32 v16, v13  }
0xae: {  	v16 =	vld [tilespmem:s0+$0xA830];
	v14 =	vadd.f32 v19, v14  }
0xaf: {  	v19 =	vld [tilespmem:s0+$0xA840];
	v15 =	vadd.f32 v17, v15  }
0xb0: {  	v3 =	vadd.f32 v21, v3;
	v17 =	vld [tilespmem:s0+$0xA850]  }
0xb1: {  	v2 =	vadd.f32 v20, v2;
	v20 =	vld [tilespmem:s0+$0xA860]  }
0xb2: {  	v1 =	vadd.f32 v18, v1;
	v18 =	vld [tilespmem:s0+$0xA870]  }
0xb3: {  	v6 =	vadd.f32 v16, v6;
	v16 =	vld [tilespmem:s0+$0xA880]  }
0xb4: {  	v4 =	vadd.f32 v19, v4;
	v19 =	vld [tilespmem:s0+$0xA890]  }
0xb5: {  	v5 =	vadd.f32 v17, v5;
	v17 =	vld [tilespmem:s0+$0xA8A0]  }
0xb6: {  	v9 =	vadd.f32 v20, v9;
	v20 =	vld [tilespmem:s0+$0xA8B0]  }
0xb7: {  	v7 =	vadd.f32 v18, v7;
	v18 =	vld [tilespmem:s0+$0xA8C0]  }
0xb8: {  	v8 =	vadd.f32 v16, v8;
	v16 =	vld [tilespmem:s0+$0xA8D0]  }
0xb9: {  	v10 =	vadd.f32 v19, v10;
	v19 =	vld [tilespmem:s0+$0xA8E0]  }
0xba: {  	[tilespmem:s0+$0x16800] =	vst.add.f32.msk $0xffff, v3;
	v3 =	vadd.f32 v17, v11  }
0xbb: {  	[tilespmem:s0+$0x16810] =	vst.add.f32.msk $0xffff, v2;
	v2 =	vadd.f32 v20, v12  }
0xbc: {  	[tilespmem:s0+$0x16820] =	vst.add.f32.msk $0xffff, v1;
	v1 =	vadd.f32 v18, v13  }
0xbd: {  	[tilespmem:s0+$0x16830] =	vst.add.f32.msk $0xffff, v6;
	v6 =	vadd.f32 v16, v14  }
0xbe: {  	[tilespmem:s0+$0x16840] =	vst.add.f32.msk $0xffff, v4;
	v4 =	vadd.f32 v19, v15  }
0xbf: {  	[tilespmem:s0+$0x16850] =	vst.add.f32.msk $0xffff, v5  }
0xc0: {  	[tilespmem:s0+$0x16860] =	vst.add.f32.msk $0xffff, v9  }
0xc1: {  	[tilespmem:s0+$0x16870] =	vst.add.f32.msk $0xffff, v7  }
0xc2: {  	[tilespmem:s0+$0x16880] =	vst.add.f32.msk $0xffff, v8  }
0xc3: {  	[tilespmem:s0+$0x16890] =	vst.add.f32.msk $0xffff, v10  }
0xc4: {  	[tilespmem:s0+$0x168A0] =	vst.add.f32.msk $0xffff, v3  }
.Ltmp5:
0xc5: {  	[tilespmem:s0+$0x168B0] =	vst.add.f32.msk $0xffff, v2;
	(pc) =	sbr.rel @p0 .LBB2_5-.Ltmp5, $4  }
0xc6: {  	[tilespmem:s0+$0x168C0] =	vst.add.f32.msk $0xffff, v1  }
0xc7: {  	[tilespmem:s0+$0x168D0] =	vst.add.f32.msk $0xffff, v6  }
0xc8: {  	[tilespmem:s0+$0x168E0] =	vst.add.f32.msk $0xffff, v4;
	s0 =	sshra.s32 s10, $0x2  }
0xc9: {  	s10 =	sadd.s32 $0x400, s10;
	v1 =	vld [tilespmem:s0+$0x28F0]  }
0xca: {  	v2 =	vld [tilespmem:s0+$0x48F0]  }
0xcb: {  	v3 =	vld [tilespmem:s0+$0x2800]  }
0xcc: {  	v4 =	vld [tilespmem:s0+$0x68F0]  }
0xcd: {  	v5 =	vld [tilespmem:s0+$0x4800]  }
0xce: {  	v6 =	vld [tilespmem:s0+$0x88F0]  }
0xcf: {  	v7 =	vld [tilespmem:s0+$0x2810]  }
0xd0: {  	v8 =	vld [tilespmem:s0+$0x4810]  }
0xd1: {  	v62 =	vld [tilespmem:s0+$0x2820]  }
0xd2: {  	v9 =	vld [tilespmem:s0+$0x4820]  }
0xd3: {  	v63 =	vld [tilespmem:s0+$0x2830]  }
0xd4: {  	v10 =	vld [tilespmem:s0+$0x4830]  }
0xd5: {  	v11 =	vld [tilespmem:s0+$0x2850]  }
0xd6: {  	v12 =	vld [tilespmem:s0+$0x4850]  }
0xd7: {  	v13 =	vld [tilespmem:s0+$0x2860]  }
0xd8: {  	v14 =	vld [tilespmem:s0+$0x4860]  }
0xd9: {  	v15 =	vld [tilespmem:s0+$0x2870]  }
0xda: {  	v16 =	vld [tilespmem:s0+$0x4870]  }
0xdb: {  	v17 =	vld [tilespmem:s0+$0x2880]  }
0xdc: {  	v18 =	vld [tilespmem:s0+$0x4880]  }
0xdd: {  	v19 =	vld [tilespmem:s0+$0x2890]  }
0xde: {  	v20 =	vld [tilespmem:s0+$0x4890]  }
0xdf: {  	v21 =	vld [tilespmem:s0+$0x28A0]  }
0xe0: {  	v22 =	vld [tilespmem:s0+$0x48A0]  }
0xe1: {  	v23 =	vld [tilespmem:s0+$0x28B0]  }
0xe2: {  	v24 =	vld [tilespmem:s0+$0x48B0]  }
0xe3: {  	v25 =	vld [tilespmem:s0+$0x28C0]  }
0xe4: {  	v26 =	vld [tilespmem:s0+$0x48C0]  }
0xe5: {  	v27 =	vld [tilespmem:s0+$0x28D0]  }
0xe6: {  	v28 =	vld [tilespmem:s0+$0x48D0]  }
0xe7: {  	v29 =	vld [tilespmem:s0+$0x28E0]  }
0xe8: {  	v30 =	vld [tilespmem:s0+$0x48E0]  }
0xe9: {  	v31 =	vld [tilespmem:s0+$0x6800]  }
0xea: {  	v32 =	vld [tilespmem:s0+$0x6810]  }
0xeb: {  	v33 =	vld [tilespmem:s0+$0x6820]  }
0xec: {  	v34 =	vld [tilespmem:s0+$0x6830]  }
0xed: {  	v35 =	vld [tilespmem:s0+$0x6840]  }
0xee: {  	v36 =	vld [tilespmem:s0+$0x6850]  }
0xef: {  	v37 =	vld [tilespmem:s0+$0x6860]  }
0xf0: {  	v38 =	vld [tilespmem:s0+$0x6870]  }
0xf1: {  	v39 =	vld [tilespmem:s0+$0x6880]  }
0xf2: {  	v40 =	vld [tilespmem:s0+$0x6890]  }
0xf3: {  	v41 =	vld [tilespmem:s0+$0x68A0]  }
0xf4: {  	v42 =	vld [tilespmem:s0+$0x68B0]  }
0xf5: {  	v43 =	vld [tilespmem:s0+$0x68C0]  }
0xf6: {  	v44 =	vld [tilespmem:s0+$0x68D0]  }
0xf7: {  	v45 =	vld [tilespmem:s0+$0x68E0]  }
0xf8: {  	v46 =	vld [tilespmem:s0+$0x8800]  }
0xf9: {  	v47 =	vld [tilespmem:s0+$0x8810]  }
0xfa: {  	v48 =	vld [tilespmem:s0+$0x8820]  }
0xfb: {  	v49 =	vld [tilespmem:s0+$0x8830]  }
0xfc: {  	v50 =	vld [tilespmem:s0+$0x8840]  }
0xfd: {  	v51 =	vld [tilespmem:s0+$0x8850]  }
0xfe: {  	v52 =	vld [tilespmem:s0+$0x8860]  }
0xff: {  	v53 =	vld [tilespmem:s0+$0x8870]  }
0x100: {  	v54 =	vld [tilespmem:s0+$0x8880]  }
0x101: {  	v55 =	vld [tilespmem:s0+$0x8890]  }
0x102: {  	v56 =	vld [tilespmem:s0+$0x88A0]  }
0x103: {  	v57 =	vld [tilespmem:s0+$0x88B0]  }
0x104: {  	v61 =	vld [tilespmem:s0+$0xA830];
	v1 =	vadd.f32 v2, v1  }
0x105: {  	v2 =	vld [tilespmem:s0+$0xA8F0];
	v3 =	vadd.f32 v5, v3  }
0x106: {  	v5 =	vadd.f32 v8, v7;
	v7 =	vld [tilespmem:s0+$0x88C0];
	v1 =	vadd.f32 v4, v1  }
0x107: {  	v8 =	vld [tilespmem:s0+$0x88D0];
	v4 =	vadd.f32 v9, v62  }
0x108: {  	v9 =	vld [tilespmem:s0+$0x88E0];
	v1 =	vadd.f32 v6, v1;
	v6 =	vadd.f32 v10, v63  }
0x109: {  	v10 =	vadd.f32 v14, v13;
	v13 =	vadd.f32 v18, v17;
	v18 =	vld [tilespmem:s0+$0xA820]  }
0x10a: {  	v59 =	vadd.f32 v26, v25;
	v63 =	vld [tilespmem:s0+$0xA840]  }
0x10b: {  	v14 =	vadd.f32 v20, v19;
	v4 =	vadd.f32 v33, v4;
	v33 =	vld [tilespmem:s0+$0xA850]  }
0x10c: {  	v19 =	vadd.f32 v43, v59;
	v43 =	vld [tilespmem:s0+$0xA8A0];
	v1 =	vadd.f32 v2, v1  }
0x10d: {  	v58 =	vadd.f32 v24, v23;
	v60 =	vadd.f32 v28, v27;
	v2 =	vld [tilespmem:s0+$0x2840]  }
0x10e: {  	v62 =	vadd.f32 v30, v29;
	v3 =	vadd.f32 v31, v3;
	[tilespmem:s0+$0x168F0] =	vst.add.f32.msk $0xffff, v1  }
0x10f: {  	v5 =	vadd.f32 v32, v5;
	v17 =	vadd.f32 v42, v58;
	v1 =	vld [tilespmem:s0+$0x4840]  }
0x110: {  	v20 =	vadd.f32 v44, v60;
	v3 =	vadd.f32 v46, v3;
	v46 =	vld [tilespmem:s0+$0xA8B0]  }
0x111: {  	v5 =	vadd.f32 v47, v5;
	v47 =	vld [tilespmem:s0+$0xA8C0];
	v6 =	vadd.f32 v34, v6  }
0x112: {  	v58 =	vld [tilespmem:s0+$0xA8D0];
	v10 =	vadd.f32 v37, v10;
	v13 =	vadd.f32 v39, v13  }
0x113: {  	v59 =	vld [tilespmem:s0+$0xA8E0];
	v14 =	vadd.f32 v40, v14;
	v4 =	vadd.f32 v48, v4  }
0x114: {  	v1 =	vadd.f32 v1, v2;
	v2 =	vadd.f32 v12, v11;
	v12 =	vld [tilespmem:s0+$0xA800]  }
0x115: {  	v6 =	vadd.f32 v49, v6;
	v11 =	vadd.f32 v16, v15;
	v15 =	vld [tilespmem:s0+$0xA810]  }
0x116: {  	v37 =	vld [tilespmem:s0+$0xA870];
	v4 =	vadd.f32 v18, v4;
	v16 =	vadd.f32 v22, v21  }
0x117: {  	v39 =	vld [tilespmem:s0+$0xA880];
	v60 =	vadd.f32 v52, v10;
	v1 =	vadd.f32 v35, v1  }
0x118: {  	[tilespmem:s0+$0x16820] =	vst.add.f32.msk $0xffff, v4;
	v2 =	vadd.f32 v36, v2;
	v16 =	vadd.f32 v41, v16  }
0x119: {  	v35 =	vld [tilespmem:s0+$0xA860];
	v1 =	vadd.f32 v50, v1;
	v3 =	vadd.f32 v12, v3  }
0x11a: {  	v41 =	vld [tilespmem:s0+$0xA890];
	v2 =	vadd.f32 v51, v2;
	v5 =	vadd.f32 v15, v5  }
0x11b: {  	v11 =	vadd.f32 v38, v11;
	v1 =	vadd.f32 v63, v1;
	[tilespmem:s0+$0x16800] =	vst.add.f32.msk $0xffff, v3  }
0x11c: {  	v22 =	vadd.f32 v45, v62;
	v2 =	vadd.f32 v33, v2;
	[tilespmem:s0+$0x16810] =	vst.add.f32.msk $0xffff, v5  }
0x11d: {  	v3 =	vadd.f32 v61, v6;
	v61 =	vadd.f32 v53, v11;
	[tilespmem:s0+$0x16840] =	vst.add.f32.msk $0xffff, v1  }
0x11e: {  	v62 =	vadd.f32 v57, v17;
	v5 =	vadd.f32 v35, v60;
	[tilespmem:s0+$0x16850] =	vst.add.f32.msk $0xffff, v2  }
0x11f: {  	v1 =	vadd.f32 v55, v14;
	[tilespmem:s0+$0x16830] =	vst.add.f32.msk $0xffff, v3;
	v4 =	vadd.f32 v37, v61  }
0x120: {  	v3 =	vadd.f32 v54, v13;
	[tilespmem:s0+$0x16860] =	vst.add.f32.msk $0xffff, v5;
	v5 =	vadd.f32 v46, v62  }
0x121: {  	v2 =	vadd.f32 v56, v16;
	v1 =	vadd.f32 v41, v1;
	[tilespmem:s0+$0x16870] =	vst.add.f32.msk $0xffff, v4  }
0x122: {  	p0 =	seq.s32 s30, $0x7;
	v63 =	vadd.f32 v7, v19;
	v3 =	vadd.f32 v39, v3;
	[tilespmem:s0+$0x168B0] =	vst.add.f32.msk $0xffff, v5  }
0x123: {  	s1 =	sadd.s32 @!p0 $0x2, s1;
	v2 =	vadd.f32 v43, v2;
	[tilespmem:s0+$0x16890] =	vst.add.f32.msk $0xffff, v1;
	v1 =	vadd.f32 v9, v22  }
0x124: {  	s10 =	sand.u32 @!p0 $0x2, s1;
	v4 =	vadd.f32 v47, v63;
	[tilespmem:s0+$0x16880] =	vst.add.f32.msk $0xffff, v3;
	v3 =	vadd.f32 v8, v20  }
0x125: {  	s10 =	smul.u32 @!p0 $0x2800, s10;
	[tilespmem:s0+$0x168A0] =	vst.add.f32.msk $0xffff, v2;
	v1 =	vadd.f32 v59, v1  }
0x126: {  	s1 =	sshll.u32 @!p0 s1, $0x5;
	[tilespmem:s0+$0x168C0] =	vst.add.f32.msk $0xffff, v4;
	v2 =	vadd.f32 v58, v3  }
0x127: {  	s1 =	sand.u32 @!p0 $0x380, s1;
	s10 =	sshrl.u32 @!p0 s10, $0x2;
	[tilespmem:s0+$0x168E0] =	vst.add.f32.msk $0xffff, v1  }
0x128: {  	[tilespmem:s0+$0x168D0] =	vst.add.f32.msk $0xffff, v2;
	s0 =	sor.u32 @!p0 s1, s10;
	s1 =	simm.s32 @!p0 $0x40;
	s10 =	simm.s32 @!p0 $0x2800  }
0x129: {  	[tilespmem:s10], [sflag:$0x1] =	stream.indirect.gather @!p0 [hbm4b:s2+s1], $0x80, s0, s1, $0xb8;
	[tilespmem:$0x18800] =	vst v63  }
0x12a: {  	s11 =	simm.s32 @!p0 $0x4800;
	s10 =	sadd.s32 @!p0 $0x200, s0  }
0x12b: {  	[tilespmem:s11], [sflag:$0x1] =	stream.indirect.gather @!p0 [hbm4b:s2+s1], $0x80, s10, s1, $0xb8;
	[tilespmem:$0x18800] =	vst v63  }
0x12c: {  	s10 =	sadd.s32 @!p0 $0x400, s0;
	s11 =	simm.s32 @!p0 $0x6800  }
0x12d: {  	[tilespmem:s11], [sflag:$0x1] =	stream.indirect.gather @!p0 [hbm4b:s2+s1], $0x80, s10, s1, $0xb8;
	[tilespmem:$0x18800] =	vst v63  }
0x12e: {  	s10 =	sadd.s32 @!p0 $0x600, s0;
	s11 =	simm.s32 @!p0 $0x8800  }
0x12f: {  	[tilespmem:s11], [sflag:$0x1] =	stream.indirect.gather @!p0 [hbm4b:s2+s1], $0x80, s10, s1, $0xb8;
	[tilespmem:$0x18800] =	vst v63  }
0x130: {  	s0 =	sadd.s32 @!p0 $0x800, s0;
	s10 =	simm.s32 @!p0 $0xA800  }
0x131: {  	[tilespmem:s10], [sflag:$0x1] =	stream.indirect.gather @!p0 [hbm4b:s2+s1], $0x80, s0, s1, $0xb8;
	[tilespmem:$0x18800] =	vst v63  }
0x132: {  	_ =	swait.ge [sflag:s26], $0x2000  }
0x133: {  	[sflag:s26] =	ssyncset.done $0x0  }
0x134: {  	[sflag:s26] =	ssyncadd.s32 $0xFFFFE000  }
0x135: {  	_ =	swait.ge [sflag:s26], $0x2000  }
0x136: {  	[sflag:s26] =	ssyncset.done $0x0  }
0x137: {  	[sflag:s26] =	ssyncadd.s32 $0xFFFFE000  }
0x138: {  	_ =	swait.ge [sflag:s26], $0x2000  }
0x139: {  	[sflag:s26] =	ssyncset.done $0x0  }
0x13a: {  	[sflag:s26] =	ssyncadd.s32 $0xFFFFE000  }
0x13b: {  	_ =	swait.ge [sflag:s26], $0x2000  }
0x13c: {  	[sflag:s26] =	ssyncset.done $0x0  }
0x13d: {  	[sflag:s26] =	ssyncadd.s32 $0xFFFFE000  }
0x13e: {  	_ =	swait.ge [sflag:s26], $0x2000  }
0x13f: {  	[sflag:s26] =	ssyncset.done $0x0  }
0x140: {  	s0 =	simm.s32 $0x0;
	[sflag:s26] =	ssyncadd.s32 $0xFFFFE000  }
0x141: {  	s1 =	simm.s32 $0x400;
	v1 =	vld [tilespmem:s0+$0xC8F0]  }
.LBB2_7:
0x142: {  	p0 =	sne.s32 s1, $0x7C00;
	v2 =	vld [tilespmem:s0+$0xE8F0]  }
0x143: {  	v3 =	vld [tilespmem:s0+$0xC800]  }
0x144: {  	v4 =	vld [tilespmem:s0+$0x108F0]  }
0x145: {  	v5 =	vld [tilespmem:s0+$0xE800]  }
0x146: {  	v6 =	vld [tilespmem:s0+$0x128F0]  }
0x147: {  	v7 =	vld [tilespmem:s0+$0xC810];
	v1 =	vadd.f32 v2, v1  }
0x148: {  	v2 =	vld [tilespmem:s0+$0x148F0]  }
0x149: {  	v8 =	vld [tilespmem:s0+$0xE810];
	v1 =	vadd.f32 v4, v1  }
0x14a: {  	v3 =	vadd.f32 v5, v3;
	v4 =	vld [tilespmem:s0+$0xC820]  }
0x14b: {  	v5 =	vld [tilespmem:s0+$0xE820];
	v1 =	vadd.f32 v6, v1  }
0x14c: {  	v6 =	vld [tilespmem:s0+$0xC830]  }
0x14d: {  	v9 =	vld [tilespmem:s0+$0xE830];
	v1 =	vadd.f32 v2, v1  }
0x14e: {  	v2 =	vadd.f32 v8, v7;
	v7 =	vld [tilespmem:s0+$0xC840]  }
0x14f: {  	[tilespmem:s0+$0x168F0] =	vst.add.f32.msk $0xffff, v1  }
0x150: {  	v1 =	vadd.f32 v5, v4;
	v4 =	vld [tilespmem:s0+$0xE840]  }
0x151: {  	v5 =	vld [tilespmem:s0+$0xC850]  }
0x152: {  	v6 =	vadd.f32 v9, v6;
	v8 =	vld [tilespmem:s0+$0xE850]  }
0x153: {  	v9 =	vld [tilespmem:s0+$0xC860]  }
0x154: {  	v10 =	vld [tilespmem:s0+$0xE860]  }
0x155: {  	v4 =	vadd.f32 v4, v7;
	v7 =	vld [tilespmem:s0+$0xC870]  }
0x156: {  	v11 =	vld [tilespmem:s0+$0xE870]  }
0x157: {  	v5 =	vadd.f32 v8, v5;
	v8 =	vld [tilespmem:s0+$0xC880]  }
0x158: {  	v12 =	vld [tilespmem:s0+$0xE880]  }
0x159: {  	v9 =	vadd.f32 v10, v9;
	v10 =	vld [tilespmem:s0+$0xC890]  }
0x15a: {  	v13 =	vld [tilespmem:s0+$0xE890]  }
0x15b: {  	v7 =	vadd.f32 v11, v7;
	v11 =	vld [tilespmem:s0+$0xC8A0]  }
0x15c: {  	v14 =	vld [tilespmem:s0+$0xE8A0]  }
0x15d: {  	v8 =	vadd.f32 v12, v8;
	v12 =	vld [tilespmem:s0+$0xC8B0]  }
0x15e: {  	v15 =	vld [tilespmem:s0+$0xE8B0]  }
0x15f: {  	v10 =	vadd.f32 v13, v10;
	v13 =	vld [tilespmem:s0+$0xC8C0]  }
0x160: {  	v16 =	vld [tilespmem:s0+$0xE8C0]  }
0x161: {  	v11 =	vadd.f32 v14, v11;
	v14 =	vld [tilespmem:s0+$0xC8D0]  }
0x162: {  	v17 =	vld [tilespmem:s0+$0xE8D0]  }
0x163: {  	v12 =	vadd.f32 v15, v12;
	v15 =	vld [tilespmem:s0+$0xC8E0]  }
0x164: {  	v18 =	vld [tilespmem:s0+$0xE8E0]  }
0x165: {  	v19 =	vld [tilespmem:s0+$0x10800];
	v13 =	vadd.f32 v16, v13  }
0x166: {  	v16 =	vld [tilespmem:s0+$0x10810]  }
0x167: {  	v20 =	vld [tilespmem:s0+$0x10820];
	v14 =	vadd.f32 v17, v14  }
0x168: {  	v17 =	vld [tilespmem:s0+$0x10830]  }
0x169: {  	v21 =	vld [tilespmem:s0+$0x10840];
	v15 =	vadd.f32 v18, v15  }
0x16a: {  	v3 =	vadd.f32 v19, v3;
	v18 =	vld [tilespmem:s0+$0x10850]  }
0x16b: {  	v2 =	vadd.f32 v16, v2;
	v16 =	vld [tilespmem:s0+$0x10860]  }
0x16c: {  	v1 =	vadd.f32 v20, v1;
	v19 =	vld [tilespmem:s0+$0x10870]  }
0x16d: {  	v6 =	vadd.f32 v17, v6;
	v17 =	vld [tilespmem:s0+$0x10880]  }
0x16e: {  	v4 =	vadd.f32 v21, v4;
	v20 =	vld [tilespmem:s0+$0x10890]  }
0x16f: {  	v5 =	vadd.f32 v18, v5;
	v18 =	vld [tilespmem:s0+$0x108A0]  }
0x170: {  	v9 =	vadd.f32 v16, v9;
	v16 =	vld [tilespmem:s0+$0x108B0]  }
0x171: {  	v7 =	vadd.f32 v19, v7;
	v19 =	vld [tilespmem:s0+$0x108C0]  }
0x172: {  	v8 =	vadd.f32 v17, v8;
	v17 =	vld [tilespmem:s0+$0x108D0]  }
0x173: {  	v10 =	vadd.f32 v20, v10;
	v20 =	vld [tilespmem:s0+$0x108E0]  }
0x174: {  	v21 =	vld [tilespmem:s0+$0x12800];
	v11 =	vadd.f32 v18, v11  }
0x175: {  	v18 =	vld [tilespmem:s0+$0x12810];
	v12 =	vadd.f32 v16, v12  }
0x176: {  	v16 =	vld [tilespmem:s0+$0x12820];
	v13 =	vadd.f32 v19, v13  }
0x177: {  	v19 =	vld [tilespmem:s0+$0x12830];
	v14 =	vadd.f32 v17, v14  }
0x178: {  	v17 =	vld [tilespmem:s0+$0x12840];
	v15 =	vadd.f32 v20, v15  }
0x179: {  	v3 =	vadd.f32 v21, v3;
	v20 =	vld [tilespmem:s0+$0x12850]  }
0x17a: {  	v2 =	vadd.f32 v18, v2;
	v18 =	vld [tilespmem:s0+$0x12860]  }
0x17b: {  	v1 =	vadd.f32 v16, v1;
	v16 =	vld [tilespmem:s0+$0x12870]  }
0x17c: {  	v6 =	vadd.f32 v19, v6;
	v19 =	vld [tilespmem:s0+$0x12880]  }
0x17d: {  	v4 =	vadd.f32 v17, v4;
	v17 =	vld [tilespmem:s0+$0x12890]  }
0x17e: {  	v5 =	vadd.f32 v20, v5;
	v20 =	vld [tilespmem:s0+$0x128A0]  }
0x17f: {  	v9 =	vadd.f32 v18, v9;
	v18 =	vld [tilespmem:s0+$0x128B0]  }
0x180: {  	v7 =	vadd.f32 v16, v7;
	v16 =	vld [tilespmem:s0+$0x128C0]  }
0x181: {  	v8 =	vadd.f32 v19, v8;
	v19 =	vld [tilespmem:s0+$0x128D0]  }
0x182: {  	v10 =	vadd.f32 v17, v10;
	v17 =	vld [tilespmem:s0+$0x128E0]  }
0x183: {  	v21 =	vld [tilespmem:s0+$0x14800];
	v11 =	vadd.f32 v20, v11  }
0x184: {  	v20 =	vld [tilespmem:s0+$0x14810];
	v12 =	vadd.f32 v18, v12  }
0x185: {  	v18 =	vld [tilespmem:s0+$0x14820];
	v13 =	vadd.f32 v16, v13  }
0x186: {  	v16 =	vld [tilespmem:s0+$0x14830];
	v14 =	vadd.f32 v19, v14  }
0x187: {  	v19 =	vld [tilespmem:s0+$0x14840];
	v15 =	vadd.f32 v17, v15  }
0x188: {  	v3 =	vadd.f32 v21, v3;
	v17 =	vld [tilespmem:s0+$0x14850]  }
0x189: {  	v2 =	vadd.f32 v20, v2;
	v20 =	vld [tilespmem:s0+$0x14860]  }
0x18a: {  	v1 =	vadd.f32 v18, v1;
	v18 =	vld [tilespmem:s0+$0x14870]  }
0x18b: {  	v6 =	vadd.f32 v16, v6;
	v16 =	vld [tilespmem:s0+$0x14880]  }
0x18c: {  	v4 =	vadd.f32 v19, v4;
	v19 =	vld [tilespmem:s0+$0x14890]  }
0x18d: {  	v5 =	vadd.f32 v17, v5;
	v17 =	vld [tilespmem:s0+$0x148A0]  }
0x18e: {  	v9 =	vadd.f32 v20, v9;
	v20 =	vld [tilespmem:s0+$0x148B0]  }
0x18f: {  	v7 =	vadd.f32 v18, v7;
	v18 =	vld [tilespmem:s0+$0x148C0]  }
0x190: {  	v8 =	vadd.f32 v16, v8;
	v16 =	vld [tilespmem:s0+$0x148D0]  }
0x191: {  	v10 =	vadd.f32 v19, v10;
	v19 =	vld [tilespmem:s0+$0x148E0]  }
0x192: {  	[tilespmem:s0+$0x16800] =	vst.add.f32.msk $0xffff, v3;
	v3 =	vadd.f32 v17, v11  }
0x193: {  	[tilespmem:s0+$0x16810] =	vst.add.f32.msk $0xffff, v2;
	v2 =	vadd.f32 v20, v12  }
0x194: {  	[tilespmem:s0+$0x16820] =	vst.add.f32.msk $0xffff, v1;
	v1 =	vadd.f32 v18, v13  }
0x195: {  	[tilespmem:s0+$0x16830] =	vst.add.f32.msk $0xffff, v6;
	v6 =	vadd.f32 v16, v14  }
0x196: {  	[tilespmem:s0+$0x16840] =	vst.add.f32.msk $0xffff, v4;
	v4 =	vadd.f32 v19, v15  }
0x197: {  	[tilespmem:s0+$0x16850] =	vst.add.f32.msk $0xffff, v5  }
0x198: {  	[tilespmem:s0+$0x16860] =	vst.add.f32.msk $0xffff, v9  }
0x199: {  	[tilespmem:s0+$0x16870] =	vst.add.f32.msk $0xffff, v7  }
0x19a: {  	[tilespmem:s0+$0x16880] =	vst.add.f32.msk $0xffff, v8  }
0x19b: {  	[tilespmem:s0+$0x16890] =	vst.add.f32.msk $0xffff, v10  }
0x19c: {  	[tilespmem:s0+$0x168A0] =	vst.add.f32.msk $0xffff, v3  }
.Ltmp6:
0x19d: {  	[tilespmem:s0+$0x168B0] =	vst.add.f32.msk $0xffff, v2;
	(pc) =	sbr.rel @p0 .LBB2_7-.Ltmp6, $4  }
0x19e: {  	[tilespmem:s0+$0x168C0] =	vst.add.f32.msk $0xffff, v1  }
0x19f: {  	[tilespmem:s0+$0x168D0] =	vst.add.f32.msk $0xffff, v6  }
0x1a0: {  	[tilespmem:s0+$0x168E0] =	vst.add.f32.msk $0xffff, v4;
	s0 =	sshra.s32 s1, $0x2  }
0x1a1: {  	s1 =	sadd.s32 $0x400, s1;
	v1 =	vld [tilespmem:s0+$0xC8F0]  }
0x1a2: {  	v2 =	vld [tilespmem:s0+$0xE8F0]  }
0x1a3: {  	v3 =	vld [tilespmem:s0+$0xC800]  }
0x1a4: {  	v4 =	vld [tilespmem:s0+$0x108F0]  }
0x1a5: {  	v5 =	vld [tilespmem:s0+$0xE800]  }
0x1a6: {  	v6 =	vld [tilespmem:s0+$0x128F0]  }
0x1a7: {  	v7 =	vld [tilespmem:s0+$0xC810]  }
0x1a8: {  	v8 =	vld [tilespmem:s0+$0xE810]  }
0x1a9: {  	v62 =	vld [tilespmem:s0+$0xC820]  }
0x1aa: {  	v9 =	vld [tilespmem:s0+$0xE820]  }
0x1ab: {  	v63 =	vld [tilespmem:s0+$0xC830]  }
0x1ac: {  	v10 =	vld [tilespmem:s0+$0xE830]  }
0x1ad: {  	v11 =	vld [tilespmem:s0+$0xC850]  }
0x1ae: {  	v12 =	vld [tilespmem:s0+$0xE850]  }
0x1af: {  	v13 =	vld [tilespmem:s0+$0xC860]  }
0x1b0: {  	v14 =	vld [tilespmem:s0+$0xE860]  }
0x1b1: {  	v15 =	vld [tilespmem:s0+$0xC870]  }
0x1b2: {  	v16 =	vld [tilespmem:s0+$0xE870]  }
0x1b3: {  	v17 =	vld [tilespmem:s0+$0xC880]  }
0x1b4: {  	v18 =	vld [tilespmem:s0+$0xE880]  }
0x1b5: {  	v19 =	vld [tilespmem:s0+$0xC890]  }
0x1b6: {  	v20 =	vld [tilespmem:s0+$0xE890]  }
0x1b7: {  	v21 =	vld [tilespmem:s0+$0xC8A0]  }
0x1b8: {  	v22 =	vld [tilespmem:s0+$0xE8A0]  }
0x1b9: {  	v23 =	vld [tilespmem:s0+$0xC8B0]  }
0x1ba: {  	v24 =	vld [tilespmem:s0+$0xE8B0]  }
0x1bb: {  	v25 =	vld [tilespmem:s0+$0xC8C0]  }
0x1bc: {  	v26 =	vld [tilespmem:s0+$0xE8C0]  }
0x1bd: {  	v27 =	vld [tilespmem:s0+$0xC8D0]  }
0x1be: {  	v28 =	vld [tilespmem:s0+$0xE8D0]  }
0x1bf: {  	v29 =	vld [tilespmem:s0+$0xC8E0]  }
0x1c0: {  	v30 =	vld [tilespmem:s0+$0xE8E0]  }
0x1c1: {  	v31 =	vld [tilespmem:s0+$0x10800]  }
0x1c2: {  	v32 =	vld [tilespmem:s0+$0x10810]  }
0x1c3: {  	v33 =	vld [tilespmem:s0+$0x10820]  }
0x1c4: {  	v34 =	vld [tilespmem:s0+$0x10830]  }
0x1c5: {  	v35 =	vld [tilespmem:s0+$0x10840]  }
0x1c6: {  	v36 =	vld [tilespmem:s0+$0x10850]  }
0x1c7: {  	v37 =	vld [tilespmem:s0+$0x10860]  }
0x1c8: {  	v38 =	vld [tilespmem:s0+$0x10870]  }
0x1c9: {  	v39 =	vld [tilespmem:s0+$0x10880]  }
0x1ca: {  	v40 =	vld [tilespmem:s0+$0x10890]  }
0x1cb: {  	v41 =	vld [tilespmem:s0+$0x108A0]  }
0x1cc: {  	v42 =	vld [tilespmem:s0+$0x108B0]  }
0x1cd: {  	v43 =	vld [tilespmem:s0+$0x108C0]  }
0x1ce: {  	v44 =	vld [tilespmem:s0+$0x108D0]  }
0x1cf: {  	v45 =	vld [tilespmem:s0+$0x108E0]  }
0x1d0: {  	v46 =	vld [tilespmem:s0+$0x12800]  }
0x1d1: {  	v47 =	vld [tilespmem:s0+$0x12810]  }
0x1d2: {  	v48 =	vld [tilespmem:s0+$0x12820]  }
0x1d3: {  	v49 =	vld [tilespmem:s0+$0x12830]  }
0x1d4: {  	v50 =	vld [tilespmem:s0+$0x12840]  }
0x1d5: {  	v51 =	vld [tilespmem:s0+$0x12850]  }
0x1d6: {  	v52 =	vld [tilespmem:s0+$0x12860]  }
0x1d7: {  	v53 =	vld [tilespmem:s0+$0x12870]  }
0x1d8: {  	v54 =	vld [tilespmem:s0+$0x12880]  }
0x1d9: {  	v55 =	vld [tilespmem:s0+$0x12890]  }
0x1da: {  	v56 =	vld [tilespmem:s0+$0x128A0]  }
0x1db: {  	v57 =	vld [tilespmem:s0+$0x128B0]  }
0x1dc: {  	v61 =	vld [tilespmem:s0+$0x14830];
	v1 =	vadd.f32 v2, v1  }
0x1dd: {  	v2 =	vld [tilespmem:s0+$0x148F0];
	v3 =	vadd.f32 v5, v3  }
0x1de: {  	v5 =	vadd.f32 v8, v7;
	v7 =	vld [tilespmem:s0+$0x128C0];
	v1 =	vadd.f32 v4, v1  }
0x1df: {  	v8 =	vld [tilespmem:s0+$0x128D0];
	v4 =	vadd.f32 v9, v62  }
0x1e0: {  	v9 =	vld [tilespmem:s0+$0x128E0];
	v1 =	vadd.f32 v6, v1;
	v6 =	vadd.f32 v10, v63  }
0x1e1: {  	v10 =	vadd.f32 v14, v13;
	v13 =	vadd.f32 v18, v17;
	v18 =	vld [tilespmem:s0+$0x14820]  }
0x1e2: {  	v59 =	vadd.f32 v26, v25;
	v63 =	vld [tilespmem:s0+$0x14840]  }
0x1e3: {  	v14 =	vadd.f32 v20, v19;
	v4 =	vadd.f32 v33, v4;
	v33 =	vld [tilespmem:s0+$0x14850]  }
0x1e4: {  	v19 =	vadd.f32 v43, v59;
	v43 =	vld [tilespmem:s0+$0x148A0];
	v1 =	vadd.f32 v2, v1  }
0x1e5: {  	v58 =	vadd.f32 v24, v23;
	v60 =	vadd.f32 v28, v27;
	v2 =	vld [tilespmem:s0+$0xC840]  }
0x1e6: {  	v62 =	vadd.f32 v30, v29;
	v3 =	vadd.f32 v31, v3;
	[tilespmem:s0+$0x168F0] =	vst.add.f32.msk $0xffff, v1  }
0x1e7: {  	v5 =	vadd.f32 v32, v5;
	v17 =	vadd.f32 v42, v58;
	v1 =	vld [tilespmem:s0+$0xE840]  }
0x1e8: {  	v20 =	vadd.f32 v44, v60;
	v3 =	vadd.f32 v46, v3;
	v46 =	vld [tilespmem:s0+$0x148B0]  }
0x1e9: {  	v5 =	vadd.f32 v47, v5;
	v47 =	vld [tilespmem:s0+$0x148C0];
	v6 =	vadd.f32 v34, v6  }
0x1ea: {  	v58 =	vld [tilespmem:s0+$0x148D0];
	v10 =	vadd.f32 v37, v10;
	v13 =	vadd.f32 v39, v13  }
0x1eb: {  	v59 =	vld [tilespmem:s0+$0x148E0];
	v14 =	vadd.f32 v40, v14;
	v4 =	vadd.f32 v48, v4  }
0x1ec: {  	v1 =	vadd.f32 v1, v2;
	v2 =	vadd.f32 v12, v11;
	v12 =	vld [tilespmem:s0+$0x14800]  }
0x1ed: {  	v6 =	vadd.f32 v49, v6;
	v11 =	vadd.f32 v16, v15;
	v15 =	vld [tilespmem:s0+$0x14810]  }
0x1ee: {  	v37 =	vld [tilespmem:s0+$0x14870];
	v4 =	vadd.f32 v18, v4;
	v16 =	vadd.f32 v22, v21  }
0x1ef: {  	v39 =	vld [tilespmem:s0+$0x14880];
	v60 =	vadd.f32 v52, v10;
	v1 =	vadd.f32 v35, v1  }
0x1f0: {  	[tilespmem:s0+$0x16820] =	vst.add.f32.msk $0xffff, v4;
	v2 =	vadd.f32 v36, v2;
	v16 =	vadd.f32 v41, v16  }
0x1f1: {  	v35 =	vld [tilespmem:s0+$0x14860];
	v1 =	vadd.f32 v50, v1;
	v3 =	vadd.f32 v12, v3  }
0x1f2: {  	v41 =	vld [tilespmem:s0+$0x14890];
	v2 =	vadd.f32 v51, v2;
	v5 =	vadd.f32 v15, v5  }
0x1f3: {  	v11 =	vadd.f32 v38, v11;
	v1 =	vadd.f32 v63, v1;
	[tilespmem:s0+$0x16800] =	vst.add.f32.msk $0xffff, v3  }
0x1f4: {  	v22 =	vadd.f32 v45, v62;
	v2 =	vadd.f32 v33, v2;
	[tilespmem:s0+$0x16810] =	vst.add.f32.msk $0xffff, v5  }
0x1f5: {  	v3 =	vadd.f32 v61, v6;
	v61 =	vadd.f32 v53, v11;
	[tilespmem:s0+$0x16840] =	vst.add.f32.msk $0xffff, v1  }
0x1f6: {  	v62 =	vadd.f32 v57, v17;
	v5 =	vadd.f32 v35, v60;
	[tilespmem:s0+$0x16850] =	vst.add.f32.msk $0xffff, v2  }
0x1f7: {  	v1 =	vadd.f32 v55, v14;
	[tilespmem:s0+$0x16830] =	vst.add.f32.msk $0xffff, v3;
	v4 =	vadd.f32 v37, v61  }
0x1f8: {  	v3 =	vadd.f32 v54, v13;
	[tilespmem:s0+$0x16860] =	vst.add.f32.msk $0xffff, v5;
	v5 =	vadd.f32 v46, v62  }
0x1f9: {  	v2 =	vadd.f32 v56, v16;
	v1 =	vadd.f32 v41, v1;
	[tilespmem:s0+$0x16870] =	vst.add.f32.msk $0xffff, v4  }
0x1fa: {  	v63 =	vadd.f32 v7, v19;
	v3 =	vadd.f32 v39, v3;
	[tilespmem:s0+$0x168B0] =	vst.add.f32.msk $0xffff, v5  }
0x1fb: {  	p0 =	seq.s32 s31, $0x0;
	v2 =	vadd.f32 v43, v2;
	[tilespmem:s0+$0x16890] =	vst.add.f32.msk $0xffff, v1;
	v1 =	vadd.f32 v9, v22  }
.Ltmp7:
0x1fc: {  	v4 =	vadd.f32 v47, v63;
	[tilespmem:s0+$0x16880] =	vst.add.f32.msk $0xffff, v3;
	v3 =	vadd.f32 v8, v20;
	(pc) =	sbr.rel @p0 .LBB2_12-.Ltmp7, $4  }
0x1fd: {  	[tilespmem:s0+$0x168A0] =	vst.add.f32.msk $0xffff, v2;
	v1 =	vadd.f32 v59, v1  }
0x1fe: {  	[tilespmem:s0+$0x168C0] =	vst.add.f32.msk $0xffff, v4;
	v2 =	vadd.f32 v58, v3  }
0x1ff: {  	[tilespmem:s0+$0x168E0] =	vst.add.f32.msk $0xffff, v1  }
0x200: {  	[tilespmem:s0+$0x168D0] =	vst.add.f32.msk $0xffff, v2  }
0x201: {  	s0 =	sshll.u32 s30, $0x9  }
0x202: {  	s0 =	sand.u32 $0xC00, s0  }
0x203: {  	s1 =	simm.s32 $0x0;
	s0 =	sadd.s32 s0, s6  }
0x204: {  	[hbm4b:s0+s1] =	stream.linear.scatter [tilespmem:s28], [sflag:$0x3], $0x2000, $0x38;
	[tilespmem:$0x18800] =	vst v63  }
0x205: {  	_ =	swait.ge [sflag:s8], $0x2000  }
0x206: {  	[sflag:s8] =	ssyncset.done $0x0  }
0x207: {  	s0 =	simm.s32 $0x0;
	s1 =	simm.s32 $0x400;
	[sflag:s8] =	ssyncadd.s32 $0xFFFFE000  }
.LBB2_10:
0x208: {  	p0 =	sne.s32 s1, $0x7C00;
	[tilespmem:s0+$0x168F0] =	vst v0  }
0x209: {  	[tilespmem:s0+$0x16800] =	vst v0  }
0x20a: {  	[tilespmem:s0+$0x16810] =	vst v0  }
0x20b: {  	[tilespmem:s0+$0x16820] =	vst v0  }
0x20c: {  	[tilespmem:s0+$0x16830] =	vst v0  }
0x20d: {  	[tilespmem:s0+$0x16840] =	vst v0  }
0x20e: {  	[tilespmem:s0+$0x16850] =	vst v0  }
0x20f: {  	[tilespmem:s0+$0x16860] =	vst v0  }
0x210: {  	[tilespmem:s0+$0x16870] =	vst v0  }
0x211: {  	[tilespmem:s0+$0x16880] =	vst v0  }
0x212: {  	[tilespmem:s0+$0x16890] =	vst v0  }
.Ltmp8:
0x213: {  	[tilespmem:s0+$0x168A0] =	vst v0;
	(pc) =	sbr.rel @p0 .LBB2_10-.Ltmp8, $4  }
0x214: {  	[tilespmem:s0+$0x168B0] =	vst v0  }
0x215: {  	[tilespmem:s0+$0x168C0] =	vst v0  }
0x216: {  	[tilespmem:s0+$0x168D0] =	vst v0  }
0x217: {  	[tilespmem:s0+$0x168E0] =	vst v0;
	s0 =	sshra.s32 s1, $0x2;
	s1 =	sadd.s32 $0x400, s1  }
0x218: {  	[tilespmem:s0+$0x168F0] =	vst v0  }
0x219: {  	[tilespmem:s0+$0x16800] =	vst v0  }
0x21a: {  	[tilespmem:s0+$0x16810] =	vst v0  }
0x21b: {  	[tilespmem:s0+$0x16820] =	vst v0  }
0x21c: {  	[tilespmem:s0+$0x16830] =	vst v0  }
0x21d: {  	[tilespmem:s0+$0x16840] =	vst v0  }
0x21e: {  	[tilespmem:s0+$0x16850] =	vst v0  }
0x21f: {  	[tilespmem:s0+$0x16860] =	vst v0  }
0x220: {  	[tilespmem:s0+$0x16870] =	vst v0  }
0x221: {  	[tilespmem:s0+$0x16880] =	vst v0  }
0x222: {  	[tilespmem:s0+$0x16890] =	vst v0  }
.Ltmp9:
0x223: {  	[tilespmem:s0+$0x168A0] =	vst v0;
	(pc) =	sbr.rel .LBB2_12-.Ltmp9, $4  }
0x224: {  	[tilespmem:s0+$0x168B0] =	vst v0  }
0x225: {  	[tilespmem:s0+$0x168C0] =	vst v0  }
0x226: {  	[tilespmem:s0+$0x168D0] =	vst v0  }
0x227: {  	[tilespmem:s0+$0x168E0] =	vst v0  }
.LBB2_14:
0x228: {  	_ =	sfence.sel $0x180000  }
0x229: {  	[bflag:$0x0] =	sbarrier.arrive $0xFFFF  }
0x22a: {  	_ =	strace $0x90000047  }
0x22b: {  	s0 =	stileid.u32;
	[bflag:$0x2] =	sbarrier.arrive $0xFFFF  }
0x22c: {  	p0 =	sne.s32 s0, $0x0;
	s0 =	rddreg [dreg:$0x3]  }
0x22d: {  	s0 =	sadd.s32 @!p0 $0x100000, s0  }
0x22e: {  	[sflag:s0] =	ssyncadd.tile.s32 @!p0 $0x1;
	_ =	shalt  }
.Lfunc_end2:
_tile_overlayer_lowered:
.L_overlay_start_2:
0x22f: {  	(tag) =	ssettag $0x2  }
0x230: {  	s0 =	rddreg [dreg:$0x0];
	s2 =	stileid.u32  }
0x231: {  	s1 =	rddreg [dreg:$0x1];
	p0 =	sne.s32 s2, $0x0  }
0x232: {  	s3 =	rddreg [dreg:$0x2];
	[bflag:$0x3] =	sbarrier.arrive $0xFFFF;
	s2 =	simm.s32 @!p0 $0x1C03  }
0x233: {  	[timem:s3], [sflag:s2] =	dma.local @!p0 [hbm:s0], s1  }
0x234: {  	s0 =	simm.s32 @!p0 $0x3  }
0x235: {  	_ =	swait.ge @!p0 [sflag:s0], s1  }
0x236: {  	s1 =	ssub.s32 @!p0 $0x0, s1;
	[sflag:s0] =	ssyncset.done @!p0 $0x0  }
0x237: {  	[sflag:s0] =	ssyncadd.s32 @!p0 s1  }
0x238: {  	[bflag:$0x3] =	sbarrier.arrive $0xFFFF  }
0x239: {  	_ =	shalt  }

</sc_bundles>
